<compile_context>
chip_gen: v7x
topology: tpu7x:2x2x1
jax: 0.10.2.dev20260603
libtpu: 0.0.44.dev20260713+nightly
codegen_flags: <defaults>
</compile_context>

<pallas_src>
import functools
import math

import jax
import jax.numpy as jnp
import numpy as np
from jax import lax
from jax.experimental import pallas as pl
from jax.experimental.pallas import tpu as pltpu
from jax.experimental.pallas import tpu_sc as plsc

N = 10000
E = 320000
DIM = 128
H = 8
D_HEAD = DIM // H
M = 10000
INV_SQRT = 1.0 / math.sqrt(DIM)

NC, NS = 2, 16
NW = NC * NS
E_PER_W = E // NW
CH = 80
NCH = E_PER_W // CH
ROWS_PER_TILE = 632
M_PAD = NS * ROWS_PER_TILE
E_PER_TILE = E // NS
HW = DIM // 2


def _proj_body(q_ref, k_ref, wq_ref, bq_ref, wk_ref, bk_ref, wv_ref, bv_ref,
               qp_ref, kp_ref, vp_ref):
    dn = (((1,), (1,)), ((), ()))
    q = q_ref[...]
    k = k_ref[...]
    qp_ref[...] = lax.dot_general(q, wq_ref[...], dn,
                                  preferred_element_type=jnp.float32) + bq_ref[...]
    kp_ref[...] = lax.dot_general(k, wk_ref[...], dn,
                                  preferred_element_type=jnp.float32) + bk_ref[...]
    vp_ref[...] = lax.dot_general(k, wv_ref[...], dn,
                                  preferred_element_type=jnp.float32) + bv_ref[...]


def _edge_body(qi_ref, kj_ref, vj_ref, hmask_ref, sel_ref,
               ta_ref, t1_ref):
    prod = qi_ref[...] * kj_ref[...]
    dots = lax.dot_general(prod, hmask_ref[...], (((1,), (0,)), ((), ())),
                           preferred_element_type=jnp.float32)
    ex = jnp.exp(dots * INV_SQRT)
    t = ex * vj_ref[...]
    e16 = lax.dot_general(ex, sel_ref[...], (((1,), (0,)), ((), ())),
                          preferred_element_type=jnp.float32)
    ta_ref[...] = jnp.concatenate([t[:, :HW], e16], axis=1)
    t1_ref[...] = t[:, HW:]


def _final_body(sd_ref, sp1_ref, qhe_ref, pm_ref, expand_ref,
                wo_ref, bo_ref, o_ref):
    sd = sd_ref[...]
    s = jnp.concatenate([sd[:, :HW], sp1_ref[...]], axis=1)
    d16 = sd[:, HW:]
    d128 = lax.dot_general(d16, expand_ref[...], (((1,), (0,)), ((), ())),
                           preferred_element_type=jnp.float32)
    safe = jnp.where(d128 > 0.0, d128, 1.0)
    qkv = jnp.where(d128 > 0.0, s / safe, 0.0)
    x = qhe_ref[...] + qkv
    o_pre = lax.dot_general(x, pm_ref[...], (((1,), (0,)), ((), ())),
                            preferred_element_type=jnp.float32)
    lin = lax.dot_general(o_pre, wo_ref[...], (((1,), (1,)), ((), ())),
                          preferred_element_type=jnp.float32) + bo_ref[...]
    o_ref[...] = o_pre + jnp.maximum(lin, 0.0)


def _extract_col(ext_v, idx_v, col):
    lanes = lax.iota(jnp.int32, 16)
    for k in range(CH // 16):
        vals = plsc.load_gather(ext_v, [(lanes + 16 * k) * 4 + col])
        idx_v[pl.ds(16 * k, 16)] = vals


def _sc_gather(qp_hbm, kp_hbm, vp_hbm, ext_hbm, he_hbm,
               qi_out, kj_out, vj_out, qhe_out,
               ext0_v, ext1_v, iq0_v, iq1_v, ik0_v, ik1_v,
               rq0_v, rq1_v, rk0_v, rk1_v, rv0_v, rv1_v,
               semE0, semE1, semW0, semW1, sem):
    c = lax.axis_index("c")
    s = lax.axis_index("s")
    wid = s * NC + c
    base0 = wid * E_PER_W

    ext_v = (ext0_v, ext1_v)
    iq_v = (iq0_v, iq1_v)
    ik_v = (ik0_v, ik1_v)
    rq_v = (rq0_v, rq1_v)
    rk_v = (rk0_v, rk1_v)
    rv_v = (rv0_v, rv1_v)
    semE = (semE0, semE1)
    semW = (semW0, semW1)

    def start_ext(i, b):
        base = pl.multiple_of(base0 + i * CH, 8)
        pltpu.async_copy(ext_hbm.at[pl.ds(base * 4, CH * 4)], ext_v[b],
                         semE[b])

    def wait_writebacks(i2, b):
        base = pl.multiple_of(base0 + i2 * CH, 8)
        pltpu.make_async_copy(rq_v[b], qi_out.at[pl.ds(base, CH)],
                              semW[b]).wait()
        pltpu.make_async_copy(rk_v[b], kj_out.at[pl.ds(base, CH)],
                              semW[b]).wait()
        pltpu.make_async_copy(rv_v[b], vj_out.at[pl.ds(base, CH)],
                              semW[b]).wait()

    def proc(i, b, g):
        base = pl.multiple_of(base0 + i * CH, 8)
        pltpu.make_async_copy(ext_hbm.at[pl.ds(base * 4, CH * 4)], ext_v[b],
                              semE[b]).wait()
        _extract_col(ext_v[b], iq_v[b], 0)
        _extract_col(ext_v[b], ik_v[b], 1)

        @pl.when(g > 0)
        def _():
            wait_writebacks(i - 2, b)

        hq = pltpu.async_copy(qp_hbm.at[iq_v[b]], rq_v[b], sem)
        hk = pltpu.async_copy(kp_hbm.at[ik_v[b]], rk_v[b], sem)
        hv = pltpu.async_copy(vp_hbm.at[ik_v[b]], rv_v[b], sem)
        hq.wait()
        hk.wait()
        hv.wait()
        pltpu.async_copy(rq_v[b], qi_out.at[pl.ds(base, CH)], semW[b])
        pltpu.async_copy(rk_v[b], kj_out.at[pl.ds(base, CH)], semW[b])
        pltpu.async_copy(rv_v[b], vj_out.at[pl.ds(base, CH)], semW[b])

    start_ext(0, 0)

    def outer(g, carry):
        i = g * 2
        start_ext(i + 1, 1)
        proc(i, 0, g)

        @pl.when(g < NCH // 2 - 1)
        def _():
            start_ext(i + 2, 0)

        proc(i + 1, 1, g)
        return carry

    lax.fori_loop(0, NCH // 2, outer, 0)
    if NCH % 2:
        start_ext(NCH - 1, 0)
        proc(NCH - 1, 0, 1)
        wait_writebacks(NCH - 2, 1)
        wait_writebacks(NCH - 1, 0)
    else:
        wait_writebacks(NCH - 2, 0)
        wait_writebacks(NCH - 1, 1)

    @pl.when(wid < 25)
    def _():
        def hchunk(i, carry):
            base = pl.multiple_of(wid * 400 + i * CH, 8)
            pltpu.sync_copy(he_hbm.at[pl.ds(base, CH)], iq0_v)
            pltpu.async_copy(qp_hbm.at[iq0_v], rq0_v, sem).wait()
            pltpu.sync_copy(rq0_v, qhe_out.at[pl.ds(base, CH)])
            return carry
        lax.fori_loop(0, 400 // CH, hchunk, 0)


def _make_scatter(width):
    def body(t_hbm, ext_hbm, z_hbm, s_out,
             ext0_v, ext1_v, idx_v, t0_v, t1_v, zb_v, s_sh,
             semE0, semE1, semT0, semT1, sem):
        s = lax.axis_index("s")
        pltpu.sync_copy(z_hbm, zb_v)
        row0 = s * ROWS_PER_TILE
        pltpu.sync_copy(zb_v, s_sh.at[pl.ds(row0, ROWS_PER_TILE)])
        plsc.subcore_barrier()

        base0 = s * E_PER_TILE
        ext_v = (ext0_v, ext1_v)
        t_v = (t0_v, t1_v)
        semE = (semE0, semE1)
        semT = (semT0, semT1)
        nch = E_PER_TILE // CH

        def start(i, b):
            base = pl.multiple_of(base0 + i * CH, 8)
            pltpu.async_copy(ext_hbm.at[pl.ds(base * 4, CH * 4)], ext_v[b],
                             semE[b])
            pltpu.async_copy(t_hbm.at[pl.ds(base, CH)], t_v[b], semT[b])

        def finish(i, b):
            base = pl.multiple_of(base0 + i * CH, 8)
            pltpu.make_async_copy(ext_hbm.at[pl.ds(base * 4, CH * 4)],
                                  ext_v[b], semE[b]).wait()
            pltpu.make_async_copy(t_hbm.at[pl.ds(base, CH)], t_v[b],
                                  semT[b]).wait()
            _extract_col(ext_v[b], idx_v, 3)
            pltpu.sync_copy(t_v[b], s_sh.at[idx_v], add=True)

        start(0, 0)

        def outer(g, carry):
            i = g * 2
            start(i + 1, 1)
            finish(i, 0)

            @pl.when(g < nch // 2 - 1)
            def _():
                start(i + 2, 0)

            finish(i + 1, 1)
            return carry

        lax.fori_loop(0, nch // 2, outer, 0)
        plsc.subcore_barrier()

        pltpu.sync_copy(s_sh.at[pl.ds(row0, ROWS_PER_TILE)], zb_v)
        pltpu.sync_copy(zb_v, s_out.at[pl.ds(row0, ROWS_PER_TILE)])

    return body


def kernel(Q, K, hyperedge_index_0, extended_index, Wq, bq, Wk, bk, Wv, bv, Wo, bo):
    f32 = jnp.float32

    RB = 400
    bq2 = bq.reshape(1, DIM)
    bk2 = bk.reshape(1, DIM)
    bv2 = bv.reshape(1, DIM)
    row_spec = pl.BlockSpec((RB, DIM), lambda i: (i, 0))
    w_spec = pl.BlockSpec((DIM, DIM), lambda i: (0, 0))
    b_spec = pl.BlockSpec((1, DIM), lambda i: (0, 0))
    qp, kp, vp = pl.pallas_call(
        _proj_body,
        grid=(N // RB,),
        in_specs=[row_spec, row_spec, w_spec, b_spec, w_spec, b_spec, w_spec, b_spec],
        out_specs=[row_spec, row_spec, row_spec],
        out_shape=[jax.ShapeDtypeStruct((N, DIM), f32)] * 3,
    )(Q, K, Wq, bq2, Wk, bk2, Wv, bv2)

    ext_flat = extended_index.astype(jnp.int32).reshape(-1)
    he = hyperedge_index_0.astype(jnp.int32)

    mesh = plsc.VectorSubcoreMesh(core_axis_name="c", subcore_axis_name="s")
    gather_k = functools.partial(
        pl.kernel, mesh=mesh,
        compiler_params=pltpu.CompilerParams(needs_layout_passes=False),
        out_type=[jax.ShapeDtypeStruct((E, DIM), f32)] * 3
        + [jax.ShapeDtypeStruct((M, DIM), f32)],
        scratch_types=[
            pltpu.VMEM((CH * 4,), jnp.int32),
            pltpu.VMEM((CH * 4,), jnp.int32),
            pltpu.VMEM((CH,), jnp.int32),
            pltpu.VMEM((CH,), jnp.int32),
            pltpu.VMEM((CH,), jnp.int32),
            pltpu.VMEM((CH,), jnp.int32),
            pltpu.VMEM((CH, DIM), f32),
            pltpu.VMEM((CH, DIM), f32),
            pltpu.VMEM((CH, DIM), f32),
            pltpu.VMEM((CH, DIM), f32),
            pltpu.VMEM((CH, DIM), f32),
            pltpu.VMEM((CH, DIM), f32),
            pltpu.SemaphoreType.DMA,
            pltpu.SemaphoreType.DMA,
            pltpu.SemaphoreType.DMA,
            pltpu.SemaphoreType.DMA,
            pltpu.SemaphoreType.DMA,
        ],
    )(_sc_gather)
    qi, kj, vj, qhe = gather_k(qp, kp, vp, ext_flat, he)

    hmask = jnp.asarray(np.kron(np.eye(H, dtype=np.float32),
                                np.ones((D_HEAD, D_HEAD), np.float32)))
    sel = jnp.asarray(np.array([[1.0 if (j < H and c == D_HEAD * j) else 0.0
                                 for j in range(16)] for c in range(DIM)],
                               np.float32))
    EB = 2000
    e_row = pl.BlockSpec((EB, DIM), lambda i: (i, 0))
    ta, t1 = pl.pallas_call(
        _edge_body,
        grid=(E // EB,),
        in_specs=[e_row, e_row, e_row,
                  pl.BlockSpec((DIM, DIM), lambda i: (0, 0)),
                  pl.BlockSpec((DIM, 16), lambda i: (0, 0))],
        out_specs=[pl.BlockSpec((EB, HW + 16), lambda i: (i, 0)),
                   pl.BlockSpec((EB, HW), lambda i: (i, 0))],
        out_shape=[jax.ShapeDtypeStruct((E, HW + 16), f32),
                   jax.ShapeDtypeStruct((E, HW), f32)],
    )(qi, kj, vj, hmask, sel)

    WA = HW + 16
    z80 = jnp.zeros((ROWS_PER_TILE, WA), f32)
    z64 = jnp.zeros((ROWS_PER_TILE, HW), f32)
    mesh1 = plsc.VectorSubcoreMesh(core_axis_name="c", subcore_axis_name="s",
                                   num_cores=1)
    cpar = pltpu.CompilerParams(use_tc_tiling_on_sc=False,
                                needs_layout_passes=False)

    def make_scatter_call(width):
        return functools.partial(
            pl.kernel, mesh=mesh1, compiler_params=cpar,
            out_type=jax.ShapeDtypeStruct((M_PAD, width), f32),
            scratch_types=[
                pltpu.VMEM((CH * 4,), jnp.int32),
                pltpu.VMEM((CH * 4,), jnp.int32),
                pltpu.VMEM((CH,), jnp.int32),
                pltpu.VMEM((CH, width), f32),
                pltpu.VMEM((CH, width), f32),
                pltpu.VMEM((ROWS_PER_TILE, width), f32),
                pltpu.VMEM_SHARED((M_PAD, width), f32),
                pltpu.SemaphoreType.DMA,
                pltpu.SemaphoreType.DMA,
                pltpu.SemaphoreType.DMA,
                pltpu.SemaphoreType.DMA,
                pltpu.SemaphoreType.DMA,
            ],
        )(_make_scatter(width))

    sd_flat = make_scatter_call(WA)(ta, ext_flat, z80)
    s1_flat = make_scatter_call(HW)(t1, ext_flat, z64)

    perm = np.zeros((DIM, DIM), np.float32)
    for h in range(H):
        for dd in range(D_HEAD):
            perm[h * D_HEAD + dd, dd * H + h] = 1.0
    pm = jnp.asarray(perm)
    expand = jnp.asarray(np.array(
        [[1.0 if (j < H and c // D_HEAD == j) else 0.0 for c in range(DIM)]
         for j in range(16)], np.float32))
    bo2 = bo.reshape(1, DIM)
    MB = 1000
    m_row = pl.BlockSpec((MB, DIM), lambda i: (i, 0))
    out = pl.pallas_call(
        _final_body,
        grid=(M // MB,),
        in_specs=[pl.BlockSpec((MB, HW + 16), lambda i: (i, 0)),
                  pl.BlockSpec((MB, HW), lambda i: (i, 0)),
                  m_row,
                  pl.BlockSpec((DIM, DIM), lambda i: (0, 0)),
                  pl.BlockSpec((16, DIM), lambda i: (0, 0)),
                  pl.BlockSpec((DIM, DIM), lambda i: (0, 0)),
                  pl.BlockSpec((1, DIM), lambda i: (0, 0))],
        out_specs=m_row,
        out_shape=jax.ShapeDtypeStruct((M, DIM), f32),
    )(sd_flat, s1_flat, qhe, pm, expand, Wo, bo2)

    return out

# --- scband reference (transcript-rebuilt; emitter-appended) ---
"""Pipeline reference for scband-mab-78030965834376 (READ-ONLY COPY).

The authoritative reference and input builder live on the scoring server;
editing this copy changes nothing except your own understanding.
"""

import jax, jax.numpy as jnp
import numpy as np
import math

N_Q = 10000
N_K = 10000
E = 320000
DIM = 128
H = 8
M = 10000


def setup_inputs(seed: int = 0) -> dict:
    key = jax.random.key(seed)
    ks = jax.random.split(key, 12)
    Q = jax.random.normal(ks[0], (N_Q, DIM), dtype=jnp.float32)
    K = jax.random.normal(ks[1], (N_K, DIM), dtype=jnp.float32)
    hyperedge_index_0 = jax.random.randint(ks[2], (M,), 0, N_Q)
    extended_index = jax.random.randint(ks[3], (E, 4), 0, N_K)
    s = 1.0 / math.sqrt(DIM)
    Wq = jax.random.normal(ks[4], (DIM, DIM), dtype=jnp.float32) * s
    bq = jnp.zeros((DIM,), dtype=jnp.float32)
    Wk = jax.random.normal(ks[5], (DIM, DIM), dtype=jnp.float32) * s
    bk = jnp.zeros((DIM,), dtype=jnp.float32)
    Wv = jax.random.normal(ks[6], (DIM, DIM), dtype=jnp.float32) * s
    bv = jnp.zeros((DIM,), dtype=jnp.float32)
    Wo = jax.random.normal(ks[7], (DIM, DIM), dtype=jnp.float32) * s
    bo = jnp.zeros((DIM,), dtype=jnp.float32)
    return {"Q": Q, "K": K, "hyperedge_index_0": hyperedge_index_0,
            "extended_index": extended_index,
            "Wq": Wq, "bq": bq, "Wk": Wk, "bk": bk,
            "Wv": Wv, "bv": bv, "Wo": Wo, "bo": bo}


def _mab_forward(Q, K, Wq, bq, Wk, bk, Wv, bv, Wo, bo, hyperedge_index_0, extended_index):
    m = hyperedge_index_0.shape[0]
    LE = extended_index[:, 3]
    Qp = Q @ Wq.T + bq
    Kp = K @ Wk.T + bk
    Vp = K @ Wv.T + bv
    d = DIM // H
    # torch: stack(split(dim_split, 1), 0) -> [H, N, d]
    Q_ = Qp.reshape(-1, H, d).transpose(1, 0, 2)
    K_ = Kp.reshape(-1, H, d).transpose(1, 0, 2)
    V_ = Vp.reshape(-1, H, d).transpose(1, 0, 2)
    Qi = jnp.take(Q_, extended_index[:, 0], axis=1)  # [H, E, d]
    Kj = jnp.take(K_, extended_index[:, 1], axis=1)  # [H, E, d]
    Vj = jnp.take(V_, extended_index[:, 1], axis=1)  # [H, E, d]
    A = (Qi * Kj).sum(-1) / math.sqrt(DIM)  # [H, E]
    At = A.T  # [E, H]
    seg_max = jax.ops.segment_max(At, LE, num_segments=m)  # [M, H]
    seg_max = jnp.where(jnp.isfinite(seg_max), seg_max, 0.0)
    ex = jnp.exp(At - seg_max[LE])
    denom = jax.ops.segment_sum(ex, LE, num_segments=m)
    alpha = ex / denom[LE]  # [E, H]
    Vt = Vj.transpose(1, 0, 2)  # [E, H, d]
    QKV = jax.ops.segment_sum(alpha[:, :, None] * Vt, LE, num_segments=m)  # [M, H, d]
    QKV = QKV.transpose(1, 0, 2)  # [H, M, d]
    Qi2 = jnp.take(Q_, hyperedge_index_0, axis=1)  # [H, M, d]
    O = Qi2 + QKV  # [H, M, d]
    O = jnp.transpose(O, (1, 2, 0)).reshape(m, -1)  # [M, d*H] = [M, dim_V]
    O = O + jax.nn.relu(O @ Wo.T + bo)
    return O


def reference(Q, K, hyperedge_index_0, extended_index, Wq, bq, Wk, bk, Wv, bv, Wo, bo):
    return _mab_forward(Q, K, Wq, bq, Wk, bk, Wv, bv, Wo, bo,
                        hyperedge_index_0, extended_index)

if __name__ == "__main__":
    import jax
    _d = setup_inputs()
    print(jax.jit(kernel)(*tuple(_d.values())))

</pallas_src>

<mosaic_0001>
#map = affine_map<(d0, d1) -> (0, 0)>
#map1 = affine_map<(d0, d1) -> (0)>
module attributes {stable_mosaic.version = 14 : i64} {
  func.func @_sc_gather(%arg0: i32, %arg1: i32, %arg2: memref<10000x128xf32, #tpu.memory_space<hbm>>, %arg3: memref<10000x128xf32, #tpu.memory_space<hbm>>, %arg4: memref<10000x128xf32, #tpu.memory_space<hbm>>, %arg5: memref<1280000xi32, #tpu.memory_space<hbm>>, %arg6: memref<10000xi32, #tpu.memory_space<hbm>>, %arg7: memref<320000x128xf32, #tpu.memory_space<hbm>>, %arg8: memref<320000x128xf32, #tpu.memory_space<hbm>>, %arg9: memref<320000x128xf32, #tpu.memory_space<hbm>>, %arg10: memref<10000x128xf32, #tpu.memory_space<hbm>>, %arg11: memref<320xi32, #tpu.memory_space<vmem>>, %arg12: memref<320xi32, #tpu.memory_space<vmem>>, %arg13: memref<80xi32, #tpu.memory_space<vmem>>, %arg14: memref<80xi32, #tpu.memory_space<vmem>>, %arg15: memref<80xi32, #tpu.memory_space<vmem>>, %arg16: memref<80xi32, #tpu.memory_space<vmem>>, %arg17: memref<80x128xf32, #tpu.memory_space<vmem>>, %arg18: memref<80x128xf32, #tpu.memory_space<vmem>>, %arg19: memref<80x128xf32, #tpu.memory_space<vmem>>, %arg20: memref<80x128xf32, #tpu.memory_space<vmem>>, %arg21: memref<80x128xf32, #tpu.memory_space<vmem>>, %arg22: memref<80x128xf32, #tpu.memory_space<vmem>>, %arg23: memref<!tpu.dma_semaphore, #tpu.memory_space<semaphore_mem>>, %arg24: memref<!tpu.dma_semaphore, #tpu.memory_space<semaphore_mem>>, %arg25: memref<!tpu.dma_semaphore, #tpu.memory_space<semaphore_mem>>, %arg26: memref<!tpu.dma_semaphore, #tpu.memory_space<semaphore_mem>>, %arg27: memref<!tpu.dma_semaphore, #tpu.memory_space<semaphore_mem>>) attributes {dimension_semantics = [#tpu.dimension_semantics<core_parallel>, #tpu.dimension_semantics<subcore_parallel>], iteration_bounds = array<i64: 2, 16>, scalar_prefetch = 0 : i64, scratch_operands = 17 : i64, tpu.core_type = #tpu.core_type<sc_vector_subcore>, window_params = [{transform_indices = #map}, {transform_indices = #map}, {transform_indices = #map}, {transform_indices = #map1}, {transform_indices = #map1}, {transform_indices = #map}, {transform_indices = #map}, {transform_indices = #map}, {transform_indices = #map}]} {
    %mul3A = arith.constant 2 : i32
    %mul3A_0 = arith.muli %arg1, %mul3A : i32
    %add3A = arith.addi %mul3A_0, %arg0 : i32
    %mul3A_1 = arith.constant 10000 : i32
    %mul3A_2 = arith.muli %add3A, %mul3A_1 : i32
    %add3A_3 = arith.constant 0 : i32
    %add3A_4 = arith.addi %mul3A_2, %add3A_3 : i32
    %multiple_of3A = tpu.assume_multiple %add3A_4, 8 : i32
    %mul3A_5 = arith.constant 4 : i32
    %mul3A_6 = arith.muli %multiple_of3A, %mul3A_5 : i32
    %dma_start3A = tpu.memref_slice %arg5[%mul3A_6] : memref<1280000xi32, #tpu.memory_space<hbm>> -> memref<320xi32, #tpu.memory_space<hbm>>
    %dma_start3A_7 = tpu.memref_slice %arg5[%mul3A_6] : memref<1280000xi32, #tpu.memory_space<hbm>> -> memref<320xi32, #tpu.memory_space<hbm>>
    tpu.enqueue_dma source(%dma_start3A_7 : memref<320xi32, #tpu.memory_space<hbm>>) target(%arg11 : memref<320xi32, #tpu.memory_space<vmem>>) target_semaphore(%arg23 : memref<!tpu.dma_semaphore, #tpu.memory_space<semaphore_mem>>)
    %scan3A = arith.constant 0 : i32
    %scan3A_8 = arith.constant 0 : i32
    %scan3A_9 = arith.constant 62 : i32
    %scan3A_10 = arith.addi %scan3A_8, %scan3A_9 : i32
    %scan3A_11 = arith.constant 1 : i32
    scf.for %scan3A_222 = %scan3A_8 to %scan3A_10 step %scan3A_11  : i32 {
      %mul3A_223 = arith.constant 2 : i32
      %mul3A_224 = arith.muli %scan3A_222, %mul3A_223 : i32
      %add3A_225 = arith.constant 1 : i32
      %add3A_226 = arith.addi %mul3A_224, %add3A_225 : i32
      %mul3A_227 = arith.constant 80 : i32
      %mul3A_228 = arith.muli %add3A_226, %mul3A_227 : i32
      %add3A_229 = arith.addi %mul3A_2, %mul3A_228 : i32
      %multiple_of3A_230 = tpu.assume_multiple %add3A_229, 8 : i32
      %mul3A_231 = arith.constant 4 : i32
      %mul3A_232 = arith.muli %multiple_of3A_230, %mul3A_231 : i32
      %dma_start3A_233 = tpu.memref_slice %arg5[%mul3A_232] : memref<1280000xi32, #tpu.memory_space<hbm>> -> memref<320xi32, #tpu.memory_space<hbm>>
      %dma_start3A_234 = tpu.memref_slice %arg5[%mul3A_232] : memref<1280000xi32, #tpu.memory_space<hbm>> -> memref<320xi32, #tpu.memory_space<hbm>>
      tpu.enqueue_dma source(%dma_start3A_234 : memref<320xi32, #tpu.memory_space<hbm>>) target(%arg12 : memref<320xi32, #tpu.memory_space<vmem>>) target_semaphore(%arg24 : memref<!tpu.dma_semaphore, #tpu.memory_space<semaphore_mem>>)
      %mul3A_235 = arith.constant 80 : i32
      %mul3A_236 = arith.muli %mul3A_224, %mul3A_235 : i32
      %add3A_237 = arith.addi %mul3A_2, %mul3A_236 : i32
      %multiple_of3A_238 = tpu.assume_multiple %add3A_237, 8 : i32
      %mul3A_239 = arith.constant 4 : i32
      %mul3A_240 = arith.muli %multiple_of3A_238, %mul3A_239 : i32
      %dma_wait3A_241 = tpu.memref_slice %arg5[%mul3A_240] : memref<1280000xi32, #tpu.memory_space<hbm>> -> memref<320xi32, #tpu.memory_space<hbm>>
      %dma_wait3A_242 = tpu.memref_slice %arg5[%mul3A_240] : memref<1280000xi32, #tpu.memory_space<hbm>> -> memref<320xi32, #tpu.memory_space<hbm>>
      tpu.wait_dma2 semaphore(%arg23 : memref<!tpu.dma_semaphore, #tpu.memory_space<semaphore_mem>>) src(%dma_wait3A_242 : memref<320xi32, #tpu.memory_space<hbm>>) dst(%arg11 : memref<320xi32, #tpu.memory_space<vmem>>)
      %iota3A_243 = tpu.iota {dimensions = array<i32: 0>} : vector<16xi32>
      %add3A_244 = arith.constant 0 : i32
      %add3A_245 = vector.broadcast %add3A_244 : i32 to vector<16xi32>
      %add3A_246 = arith.addi %iota3A_243, %add3A_245 : vector<16xi32>
      %mul3A_247 = arith.constant 4 : i32
      %mul3A_248 = vector.broadcast %mul3A_247 : i32 to vector<16xi32>
      %mul3A_249 = arith.muli %add3A_246, %mul3A_248 : vector<16xi32>
      %add3A_250 = arith.constant 0 : i32
      %add3A_251 = vector.broadcast %add3A_250 : i32 to vector<16xi32>
      %add3A_252 = arith.addi %mul3A_249, %add3A_251 : vector<16xi32>
      %gather3A_253 = tpu.vector_load_idx %arg11[%add3A_252] : memref<320xi32, #tpu.memory_space<vmem>>[vector<16xi32>], vector<16xi32>,
      %swap3A_254 = arith.constant 0 : index
      %swap3A_255 = tpu.vector_load %arg13[%swap3A_254] {strides = array<i32>} : memref<80xi32, #tpu.memory_space<vmem>>, vector<16xi32>,
      tpu.vector_store %arg13[%swap3A_254], %gather3A_253 {strides = array<i32>} : memref<80xi32, #tpu.memory_space<vmem>>, vector<16xi32>,
      %add3A_256 = arith.constant 16 : i32
      %add3A_257 = vector.broadcast %add3A_256 : i32 to vector<16xi32>
      %add3A_258 = arith.addi %iota3A_243, %add3A_257 : vector<16xi32>
      %mul3A_259 = arith.constant 4 : i32
      %mul3A_260 = vector.broadcast %mul3A_259 : i32 to vector<16xi32>
      %mul3A_261 = arith.muli %add3A_258, %mul3A_260 : vector<16xi32>
      %add3A_262 = arith.constant 0 : i32
      %add3A_263 = vector.broadcast %add3A_262 : i32 to vector<16xi32>
      %add3A_264 = arith.addi %mul3A_261, %add3A_263 : vector<16xi32>
      %gather3A_265 = tpu.vector_load_idx %arg11[%add3A_264] : memref<320xi32, #tpu.memory_space<vmem>>[vector<16xi32>], vector<16xi32>,
      %swap3A_266 = arith.constant 16 : index
      %swap3A_267 = tpu.vector_load %arg13[%swap3A_266] {strides = array<i32>} : memref<80xi32, #tpu.memory_space<vmem>>, vector<16xi32>,
      tpu.vector_store %arg13[%swap3A_266], %gather3A_265 {strides = array<i32>} : memref<80xi32, #tpu.memory_space<vmem>>, vector<16xi32>,
      %add3A_268 = arith.constant 32 : i32
      %add3A_269 = vector.broadcast %add3A_268 : i32 to vector<16xi32>
      %add3A_270 = arith.addi %iota3A_243, %add3A_269 : vector<16xi32>
      %mul3A_271 = arith.constant 4 : i32
      %mul3A_272 = vector.broadcast %mul3A_271 : i32 to vector<16xi32>
      %mul3A_273 = arith.muli %add3A_270, %mul3A_272 : vector<16xi32>
      %add3A_274 = arith.constant 0 : i32
      %add3A_275 = vector.broadcast %add3A_274 : i32 to vector<16xi32>
      %add3A_276 = arith.addi %mul3A_273, %add3A_275 : vector<16xi32>
      %gather3A_277 = tpu.vector_load_idx %arg11[%add3A_276] : memref<320xi32, #tpu.memory_space<vmem>>[vector<16xi32>], vector<16xi32>,
      %swap3A_278 = arith.constant 32 : index
      %swap3A_279 = tpu.vector_load %arg13[%swap3A_278] {strides = array<i32>} : memref<80xi32, #tpu.memory_space<vmem>>, vector<16xi32>,
      tpu.vector_store %arg13[%swap3A_278], %gather3A_277 {strides = array<i32>} : memref<80xi32, #tpu.memory_space<vmem>>, vector<16xi32>,
      %add3A_280 = arith.constant 48 : i32
      %add3A_281 = vector.broadcast %add3A_280 : i32 to vector<16xi32>
      %add3A_282 = arith.addi %iota3A_243, %add3A_281 : vector<16xi32>
      %mul3A_283 = arith.constant 4 : i32
      %mul3A_284 = vector.broadcast %mul3A_283 : i32 to vector<16xi32>
      %mul3A_285 = arith.muli %add3A_282, %mul3A_284 : vector<16xi32>
      %add3A_286 = arith.constant 0 : i32
      %add3A_287 = vector.broadcast %add3A_286 : i32 to vector<16xi32>
      %add3A_288 = arith.addi %mul3A_285, %add3A_287 : vector<16xi32>
      %gather3A_289 = tpu.vector_load_idx %arg11[%add3A_288] : memref<320xi32, #tpu.memory_space<vmem>>[vector<16xi32>], vector<16xi32>,
      %swap3A_290 = arith.constant 48 : index
      %swap3A_291 = tpu.vector_load %arg13[%swap3A_290] {strides = array<i32>} : memref<80xi32, #tpu.memory_space<vmem>>, vector<16xi32>,
      tpu.vector_store %arg13[%swap3A_290], %gather3A_289 {strides = array<i32>} : memref<80xi32, #tpu.memory_space<vmem>>, vector<16xi32>,
      %add3A_292 = arith.constant 64 : i32
      %add3A_293 = vector.broadcast %add3A_292 : i32 to vector<16xi32>
      %add3A_294 = arith.addi %iota3A_243, %add3A_293 : vector<16xi32>
      %mul3A_295 = arith.constant 4 : i32
      %mul3A_296 = vector.broadcast %mul3A_295 : i32 to vector<16xi32>
      %mul3A_297 = arith.muli %add3A_294, %mul3A_296 : vector<16xi32>
      %add3A_298 = arith.constant 0 : i32
      %add3A_299 = vector.broadcast %add3A_298 : i32 to vector<16xi32>
      %add3A_300 = arith.addi %mul3A_297, %add3A_299 : vector<16xi32>
      %gather3A_301 = tpu.vector_load_idx %arg11[%add3A_300] : memref<320xi32, #tpu.memory_space<vmem>>[vector<16xi32>], vector<16xi32>,
      %swap3A_302 = arith.constant 64 : index
      %swap3A_303 = tpu.vector_load %arg13[%swap3A_302] {strides = array<i32>} : memref<80xi32, #tpu.memory_space<vmem>>, vector<16xi32>,
      tpu.vector_store %arg13[%swap3A_302], %gather3A_301 {strides = array<i32>} : memref<80xi32, #tpu.memory_space<vmem>>, vector<16xi32>,
      %iota3A_304 = tpu.iota {dimensions = array<i32: 0>} : vector<16xi32>
      %add3A_305 = arith.constant 0 : i32
      %add3A_306 = vector.broadcast %add3A_305 : i32 to vector<16xi32>
      %add3A_307 = arith.addi %iota3A_304, %add3A_306 : vector<16xi32>
      %mul3A_308 = arith.constant 4 : i32
      %mul3A_309 = vector.broadcast %mul3A_308 : i32 to vector<16xi32>
      %mul3A_310 = arith.muli %add3A_307, %mul3A_309 : vector<16xi32>
      %add3A_311 = arith.constant 1 : i32
      %add3A_312 = vector.broadcast %add3A_311 : i32 to vector<16xi32>
      %add3A_313 = arith.addi %mul3A_310, %add3A_312 : vector<16xi32>
      %gather3A_314 = tpu.vector_load_idx %arg11[%add3A_313] : memref<320xi32, #tpu.memory_space<vmem>>[vector<16xi32>], vector<16xi32>,
      %swap3A_315 = arith.constant 0 : index
      %swap3A_316 = tpu.vector_load %arg15[%swap3A_315] {strides = array<i32>} : memref<80xi32, #tpu.memory_space<vmem>>, vector<16xi32>,
      tpu.vector_store %arg15[%swap3A_315], %gather3A_314 {strides = array<i32>} : memref<80xi32, #tpu.memory_space<vmem>>, vector<16xi32>,
      %add3A_317 = arith.constant 16 : i32
      %add3A_318 = vector.broadcast %add3A_317 : i32 to vector<16xi32>
      %add3A_319 = arith.addi %iota3A_304, %add3A_318 : vector<16xi32>
      %mul3A_320 = arith.constant 4 : i32
      %mul3A_321 = vector.broadcast %mul3A_320 : i32 to vector<16xi32>
      %mul3A_322 = arith.muli %add3A_319, %mul3A_321 : vector<16xi32>
      %add3A_323 = arith.constant 1 : i32
      %add3A_324 = vector.broadcast %add3A_323 : i32 to vector<16xi32>
      %add3A_325 = arith.addi %mul3A_322, %add3A_324 : vector<16xi32>
      %gather3A_326 = tpu.vector_load_idx %arg11[%add3A_325] : memref<320xi32, #tpu.memory_space<vmem>>[vector<16xi32>], vector<16xi32>,
      %swap3A_327 = arith.constant 16 : index
      %swap3A_328 = tpu.vector_load %arg15[%swap3A_327] {strides = array<i32>} : memref<80xi32, #tpu.memory_space<vmem>>, vector<16xi32>,
      tpu.vector_store %arg15[%swap3A_327], %gather3A_326 {strides = array<i32>} : memref<80xi32, #tpu.memory_space<vmem>>, vector<16xi32>,
      %add3A_329 = arith.constant 32 : i32
      %add3A_330 = vector.broadcast %add3A_329 : i32 to vector<16xi32>
      %add3A_331 = arith.addi %iota3A_304, %add3A_330 : vector<16xi32>
      %mul3A_332 = arith.constant 4 : i32
      %mul3A_333 = vector.broadcast %mul3A_332 : i32 to vector<16xi32>
      %mul3A_334 = arith.muli %add3A_331, %mul3A_333 : vector<16xi32>
      %add3A_335 = arith.constant 1 : i32
      %add3A_336 = vector.broadcast %add3A_335 : i32 to vector<16xi32>
      %add3A_337 = arith.addi %mul3A_334, %add3A_336 : vector<16xi32>
      %gather3A_338 = tpu.vector_load_idx %arg11[%add3A_337] : memref<320xi32, #tpu.memory_space<vmem>>[vector<16xi32>], vector<16xi32>,
      %swap3A_339 = arith.constant 32 : index
      %swap3A_340 = tpu.vector_load %arg15[%swap3A_339] {strides = array<i32>} : memref<80xi32, #tpu.memory_space<vmem>>, vector<16xi32>,
      tpu.vector_store %arg15[%swap3A_339], %gather3A_338 {strides = array<i32>} : memref<80xi32, #tpu.memory_space<vmem>>, vector<16xi32>,
      %add3A_341 = arith.constant 48 : i32
      %add3A_342 = vector.broadcast %add3A_341 : i32 to vector<16xi32>
      %add3A_343 = arith.addi %iota3A_304, %add3A_342 : vector<16xi32>
      %mul3A_344 = arith.constant 4 : i32
      %mul3A_345 = vector.broadcast %mul3A_344 : i32 to vector<16xi32>
      %mul3A_346 = arith.muli %add3A_343, %mul3A_345 : vector<16xi32>
      %add3A_347 = arith.constant 1 : i32
      %add3A_348 = vector.broadcast %add3A_347 : i32 to vector<16xi32>
      %add3A_349 = arith.addi %mul3A_346, %add3A_348 : vector<16xi32>
      %gather3A_350 = tpu.vector_load_idx %arg11[%add3A_349] : memref<320xi32, #tpu.memory_space<vmem>>[vector<16xi32>], vector<16xi32>,
      %swap3A_351 = arith.constant 48 : index
      %swap3A_352 = tpu.vector_load %arg15[%swap3A_351] {strides = array<i32>} : memref<80xi32, #tpu.memory_space<vmem>>, vector<16xi32>,
      tpu.vector_store %arg15[%swap3A_351], %gather3A_350 {strides = array<i32>} : memref<80xi32, #tpu.memory_space<vmem>>, vector<16xi32>,
      %add3A_353 = arith.constant 64 : i32
      %add3A_354 = vector.broadcast %add3A_353 : i32 to vector<16xi32>
      %add3A_355 = arith.addi %iota3A_304, %add3A_354 : vector<16xi32>
      %mul3A_356 = arith.constant 4 : i32
      %mul3A_357 = vector.broadcast %mul3A_356 : i32 to vector<16xi32>
      %mul3A_358 = arith.muli %add3A_355, %mul3A_357 : vector<16xi32>
      %add3A_359 = arith.constant 1 : i32
      %add3A_360 = vector.broadcast %add3A_359 : i32 to vector<16xi32>
      %add3A_361 = arith.addi %mul3A_358, %add3A_360 : vector<16xi32>
      %gather3A_362 = tpu.vector_load_idx %arg11[%add3A_361] : memref<320xi32, #tpu.memory_space<vmem>>[vector<16xi32>], vector<16xi32>,
      %swap3A_363 = arith.constant 64 : index
      %swap3A_364 = tpu.vector_load %arg15[%swap3A_363] {strides = array<i32>} : memref<80xi32, #tpu.memory_space<vmem>>, vector<16xi32>,
      tpu.vector_store %arg15[%swap3A_363], %gather3A_362 {strides = array<i32>} : memref<80xi32, #tpu.memory_space<vmem>>, vector<16xi32>,
      %gt3A = arith.constant 0 : i32
      %gt3A_365 = arith.cmpi sgt, %scan3A_222, %gt3A : i32
      %convert_element_type3A_366 = arith.extui %gt3A_365 : i1 to i32
      %cond3A_367 = arith.constant 0 : i32
      %cond3A_368 = arith.cmpi ne, %convert_element_type3A_366, %cond3A_367 : i32
      scf.if %cond3A_368 {
        %sub3A = arith.constant 2 : i32
        %sub3A_571 = arith.subi %mul3A_224, %sub3A : i32
        %mul3A_572 = arith.constant 80 : i32
        %mul3A_573 = arith.muli %sub3A_571, %mul3A_572 : i32
        %add3A_574 = arith.addi %mul3A_2, %mul3A_573 : i32
        %multiple_of3A_575 = tpu.assume_multiple %add3A_574, 8 : i32
        %dma_wait3A_576 = arith.constant 0 : i32
        %dma_wait3A_577 = tpu.memref_slice %arg7[%multiple_of3A_575, %dma_wait3A_576] : memref<320000x128xf32, #tpu.memory_space<hbm>> -> memref<80x128xf32, #tpu.memory_space<hbm>>
        %dma_wait3A_578 = arith.constant 0 : i32
        %dma_wait3A_579 = tpu.memref_slice %arg7[%multiple_of3A_575, %dma_wait3A_578] : memref<320000x128xf32, #tpu.memory_space<hbm>> -> memref<80x128xf32, #tpu.memory_space<hbm>>
        tpu.wait_dma2 semaphore(%arg25 : memref<!tpu.dma_semaphore, #tpu.memory_space<semaphore_mem>>) src(%arg17 : memref<80x128xf32, #tpu.memory_space<vmem>>) dst(%dma_wait3A_579 : memref<80x128xf32, #tpu.memory_space<hbm>>)
        %dma_wait3A_580 = arith.constant 0 : i32
        %dma_wait3A_581 = tpu.memref_slice %arg8[%multiple_of3A_575, %dma_wait3A_580] : memref<320000x128xf32, #tpu.memory_space<hbm>> -> memref<80x128xf32, #tpu.memory_space<hbm>>
        %dma_wait3A_582 = arith.constant 0 : i32
        %dma_wait3A_583 = tpu.memref_slice %arg8[%multiple_of3A_575, %dma_wait3A_582] : memref<320000x128xf32, #tpu.memory_space<hbm>> -> memref<80x128xf32, #tpu.memory_space<hbm>>
        tpu.wait_dma2 semaphore(%arg25 : memref<!tpu.dma_semaphore, #tpu.memory_space<semaphore_mem>>) src(%arg19 : memref<80x128xf32, #tpu.memory_space<vmem>>) dst(%dma_wait3A_583 : memref<80x128xf32, #tpu.memory_space<hbm>>)
        %dma_wait3A_584 = arith.constant 0 : i32
        %dma_wait3A_585 = tpu.memref_slice %arg9[%multiple_of3A_575, %dma_wait3A_584] : memref<320000x128xf32, #tpu.memory_space<hbm>> -> memref<80x128xf32, #tpu.memory_space<hbm>>
        %dma_wait3A_586 = arith.constant 0 : i32
        %dma_wait3A_587 = tpu.memref_slice %arg9[%multiple_of3A_575, %dma_wait3A_586] : memref<320000x128xf32, #tpu.memory_space<hbm>> -> memref<80x128xf32, #tpu.memory_space<hbm>>
        tpu.wait_dma2 semaphore(%arg25 : memref<!tpu.dma_semaphore, #tpu.memory_space<semaphore_mem>>) src(%arg21 : memref<80x128xf32, #tpu.memory_space<vmem>>) dst(%dma_wait3A_587 : memref<80x128xf32, #tpu.memory_space<hbm>>)
      } else {
      }
      %dma_start3A_369 = arith.constant 0 : i32
      %dma_start3A_370 = arith.constant 0 : i32
      %dma_start3A_371 = tpu.memref_slice %arg2[%dma_start3A_369, %dma_start3A_370] : memref<10000x128xf32, #tpu.memory_space<hbm>> -> memref<10000x128xf32, #tpu.memory_space<hbm>>
      tpu.enqueue_indirect_dma source(%dma_start3A_371 : memref<10000x128xf32, #tpu.memory_space<hbm>>) target(%arg17 : memref<80x128xf32, #tpu.memory_space<vmem>>) offsets(%arg13 : memref<80xi32, #tpu.memory_space<vmem>>) semaphore(%arg27 : memref<!tpu.dma_semaphore, #tpu.memory_space<semaphore_mem>>)
      %dma_start3A_372 = arith.constant 0 : i32
      %dma_start3A_373 = arith.constant 0 : i32
      %dma_start3A_374 = tpu.memref_slice %arg3[%dma_start3A_372, %dma_start3A_373] : memref<10000x128xf32, #tpu.memory_space<hbm>> -> memref<10000x128xf32, #tpu.memory_space<hbm>>
      tpu.enqueue_indirect_dma source(%dma_start3A_374 : memref<10000x128xf32, #tpu.memory_space<hbm>>) target(%arg19 : memref<80x128xf32, #tpu.memory_space<vmem>>) offsets(%arg15 : memref<80xi32, #tpu.memory_space<vmem>>) semaphore(%arg27 : memref<!tpu.dma_semaphore, #tpu.memory_space<semaphore_mem>>)
      %dma_start3A_375 = arith.constant 0 : i32
      %dma_start3A_376 = arith.constant 0 : i32
      %dma_start3A_377 = tpu.memref_slice %arg4[%dma_start3A_375, %dma_start3A_376] : memref<10000x128xf32, #tpu.memory_space<hbm>> -> memref<10000x128xf32, #tpu.memory_space<hbm>>
      tpu.enqueue_indirect_dma source(%dma_start3A_377 : memref<10000x128xf32, #tpu.memory_space<hbm>>) target(%arg21 : memref<80x128xf32, #tpu.memory_space<vmem>>) offsets(%arg15 : memref<80xi32, #tpu.memory_space<vmem>>) semaphore(%arg27 : memref<!tpu.dma_semaphore, #tpu.memory_space<semaphore_mem>>)
      %dma_wait3A_378 = arith.constant 0 : i32
      %dma_wait3A_379 = arith.constant 0 : i32
      %dma_wait3A_380 = tpu.memref_slice %arg2[%dma_wait3A_378, %dma_wait3A_379] : memref<10000x128xf32, #tpu.memory_space<hbm>> -> memref<10000x128xf32, #tpu.memory_space<hbm>>
      tpu.wait_indirect_dma semaphore(%arg27 : memref<!tpu.dma_semaphore, #tpu.memory_space<semaphore_mem>>) src(%dma_wait3A_380 : memref<10000x128xf32, #tpu.memory_space<hbm>>) dst(%arg17 : memref<80x128xf32, #tpu.memory_space<vmem>>)
      %dma_wait3A_381 = arith.constant 0 : i32
      %dma_wait3A_382 = arith.constant 0 : i32
      %dma_wait3A_383 = tpu.memref_slice %arg3[%dma_wait3A_381, %dma_wait3A_382] : memref<10000x128xf32, #tpu.memory_space<hbm>> -> memref<10000x128xf32, #tpu.memory_space<hbm>>
      tpu.wait_indirect_dma semaphore(%arg27 : memref<!tpu.dma_semaphore, #tpu.memory_space<semaphore_mem>>) src(%dma_wait3A_383 : memref<10000x128xf32, #tpu.memory_space<hbm>>) dst(%arg19 : memref<80x128xf32, #tpu.memory_space<vmem>>)
      %dma_wait3A_384 = arith.constant 0 : i32
      %dma_wait3A_385 = arith.constant 0 : i32
      %dma_wait3A_386 = tpu.memref_slice %arg4[%dma_wait3A_384, %dma_wait3A_385] : memref<10000x128xf32, #tpu.memory_space<hbm>> -> memref<10000x128xf32, #tpu.memory_space<hbm>>
      tpu.wait_indirect_dma semaphore(%arg27 : memref<!tpu.dma_semaphore, #tpu.memory_space<semaphore_mem>>) src(%dma_wait3A_386 : memref<10000x128xf32, #tpu.memory_space<hbm>>) dst(%arg21 : memref<80x128xf32, #tpu.memory_space<vmem>>)
      %dma_start3A_387 = arith.constant 0 : i32
      %dma_start3A_388 = tpu.memref_slice %arg7[%multiple_of3A_238, %dma_start3A_387] : memref<320000x128xf32, #tpu.memory_space<hbm>> -> memref<80x128xf32, #tpu.memory_space<hbm>>
      %dma_start3A_389 = arith.constant 0 : i32
      %dma_start3A_390 = tpu.memref_slice %arg7[%multiple_of3A_238, %dma_start3A_389] : memref<320000x128xf32, #tpu.memory_space<hbm>> -> memref<80x128xf32, #tpu.memory_space<hbm>>
      tpu.enqueue_dma source(%arg17 : memref<80x128xf32, #tpu.memory_space<vmem>>) target(%dma_start3A_390 : memref<80x128xf32, #tpu.memory_space<hbm>>) target_semaphore(%arg25 : memref<!tpu.dma_semaphore, #tpu.memory_space<semaphore_mem>>)
      %dma_start3A_391 = arith.constant 0 : i32
      %dma_start3A_392 = tpu.memref_slice %arg8[%multiple_of3A_238, %dma_start3A_391] : memref<320000x128xf32, #tpu.memory_space<hbm>> -> memref<80x128xf32, #tpu.memory_space<hbm>>
      %dma_start3A_393 = arith.constant 0 : i32
      %dma_start3A_394 = tpu.memref_slice %arg8[%multiple_of3A_238, %dma_start3A_393] : memref<320000x128xf32, #tpu.memory_space<hbm>> -> memref<80x128xf32, #tpu.memory_space<hbm>>
      tpu.enqueue_dma source(%arg19 : memref<80x128xf32, #tpu.memory_space<vmem>>) target(%dma_start3A_394 : memref<80x128xf32, #tpu.memory_space<hbm>>) target_semaphore(%arg25 : memref<!tpu.dma_semaphore, #tpu.memory_space<semaphore_mem>>)
      %dma_start3A_395 = arith.constant 0 : i32
      %dma_start3A_396 = tpu.memref_slice %arg9[%multiple_of3A_238, %dma_start3A_395] : memref<320000x128xf32, #tpu.memory_space<hbm>> -> memref<80x128xf32, #tpu.memory_space<hbm>>
      %dma_start3A_397 = arith.constant 0 : i32
      %dma_start3A_398 = tpu.memref_slice %arg9[%multiple_of3A_238, %dma_start3A_397] : memref<320000x128xf32, #tpu.memory_space<hbm>> -> memref<80x128xf32, #tpu.memory_space<hbm>>
      tpu.enqueue_dma source(%arg21 : memref<80x128xf32, #tpu.memory_space<vmem>>) target(%dma_start3A_398 : memref<80x128xf32, #tpu.memory_space<hbm>>) target_semaphore(%arg25 : memref<!tpu.dma_semaphore, #tpu.memory_space<semaphore_mem>>)
      %lt3A_399 = arith.constant 61 : i32
      %lt3A_400 = arith.cmpi slt, %scan3A_222, %lt3A_399 : i32
      %convert_element_type3A_401 = arith.extui %lt3A_400 : i1 to i32
      %cond3A_402 = arith.constant 0 : i32
      %cond3A_403 = arith.cmpi ne, %convert_element_type3A_401, %cond3A_402 : i32
      scf.if %cond3A_403 {
        %add3A_571 = arith.constant 2 : i32
        %add3A_572 = arith.addi %mul3A_224, %add3A_571 : i32
        %mul3A_573 = arith.constant 80 : i32
        %mul3A_574 = arith.muli %add3A_572, %mul3A_573 : i32
        %add3A_575 = arith.addi %mul3A_2, %mul3A_574 : i32
        %multiple_of3A_576 = tpu.assume_multiple %add3A_575, 8 : i32
        %mul3A_577 = arith.constant 4 : i32
        %mul3A_578 = arith.muli %multiple_of3A_576, %mul3A_577 : i32
        %dma_start3A_579 = tpu.memref_slice %arg5[%mul3A_578] : memref<1280000xi32, #tpu.memory_space<hbm>> -> memref<320xi32, #tpu.memory_space<hbm>>
        %dma_start3A_580 = tpu.memref_slice %arg5[%mul3A_578] : memref<1280000xi32, #tpu.memory_space<hbm>> -> memref<320xi32, #tpu.memory_space<hbm>>
        tpu.enqueue_dma source(%dma_start3A_580 : memref<320xi32, #tpu.memory_space<hbm>>) target(%arg11 : memref<320xi32, #tpu.memory_space<vmem>>) target_semaphore(%arg23 : memref<!tpu.dma_semaphore, #tpu.memory_space<semaphore_mem>>)
      } else {
      }
      %add3A_404 = arith.constant 1 : i32
      %add3A_405 = arith.addi %mul3A_224, %add3A_404 : i32
      %mul3A_406 = arith.constant 80 : i32
      %mul3A_407 = arith.muli %add3A_405, %mul3A_406 : i32
      %add3A_408 = arith.addi %mul3A_2, %mul3A_407 : i32
      %multiple_of3A_409 = tpu.assume_multiple %add3A_408, 8 : i32
      %mul3A_410 = arith.constant 4 : i32
      %mul3A_411 = arith.muli %multiple_of3A_409, %mul3A_410 : i32
      %dma_wait3A_412 = tpu.memref_slice %arg5[%mul3A_411] : memref<1280000xi32, #tpu.memory_space<hbm>> -> memref<320xi32, #tpu.memory_space<hbm>>
      %dma_wait3A_413 = tpu.memref_slice %arg5[%mul3A_411] : memref<1280000xi32, #tpu.memory_space<hbm>> -> memref<320xi32, #tpu.memory_space<hbm>>
      tpu.wait_dma2 semaphore(%arg24 : memref<!tpu.dma_semaphore, #tpu.memory_space<semaphore_mem>>) src(%dma_wait3A_413 : memref<320xi32, #tpu.memory_space<hbm>>) dst(%arg12 : memref<320xi32, #tpu.memory_space<vmem>>)
      %iota3A_414 = tpu.iota {dimensions = array<i32: 0>} : vector<16xi32>
      %add3A_415 = arith.constant 0 : i32
      %add3A_416 = vector.broadcast %add3A_415 : i32 to vector<16xi32>
      %add3A_417 = arith.addi %iota3A_414, %add3A_416 : vector<16xi32>
      %mul3A_418 = arith.constant 4 : i32
      %mul3A_419 = vector.broadcast %mul3A_418 : i32 to vector<16xi32>
      %mul3A_420 = arith.muli %add3A_417, %mul3A_419 : vector<16xi32>
      %add3A_421 = arith.constant 0 : i32
      %add3A_422 = vector.broadcast %add3A_421 : i32 to vector<16xi32>
      %add3A_423 = arith.addi %mul3A_420, %add3A_422 : vector<16xi32>
      %gather3A_424 = tpu.vector_load_idx %arg12[%add3A_423] : memref<320xi32, #tpu.memory_space<vmem>>[vector<16xi32>], vector<16xi32>,
      %swap3A_425 = arith.constant 0 : index
      %swap3A_426 = tpu.vector_load %arg14[%swap3A_425] {strides = array<i32>} : memref<80xi32, #tpu.memory_space<vmem>>, vector<16xi32>,
      tpu.vector_store %arg14[%swap3A_425], %gather3A_424 {strides = array<i32>} : memref<80xi32, #tpu.memory_space<vmem>>, vector<16xi32>,
      %add3A_427 = arith.constant 16 : i32
      %add3A_428 = vector.broadcast %add3A_427 : i32 to vector<16xi32>
      %add3A_429 = arith.addi %iota3A_414, %add3A_428 : vector<16xi32>
      %mul3A_430 = arith.constant 4 : i32
      %mul3A_431 = vector.broadcast %mul3A_430 : i32 to vector<16xi32>
      %mul3A_432 = arith.muli %add3A_429, %mul3A_431 : vector<16xi32>
      %add3A_433 = arith.constant 0 : i32
      %add3A_434 = vector.broadcast %add3A_433 : i32 to vector<16xi32>
      %add3A_435 = arith.addi %mul3A_432, %add3A_434 : vector<16xi32>
      %gather3A_436 = tpu.vector_load_idx %arg12[%add3A_435] : memref<320xi32, #tpu.memory_space<vmem>>[vector<16xi32>], vector<16xi32>,
      %swap3A_437 = arith.constant 16 : index
      %swap3A_438 = tpu.vector_load %arg14[%swap3A_437] {strides = array<i32>} : memref<80xi32, #tpu.memory_space<vmem>>, vector<16xi32>,
      tpu.vector_store %arg14[%swap3A_437], %gather3A_436 {strides = array<i32>} : memref<80xi32, #tpu.memory_space<vmem>>, vector<16xi32>,
      %add3A_439 = arith.constant 32 : i32
      %add3A_440 = vector.broadcast %add3A_439 : i32 to vector<16xi32>
      %add3A_441 = arith.addi %iota3A_414, %add3A_440 : vector<16xi32>
      %mul3A_442 = arith.constant 4 : i32
      %mul3A_443 = vector.broadcast %mul3A_442 : i32 to vector<16xi32>
      %mul3A_444 = arith.muli %add3A_441, %mul3A_443 : vector<16xi32>
      %add3A_445 = arith.constant 0 : i32
      %add3A_446 = vector.broadcast %add3A_445 : i32 to vector<16xi32>
      %add3A_447 = arith.addi %mul3A_444, %add3A_446 : vector<16xi32>
      %gather3A_448 = tpu.vector_load_idx %arg12[%add3A_447] : memref<320xi32, #tpu.memory_space<vmem>>[vector<16xi32>], vector<16xi32>,
      %swap3A_449 = arith.constant 32 : index
      %swap3A_450 = tpu.vector_load %arg14[%swap3A_449] {strides = array<i32>} : memref<80xi32, #tpu.memory_space<vmem>>, vector<16xi32>,
      tpu.vector_store %arg14[%swap3A_449], %gather3A_448 {strides = array<i32>} : memref<80xi32, #tpu.memory_space<vmem>>, vector<16xi32>,
      %add3A_451 = arith.constant 48 : i32
      %add3A_452 = vector.broadcast %add3A_451 : i32 to vector<16xi32>
      %add3A_453 = arith.addi %iota3A_414, %add3A_452 : vector<16xi32>
      %mul3A_454 = arith.constant 4 : i32
      %mul3A_455 = vector.broadcast %mul3A_454 : i32 to vector<16xi32>
      %mul3A_456 = arith.muli %add3A_453, %mul3A_455 : vector<16xi32>
      %add3A_457 = arith.constant 0 : i32
      %add3A_458 = vector.broadcast %add3A_457 : i32 to vector<16xi32>
      %add3A_459 = arith.addi %mul3A_456, %add3A_458 : vector<16xi32>
      %gather3A_460 = tpu.vector_load_idx %arg12[%add3A_459] : memref<320xi32, #tpu.memory_space<vmem>>[vector<16xi32>], vector<16xi32>,
      %swap3A_461 = arith.constant 48 : index
      %swap3A_462 = tpu.vector_load %arg14[%swap3A_461] {strides = array<i32>} : memref<80xi32, #tpu.memory_space<vmem>>, vector<16xi32>,
      tpu.vector_store %arg14[%swap3A_461], %gather3A_460 {strides = array<i32>} : memref<80xi32, #tpu.memory_space<vmem>>, vector<16xi32>,
      %add3A_463 = arith.constant 64 : i32
      %add3A_464 = vector.broadcast %add3A_463 : i32 to vector<16xi32>
      %add3A_465 = arith.addi %iota3A_414, %add3A_464 : vector<16xi32>
      %mul3A_466 = arith.constant 4 : i32
      %mul3A_467 = vector.broadcast %mul3A_466 : i32 to vector<16xi32>
      %mul3A_468 = arith.muli %add3A_465, %mul3A_467 : vector<16xi32>
      %add3A_469 = arith.constant 0 : i32
      %add3A_470 = vector.broadcast %add3A_469 : i32 to vector<16xi32>
      %add3A_471 = arith.addi %mul3A_468, %add3A_470 : vector<16xi32>
      %gather3A_472 = tpu.vector_load_idx %arg12[%add3A_471] : memref<320xi32, #tpu.memory_space<vmem>>[vector<16xi32>], vector<16xi32>,
      %swap3A_473 = arith.constant 64 : index
      %swap3A_474 = tpu.vector_load %arg14[%swap3A_473] {strides = array<i32>} : memref<80xi32, #tpu.memory_space<vmem>>, vector<16xi32>,
      tpu.vector_store %arg14[%swap3A_473], %gather3A_472 {strides = array<i32>} : memref<80xi32, #tpu.memory_space<vmem>>, vector<16xi32>,
      %iota3A_475 = tpu.iota {dimensions = array<i32: 0>} : vector<16xi32>
      %add3A_476 = arith.constant 0 : i32
      %add3A_477 = vector.broadcast %add3A_476 : i32 to vector<16xi32>
      %add3A_478 = arith.addi %iota3A_475, %add3A_477 : vector<16xi32>
      %mul3A_479 = arith.constant 4 : i32
      %mul3A_480 = vector.broadcast %mul3A_479 : i32 to vector<16xi32>
      %mul3A_481 = arith.muli %add3A_478, %mul3A_480 : vector<16xi32>
      %add3A_482 = arith.constant 1 : i32
      %add3A_483 = vector.broadcast %add3A_482 : i32 to vector<16xi32>
      %add3A_484 = arith.addi %mul3A_481, %add3A_483 : vector<16xi32>
      %gather3A_485 = tpu.vector_load_idx %arg12[%add3A_484] : memref<320xi32, #tpu.memory_space<vmem>>[vector<16xi32>], vector<16xi32>,
      %swap3A_486 = arith.constant 0 : index
      %swap3A_487 = tpu.vector_load %arg16[%swap3A_486] {strides = array<i32>} : memref<80xi32, #tpu.memory_space<vmem>>, vector<16xi32>,
      tpu.vector_store %arg16[%swap3A_486], %gather3A_485 {strides = array<i32>} : memref<80xi32, #tpu.memory_space<vmem>>, vector<16xi32>,
      %add3A_488 = arith.constant 16 : i32
      %add3A_489 = vector.broadcast %add3A_488 : i32 to vector<16xi32>
      %add3A_490 = arith.addi %iota3A_475, %add3A_489 : vector<16xi32>
      %mul3A_491 = arith.constant 4 : i32
      %mul3A_492 = vector.broadcast %mul3A_491 : i32 to vector<16xi32>
      %mul3A_493 = arith.muli %add3A_490, %mul3A_492 : vector<16xi32>
      %add3A_494 = arith.constant 1 : i32
      %add3A_495 = vector.broadcast %add3A_494 : i32 to vector<16xi32>
      %add3A_496 = arith.addi %mul3A_493, %add3A_495 : vector<16xi32>
      %gather3A_497 = tpu.vector_load_idx %arg12[%add3A_496] : memref<320xi32, #tpu.memory_space<vmem>>[vector<16xi32>], vector<16xi32>,
      %swap3A_498 = arith.constant 16 : index
      %swap3A_499 = tpu.vector_load %arg16[%swap3A_498] {strides = array<i32>} : memref<80xi32, #tpu.memory_space<vmem>>, vector<16xi32>,
      tpu.vector_store %arg16[%swap3A_498], %gather3A_497 {strides = array<i32>} : memref<80xi32, #tpu.memory_space<vmem>>, vector<16xi32>,
      %add3A_500 = arith.constant 32 : i32
      %add3A_501 = vector.broadcast %add3A_500 : i32 to vector<16xi32>
      %add3A_502 = arith.addi %iota3A_475, %add3A_501 : vector<16xi32>
      %mul3A_503 = arith.constant 4 : i32
      %mul3A_504 = vector.broadcast %mul3A_503 : i32 to vector<16xi32>
      %mul3A_505 = arith.muli %add3A_502, %mul3A_504 : vector<16xi32>
      %add3A_506 = arith.constant 1 : i32
      %add3A_507 = vector.broadcast %add3A_506 : i32 to vector<16xi32>
      %add3A_508 = arith.addi %mul3A_505, %add3A_507 : vector<16xi32>
      %gather3A_509 = tpu.vector_load_idx %arg12[%add3A_508] : memref<320xi32, #tpu.memory_space<vmem>>[vector<16xi32>], vector<16xi32>,
      %swap3A_510 = arith.constant 32 : index
      %swap3A_511 = tpu.vector_load %arg16[%swap3A_510] {strides = array<i32>} : memref<80xi32, #tpu.memory_space<vmem>>, vector<16xi32>,
      tpu.vector_store %arg16[%swap3A_510], %gather3A_509 {strides = array<i32>} : memref<80xi32, #tpu.memory_space<vmem>>, vector<16xi32>,
      %add3A_512 = arith.constant 48 : i32
      %add3A_513 = vector.broadcast %add3A_512 : i32 to vector<16xi32>
      %add3A_514 = arith.addi %iota3A_475, %add3A_513 : vector<16xi32>
      %mul3A_515 = arith.constant 4 : i32
      %mul3A_516 = vector.broadcast %mul3A_515 : i32 to vector<16xi32>
      %mul3A_517 = arith.muli %add3A_514, %mul3A_516 : vector<16xi32>
      %add3A_518 = arith.constant 1 : i32
      %add3A_519 = vector.broadcast %add3A_518 : i32 to vector<16xi32>
      %add3A_520 = arith.addi %mul3A_517, %add3A_519 : vector<16xi32>
      %gather3A_521 = tpu.vector_load_idx %arg12[%add3A_520] : memref<320xi32, #tpu.memory_space<vmem>>[vector<16xi32>], vector<16xi32>,
      %swap3A_522 = arith.constant 48 : index
      %swap3A_523 = tpu.vector_load %arg16[%swap3A_522] {strides = array<i32>} : memref<80xi32, #tpu.memory_space<vmem>>, vector<16xi32>,
      tpu.vector_store %arg16[%swap3A_522], %gather3A_521 {strides = array<i32>} : memref<80xi32, #tpu.memory_space<vmem>>, vector<16xi32>,
      %add3A_524 = arith.constant 64 : i32
      %add3A_525 = vector.broadcast %add3A_524 : i32 to vector<16xi32>
      %add3A_526 = arith.addi %iota3A_475, %add3A_525 : vector<16xi32>
      %mul3A_527 = arith.constant 4 : i32
      %mul3A_528 = vector.broadcast %mul3A_527 : i32 to vector<16xi32>
      %mul3A_529 = arith.muli %add3A_526, %mul3A_528 : vector<16xi32>
      %add3A_530 = arith.constant 1 : i32
      %add3A_531 = vector.broadcast %add3A_530 : i32 to vector<16xi32>
      %add3A_532 = arith.addi %mul3A_529, %add3A_531 : vector<16xi32>
      %gather3A_533 = tpu.vector_load_idx %arg12[%add3A_532] : memref<320xi32, #tpu.memory_space<vmem>>[vector<16xi32>], vector<16xi32>,
      %swap3A_534 = arith.constant 64 : index
      %swap3A_535 = tpu.vector_load %arg16[%swap3A_534] {strides = array<i32>} : memref<80xi32, #tpu.memory_space<vmem>>, vector<16xi32>,
      tpu.vector_store %arg16[%swap3A_534], %gather3A_533 {strides = array<i32>} : memref<80xi32, #tpu.memory_space<vmem>>, vector<16xi32>,
      %gt3A_536 = arith.constant 0 : i32
      %gt3A_537 = arith.cmpi sgt, %scan3A_222, %gt3A_536 : i32
      %convert_element_type3A_538 = arith.extui %gt3A_537 : i1 to i32
      %cond3A_539 = arith.constant 0 : i32
      %cond3A_540 = arith.cmpi ne, %convert_element_type3A_538, %cond3A_539 : i32
      scf.if %cond3A_540 {
        %sub3A = arith.constant 2 : i32
        %sub3A_571 = arith.subi %add3A_405, %sub3A : i32
        %mul3A_572 = arith.constant 80 : i32
        %mul3A_573 = arith.muli %sub3A_571, %mul3A_572 : i32
        %add3A_574 = arith.addi %mul3A_2, %mul3A_573 : i32
        %multiple_of3A_575 = tpu.assume_multiple %add3A_574, 8 : i32
        %dma_wait3A_576 = arith.constant 0 : i32
        %dma_wait3A_577 = tpu.memref_slice %arg7[%multiple_of3A_575, %dma_wait3A_576] : memref<320000x128xf32, #tpu.memory_space<hbm>> -> memref<80x128xf32, #tpu.memory_space<hbm>>
        %dma_wait3A_578 = arith.constant 0 : i32
        %dma_wait3A_579 = tpu.memref_slice %arg7[%multiple_of3A_575, %dma_wait3A_578] : memref<320000x128xf32, #tpu.memory_space<hbm>> -> memref<80x128xf32, #tpu.memory_space<hbm>>
        tpu.wait_dma2 semaphore(%arg26 : memref<!tpu.dma_semaphore, #tpu.memory_space<semaphore_mem>>) src(%arg18 : memref<80x128xf32, #tpu.memory_space<vmem>>) dst(%dma_wait3A_579 : memref<80x128xf32, #tpu.memory_space<hbm>>)
        %dma_wait3A_580 = arith.constant 0 : i32
        %dma_wait3A_581 = tpu.memref_slice %arg8[%multiple_of3A_575, %dma_wait3A_580] : memref<320000x128xf32, #tpu.memory_space<hbm>> -> memref<80x128xf32, #tpu.memory_space<hbm>>
        %dma_wait3A_582 = arith.constant 0 : i32
        %dma_wait3A_583 = tpu.memref_slice %arg8[%multiple_of3A_575, %dma_wait3A_582] : memref<320000x128xf32, #tpu.memory_space<hbm>> -> memref<80x128xf32, #tpu.memory_space<hbm>>
        tpu.wait_dma2 semaphore(%arg26 : memref<!tpu.dma_semaphore, #tpu.memory_space<semaphore_mem>>) src(%arg20 : memref<80x128xf32, #tpu.memory_space<vmem>>) dst(%dma_wait3A_583 : memref<80x128xf32, #tpu.memory_space<hbm>>)
        %dma_wait3A_584 = arith.constant 0 : i32
        %dma_wait3A_585 = tpu.memref_slice %arg9[%multiple_of3A_575, %dma_wait3A_584] : memref<320000x128xf32, #tpu.memory_space<hbm>> -> memref<80x128xf32, #tpu.memory_space<hbm>>
        %dma_wait3A_586 = arith.constant 0 : i32
        %dma_wait3A_587 = tpu.memref_slice %arg9[%multiple_of3A_575, %dma_wait3A_586] : memref<320000x128xf32, #tpu.memory_space<hbm>> -> memref<80x128xf32, #tpu.memory_space<hbm>>
        tpu.wait_dma2 semaphore(%arg26 : memref<!tpu.dma_semaphore, #tpu.memory_space<semaphore_mem>>) src(%arg22 : memref<80x128xf32, #tpu.memory_space<vmem>>) dst(%dma_wait3A_587 : memref<80x128xf32, #tpu.memory_space<hbm>>)
      } else {
      }
      %dma_start3A_541 = arith.constant 0 : i32
      %dma_start3A_542 = arith.constant 0 : i32
      %dma_start3A_543 = tpu.memref_slice %arg2[%dma_start3A_541, %dma_start3A_542] : memref<10000x128xf32, #tpu.memory_space<hbm>> -> memref<10000x128xf32, #tpu.memory_space<hbm>>
      tpu.enqueue_indirect_dma source(%dma_start3A_543 : memref<10000x128xf32, #tpu.memory_space<hbm>>) target(%arg18 : memref<80x128xf32, #tpu.memory_space<vmem>>) offsets(%arg14 : memref<80xi32, #tpu.memory_space<vmem>>) semaphore(%arg27 : memref<!tpu.dma_semaphore, #tpu.memory_space<semaphore_mem>>)
      %dma_start3A_544 = arith.constant 0 : i32
      %dma_start3A_545 = arith.constant 0 : i32
      %dma_start3A_546 = tpu.memref_slice %arg3[%dma_start3A_544, %dma_start3A_545] : memref<10000x128xf32, #tpu.memory_space<hbm>> -> memref<10000x128xf32, #tpu.memory_space<hbm>>
      tpu.enqueue_indirect_dma source(%dma_start3A_546 : memref<10000x128xf32, #tpu.memory_space<hbm>>) target(%arg20 : memref<80x128xf32, #tpu.memory_space<vmem>>) offsets(%arg16 : memref<80xi32, #tpu.memory_space<vmem>>) semaphore(%arg27 : memref<!tpu.dma_semaphore, #tpu.memory_space<semaphore_mem>>)
      %dma_start3A_547 = arith.constant 0 : i32
      %dma_start3A_548 = arith.constant 0 : i32
      %dma_start3A_549 = tpu.memref_slice %arg4[%dma_start3A_547, %dma_start3A_548] : memref<10000x128xf32, #tpu.memory_space<hbm>> -> memref<10000x128xf32, #tpu.memory_space<hbm>>
      tpu.enqueue_indirect_dma source(%dma_start3A_549 : memref<10000x128xf32, #tpu.memory_space<hbm>>) target(%arg22 : memref<80x128xf32, #tpu.memory_space<vmem>>) offsets(%arg16 : memref<80xi32, #tpu.memory_space<vmem>>) semaphore(%arg27 : memref<!tpu.dma_semaphore, #tpu.memory_space<semaphore_mem>>)
      %dma_wait3A_550 = arith.constant 0 : i32
      %dma_wait3A_551 = arith.constant 0 : i32
      %dma_wait3A_552 = tpu.memref_slice %arg2[%dma_wait3A_550, %dma_wait3A_551] : memref<10000x128xf32, #tpu.memory_space<hbm>> -> memref<10000x128xf32, #tpu.memory_space<hbm>>
      tpu.wait_indirect_dma semaphore(%arg27 : memref<!tpu.dma_semaphore, #tpu.memory_space<semaphore_mem>>) src(%dma_wait3A_552 : memref<10000x128xf32, #tpu.memory_space<hbm>>) dst(%arg18 : memref<80x128xf32, #tpu.memory_space<vmem>>)
      %dma_wait3A_553 = arith.constant 0 : i32
      %dma_wait3A_554 = arith.constant 0 : i32
      %dma_wait3A_555 = tpu.memref_slice %arg3[%dma_wait3A_553, %dma_wait3A_554] : memref<10000x128xf32, #tpu.memory_space<hbm>> -> memref<10000x128xf32, #tpu.memory_space<hbm>>
      tpu.wait_indirect_dma semaphore(%arg27 : memref<!tpu.dma_semaphore, #tpu.memory_space<semaphore_mem>>) src(%dma_wait3A_555 : memref<10000x128xf32, #tpu.memory_space<hbm>>) dst(%arg20 : memref<80x128xf32, #tpu.memory_space<vmem>>)
      %dma_wait3A_556 = arith.constant 0 : i32
      %dma_wait3A_557 = arith.constant 0 : i32
      %dma_wait3A_558 = tpu.memref_slice %arg4[%dma_wait3A_556, %dma_wait3A_557] : memref<10000x128xf32, #tpu.memory_space<hbm>> -> memref<10000x128xf32, #tpu.memory_space<hbm>>
      tpu.wait_indirect_dma semaphore(%arg27 : memref<!tpu.dma_semaphore, #tpu.memory_space<semaphore_mem>>) src(%dma_wait3A_558 : memref<10000x128xf32, #tpu.memory_space<hbm>>) dst(%arg22 : memref<80x128xf32, #tpu.memory_space<vmem>>)
      %dma_start3A_559 = arith.constant 0 : i32
      %dma_start3A_560 = tpu.memref_slice %arg7[%multiple_of3A_409, %dma_start3A_559] : memref<320000x128xf32, #tpu.memory_space<hbm>> -> memref<80x128xf32, #tpu.memory_space<hbm>>
      %dma_start3A_561 = arith.constant 0 : i32
      %dma_start3A_562 = tpu.memref_slice %arg7[%multiple_of3A_409, %dma_start3A_561] : memref<320000x128xf32, #tpu.memory_space<hbm>> -> memref<80x128xf32, #tpu.memory_space<hbm>>
      tpu.enqueue_dma source(%arg18 : memref<80x128xf32, #tpu.memory_space<vmem>>) target(%dma_start3A_562 : memref<80x128xf32, #tpu.memory_space<hbm>>) target_semaphore(%arg26 : memref<!tpu.dma_semaphore, #tpu.memory_space<semaphore_mem>>)
      %dma_start3A_563 = arith.constant 0 : i32
      %dma_start3A_564 = tpu.memref_slice %arg8[%multiple_of3A_409, %dma_start3A_563] : memref<320000x128xf32, #tpu.memory_space<hbm>> -> memref<80x128xf32, #tpu.memory_space<hbm>>
      %dma_start3A_565 = arith.constant 0 : i32
      %dma_start3A_566 = tpu.memref_slice %arg8[%multiple_of3A_409, %dma_start3A_565] : memref<320000x128xf32, #tpu.memory_space<hbm>> -> memref<80x128xf32, #tpu.memory_space<hbm>>
      tpu.enqueue_dma source(%arg20 : memref<80x128xf32, #tpu.memory_space<vmem>>) target(%dma_start3A_566 : memref<80x128xf32, #tpu.memory_space<hbm>>) target_semaphore(%arg26 : memref<!tpu.dma_semaphore, #tpu.memory_space<semaphore_mem>>)
      %dma_start3A_567 = arith.constant 0 : i32
      %dma_start3A_568 = tpu.memref_slice %arg9[%multiple_of3A_409, %dma_start3A_567] : memref<320000x128xf32, #tpu.memory_space<hbm>> -> memref<80x128xf32, #tpu.memory_space<hbm>>
      %dma_start3A_569 = arith.constant 0 : i32
      %dma_start3A_570 = tpu.memref_slice %arg9[%multiple_of3A_409, %dma_start3A_569] : memref<320000x128xf32, #tpu.memory_space<hbm>> -> memref<80x128xf32, #tpu.memory_space<hbm>>
      tpu.enqueue_dma source(%arg22 : memref<80x128xf32, #tpu.memory_space<vmem>>) target(%dma_start3A_570 : memref<80x128xf32, #tpu.memory_space<hbm>>) target_semaphore(%arg26 : memref<!tpu.dma_semaphore, #tpu.memory_space<semaphore_mem>>)
    }
    %scan3A_12 = arith.constant 62 : i32
    %add3A_13 = arith.constant 9920 : i32
    %add3A_14 = arith.addi %mul3A_2, %add3A_13 : i32
    %multiple_of3A_15 = tpu.assume_multiple %add3A_14, 8 : i32
    %mul3A_16 = arith.constant 4 : i32
    %mul3A_17 = arith.muli %multiple_of3A_15, %mul3A_16 : i32
    %dma_start3A_18 = tpu.memref_slice %arg5[%mul3A_17] : memref<1280000xi32, #tpu.memory_space<hbm>> -> memref<320xi32, #tpu.memory_space<hbm>>
    %dma_start3A_19 = tpu.memref_slice %arg5[%mul3A_17] : memref<1280000xi32, #tpu.memory_space<hbm>> -> memref<320xi32, #tpu.memory_space<hbm>>
    tpu.enqueue_dma source(%dma_start3A_19 : memref<320xi32, #tpu.memory_space<hbm>>) target(%arg11 : memref<320xi32, #tpu.memory_space<vmem>>) target_semaphore(%arg23 : memref<!tpu.dma_semaphore, #tpu.memory_space<semaphore_mem>>)
    %add3A_20 = arith.constant 9920 : i32
    %add3A_21 = arith.addi %mul3A_2, %add3A_20 : i32
    %multiple_of3A_22 = tpu.assume_multiple %add3A_21, 8 : i32
    %mul3A_23 = arith.constant 4 : i32
    %mul3A_24 = arith.muli %multiple_of3A_22, %mul3A_23 : i32
    %dma_wait3A = tpu.memref_slice %arg5[%mul3A_24] : memref<1280000xi32, #tpu.memory_space<hbm>> -> memref<320xi32, #tpu.memory_space<hbm>>
    %dma_wait3A_25 = tpu.memref_slice %arg5[%mul3A_24] : memref<1280000xi32, #tpu.memory_space<hbm>> -> memref<320xi32, #tpu.memory_space<hbm>>
    tpu.wait_dma2 semaphore(%arg23 : memref<!tpu.dma_semaphore, #tpu.memory_space<semaphore_mem>>) src(%dma_wait3A_25 : memref<320xi32, #tpu.memory_space<hbm>>) dst(%arg11 : memref<320xi32, #tpu.memory_space<vmem>>)
    %iota3A = tpu.iota {dimensions = array<i32: 0>} : vector<16xi32>
    %add3A_26 = arith.constant 0 : i32
    %add3A_27 = vector.broadcast %add3A_26 : i32 to vector<16xi32>
    %add3A_28 = arith.addi %iota3A, %add3A_27 : vector<16xi32>
    %mul3A_29 = arith.constant 4 : i32
    %mul3A_30 = vector.broadcast %mul3A_29 : i32 to vector<16xi32>
    %mul3A_31 = arith.muli %add3A_28, %mul3A_30 : vector<16xi32>
    %add3A_32 = arith.constant 0 : i32
    %add3A_33 = vector.broadcast %add3A_32 : i32 to vector<16xi32>
    %add3A_34 = arith.addi %mul3A_31, %add3A_33 : vector<16xi32>
    %gather3A = tpu.vector_load_idx %arg11[%add3A_34] : memref<320xi32, #tpu.memory_space<vmem>>[vector<16xi32>], vector<16xi32>,
    %swap3A = arith.constant 0 : index
    %swap3A_35 = tpu.vector_load %arg13[%swap3A] {strides = array<i32>} : memref<80xi32, #tpu.memory_space<vmem>>, vector<16xi32>,
    tpu.vector_store %arg13[%swap3A], %gather3A {strides = array<i32>} : memref<80xi32, #tpu.memory_space<vmem>>, vector<16xi32>,
    %add3A_36 = arith.constant 16 : i32
    %add3A_37 = vector.broadcast %add3A_36 : i32 to vector<16xi32>
    %add3A_38 = arith.addi %iota3A, %add3A_37 : vector<16xi32>
    %mul3A_39 = arith.constant 4 : i32
    %mul3A_40 = vector.broadcast %mul3A_39 : i32 to vector<16xi32>
    %mul3A_41 = arith.muli %add3A_38, %mul3A_40 : vector<16xi32>
    %add3A_42 = arith.constant 0 : i32
    %add3A_43 = vector.broadcast %add3A_42 : i32 to vector<16xi32>
    %add3A_44 = arith.addi %mul3A_41, %add3A_43 : vector<16xi32>
    %gather3A_45 = tpu.vector_load_idx %arg11[%add3A_44] : memref<320xi32, #tpu.memory_space<vmem>>[vector<16xi32>], vector<16xi32>,
    %swap3A_46 = arith.constant 16 : index
    %swap3A_47 = tpu.vector_load %arg13[%swap3A_46] {strides = array<i32>} : memref<80xi32, #tpu.memory_space<vmem>>, vector<16xi32>,
    tpu.vector_store %arg13[%swap3A_46], %gather3A_45 {strides = array<i32>} : memref<80xi32, #tpu.memory_space<vmem>>, vector<16xi32>,
    %add3A_48 = arith.constant 32 : i32
    %add3A_49 = vector.broadcast %add3A_48 : i32 to vector<16xi32>
    %add3A_50 = arith.addi %iota3A, %add3A_49 : vector<16xi32>
    %mul3A_51 = arith.constant 4 : i32
    %mul3A_52 = vector.broadcast %mul3A_51 : i32 to vector<16xi32>
    %mul3A_53 = arith.muli %add3A_50, %mul3A_52 : vector<16xi32>
    %add3A_54 = arith.constant 0 : i32
    %add3A_55 = vector.broadcast %add3A_54 : i32 to vector<16xi32>
    %add3A_56 = arith.addi %mul3A_53, %add3A_55 : vector<16xi32>
    %gather3A_57 = tpu.vector_load_idx %arg11[%add3A_56] : memref<320xi32, #tpu.memory_space<vmem>>[vector<16xi32>], vector<16xi32>,
    %swap3A_58 = arith.constant 32 : index
    %swap3A_59 = tpu.vector_load %arg13[%swap3A_58] {strides = array<i32>} : memref<80xi32, #tpu.memory_space<vmem>>, vector<16xi32>,
    tpu.vector_store %arg13[%swap3A_58], %gather3A_57 {strides = array<i32>} : memref<80xi32, #tpu.memory_space<vmem>>, vector<16xi32>,
    %add3A_60 = arith.constant 48 : i32
    %add3A_61 = vector.broadcast %add3A_60 : i32 to vector<16xi32>
    %add3A_62 = arith.addi %iota3A, %add3A_61 : vector<16xi32>
    %mul3A_63 = arith.constant 4 : i32
    %mul3A_64 = vector.broadcast %mul3A_63 : i32 to vector<16xi32>
    %mul3A_65 = arith.muli %add3A_62, %mul3A_64 : vector<16xi32>
    %add3A_66 = arith.constant 0 : i32
    %add3A_67 = vector.broadcast %add3A_66 : i32 to vector<16xi32>
    %add3A_68 = arith.addi %mul3A_65, %add3A_67 : vector<16xi32>
    %gather3A_69 = tpu.vector_load_idx %arg11[%add3A_68] : memref<320xi32, #tpu.memory_space<vmem>>[vector<16xi32>], vector<16xi32>,
    %swap3A_70 = arith.constant 48 : index
    %swap3A_71 = tpu.vector_load %arg13[%swap3A_70] {strides = array<i32>} : memref<80xi32, #tpu.memory_space<vmem>>, vector<16xi32>,
    tpu.vector_store %arg13[%swap3A_70], %gather3A_69 {strides = array<i32>} : memref<80xi32, #tpu.memory_space<vmem>>, vector<16xi32>,
    %add3A_72 = arith.constant 64 : i32
    %add3A_73 = vector.broadcast %add3A_72 : i32 to vector<16xi32>
    %add3A_74 = arith.addi %iota3A, %add3A_73 : vector<16xi32>
    %mul3A_75 = arith.constant 4 : i32
    %mul3A_76 = vector.broadcast %mul3A_75 : i32 to vector<16xi32>
    %mul3A_77 = arith.muli %add3A_74, %mul3A_76 : vector<16xi32>
    %add3A_78 = arith.constant 0 : i32
    %add3A_79 = vector.broadcast %add3A_78 : i32 to vector<16xi32>
    %add3A_80 = arith.addi %mul3A_77, %add3A_79 : vector<16xi32>
    %gather3A_81 = tpu.vector_load_idx %arg11[%add3A_80] : memref<320xi32, #tpu.memory_space<vmem>>[vector<16xi32>], vector<16xi32>,
    %swap3A_82 = arith.constant 64 : index
    %swap3A_83 = tpu.vector_load %arg13[%swap3A_82] {strides = array<i32>} : memref<80xi32, #tpu.memory_space<vmem>>, vector<16xi32>,
    tpu.vector_store %arg13[%swap3A_82], %gather3A_81 {strides = array<i32>} : memref<80xi32, #tpu.memory_space<vmem>>, vector<16xi32>,
    %iota3A_84 = tpu.iota {dimensions = array<i32: 0>} : vector<16xi32>
    %add3A_85 = arith.constant 0 : i32
    %add3A_86 = vector.broadcast %add3A_85 : i32 to vector<16xi32>
    %add3A_87 = arith.addi %iota3A_84, %add3A_86 : vector<16xi32>
    %mul3A_88 = arith.constant 4 : i32
    %mul3A_89 = vector.broadcast %mul3A_88 : i32 to vector<16xi32>
    %mul3A_90 = arith.muli %add3A_87, %mul3A_89 : vector<16xi32>
    %add3A_91 = arith.constant 1 : i32
    %add3A_92 = vector.broadcast %add3A_91 : i32 to vector<16xi32>
    %add3A_93 = arith.addi %mul3A_90, %add3A_92 : vector<16xi32>
    %gather3A_94 = tpu.vector_load_idx %arg11[%add3A_93] : memref<320xi32, #tpu.memory_space<vmem>>[vector<16xi32>], vector<16xi32>,
    %swap3A_95 = arith.constant 0 : index
    %swap3A_96 = tpu.vector_load %arg15[%swap3A_95] {strides = array<i32>} : memref<80xi32, #tpu.memory_space<vmem>>, vector<16xi32>,
    tpu.vector_store %arg15[%swap3A_95], %gather3A_94 {strides = array<i32>} : memref<80xi32, #tpu.memory_space<vmem>>, vector<16xi32>,
    %add3A_97 = arith.constant 16 : i32
    %add3A_98 = vector.broadcast %add3A_97 : i32 to vector<16xi32>
    %add3A_99 = arith.addi %iota3A_84, %add3A_98 : vector<16xi32>
    %mul3A_100 = arith.constant 4 : i32
    %mul3A_101 = vector.broadcast %mul3A_100 : i32 to vector<16xi32>
    %mul3A_102 = arith.muli %add3A_99, %mul3A_101 : vector<16xi32>
    %add3A_103 = arith.constant 1 : i32
    %add3A_104 = vector.broadcast %add3A_103 : i32 to vector<16xi32>
    %add3A_105 = arith.addi %mul3A_102, %add3A_104 : vector<16xi32>
    %gather3A_106 = tpu.vector_load_idx %arg11[%add3A_105] : memref<320xi32, #tpu.memory_space<vmem>>[vector<16xi32>], vector<16xi32>,
    %swap3A_107 = arith.constant 16 : index
    %swap3A_108 = tpu.vector_load %arg15[%swap3A_107] {strides = array<i32>} : memref<80xi32, #tpu.memory_space<vmem>>, vector<16xi32>,
    tpu.vector_store %arg15[%swap3A_107], %gather3A_106 {strides = array<i32>} : memref<80xi32, #tpu.memory_space<vmem>>, vector<16xi32>,
    %add3A_109 = arith.constant 32 : i32
    %add3A_110 = vector.broadcast %add3A_109 : i32 to vector<16xi32>
    %add3A_111 = arith.addi %iota3A_84, %add3A_110 : vector<16xi32>
    %mul3A_112 = arith.constant 4 : i32
    %mul3A_113 = vector.broadcast %mul3A_112 : i32 to vector<16xi32>
    %mul3A_114 = arith.muli %add3A_111, %mul3A_113 : vector<16xi32>
    %add3A_115 = arith.constant 1 : i32
    %add3A_116 = vector.broadcast %add3A_115 : i32 to vector<16xi32>
    %add3A_117 = arith.addi %mul3A_114, %add3A_116 : vector<16xi32>
    %gather3A_118 = tpu.vector_load_idx %arg11[%add3A_117] : memref<320xi32, #tpu.memory_space<vmem>>[vector<16xi32>], vector<16xi32>,
    %swap3A_119 = arith.constant 32 : index
    %swap3A_120 = tpu.vector_load %arg15[%swap3A_119] {strides = array<i32>} : memref<80xi32, #tpu.memory_space<vmem>>, vector<16xi32>,
    tpu.vector_store %arg15[%swap3A_119], %gather3A_118 {strides = array<i32>} : memref<80xi32, #tpu.memory_space<vmem>>, vector<16xi32>,
    %add3A_121 = arith.constant 48 : i32
    %add3A_122 = vector.broadcast %add3A_121 : i32 to vector<16xi32>
    %add3A_123 = arith.addi %iota3A_84, %add3A_122 : vector<16xi32>
    %mul3A_124 = arith.constant 4 : i32
    %mul3A_125 = vector.broadcast %mul3A_124 : i32 to vector<16xi32>
    %mul3A_126 = arith.muli %add3A_123, %mul3A_125 : vector<16xi32>
    %add3A_127 = arith.constant 1 : i32
    %add3A_128 = vector.broadcast %add3A_127 : i32 to vector<16xi32>
    %add3A_129 = arith.addi %mul3A_126, %add3A_128 : vector<16xi32>
    %gather3A_130 = tpu.vector_load_idx %arg11[%add3A_129] : memref<320xi32, #tpu.memory_space<vmem>>[vector<16xi32>], vector<16xi32>,
    %swap3A_131 = arith.constant 48 : index
    %swap3A_132 = tpu.vector_load %arg15[%swap3A_131] {strides = array<i32>} : memref<80xi32, #tpu.memory_space<vmem>>, vector<16xi32>,
    tpu.vector_store %arg15[%swap3A_131], %gather3A_130 {strides = array<i32>} : memref<80xi32, #tpu.memory_space<vmem>>, vector<16xi32>,
    %add3A_133 = arith.constant 64 : i32
    %add3A_134 = vector.broadcast %add3A_133 : i32 to vector<16xi32>
    %add3A_135 = arith.addi %iota3A_84, %add3A_134 : vector<16xi32>
    %mul3A_136 = arith.constant 4 : i32
    %mul3A_137 = vector.broadcast %mul3A_136 : i32 to vector<16xi32>
    %mul3A_138 = arith.muli %add3A_135, %mul3A_137 : vector<16xi32>
    %add3A_139 = arith.constant 1 : i32
    %add3A_140 = vector.broadcast %add3A_139 : i32 to vector<16xi32>
    %add3A_141 = arith.addi %mul3A_138, %add3A_140 : vector<16xi32>
    %gather3A_142 = tpu.vector_load_idx %arg11[%add3A_141] : memref<320xi32, #tpu.memory_space<vmem>>[vector<16xi32>], vector<16xi32>,
    %swap3A_143 = arith.constant 64 : index
    %swap3A_144 = tpu.vector_load %arg15[%swap3A_143] {strides = array<i32>} : memref<80xi32, #tpu.memory_space<vmem>>, vector<16xi32>,
    tpu.vector_store %arg15[%swap3A_143], %gather3A_142 {strides = array<i32>} : memref<80xi32, #tpu.memory_space<vmem>>, vector<16xi32>,
    %add3A_145 = arith.constant 9760 : i32
    %add3A_146 = arith.addi %mul3A_2, %add3A_145 : i32
    %multiple_of3A_147 = tpu.assume_multiple %add3A_146, 8 : i32
    %dma_wait3A_148 = arith.constant 0 : i32
    %dma_wait3A_149 = tpu.memref_slice %arg7[%multiple_of3A_147, %dma_wait3A_148] : memref<320000x128xf32, #tpu.memory_space<hbm>> -> memref<80x128xf32, #tpu.memory_space<hbm>>
    %dma_wait3A_150 = arith.constant 0 : i32
    %dma_wait3A_151 = tpu.memref_slice %arg7[%multiple_of3A_147, %dma_wait3A_150] : memref<320000x128xf32, #tpu.memory_space<hbm>> -> memref<80x128xf32, #tpu.memory_space<hbm>>
    tpu.wait_dma2 semaphore(%arg25 : memref<!tpu.dma_semaphore, #tpu.memory_space<semaphore_mem>>) src(%arg17 : memref<80x128xf32, #tpu.memory_space<vmem>>) dst(%dma_wait3A_151 : memref<80x128xf32, #tpu.memory_space<hbm>>)
    %dma_wait3A_152 = arith.constant 0 : i32
    %dma_wait3A_153 = tpu.memref_slice %arg8[%multiple_of3A_147, %dma_wait3A_152] : memref<320000x128xf32, #tpu.memory_space<hbm>> -> memref<80x128xf32, #tpu.memory_space<hbm>>
    %dma_wait3A_154 = arith.constant 0 : i32
    %dma_wait3A_155 = tpu.memref_slice %arg8[%multiple_of3A_147, %dma_wait3A_154] : memref<320000x128xf32, #tpu.memory_space<hbm>> -> memref<80x128xf32, #tpu.memory_space<hbm>>
    tpu.wait_dma2 semaphore(%arg25 : memref<!tpu.dma_semaphore, #tpu.memory_space<semaphore_mem>>) src(%arg19 : memref<80x128xf32, #tpu.memory_space<vmem>>) dst(%dma_wait3A_155 : memref<80x128xf32, #tpu.memory_space<hbm>>)
    %dma_wait3A_156 = arith.constant 0 : i32
    %dma_wait3A_157 = tpu.memref_slice %arg9[%multiple_of3A_147, %dma_wait3A_156] : memref<320000x128xf32, #tpu.memory_space<hbm>> -> memref<80x128xf32, #tpu.memory_space<hbm>>
    %dma_wait3A_158 = arith.constant 0 : i32
    %dma_wait3A_159 = tpu.memref_slice %arg9[%multiple_of3A_147, %dma_wait3A_158] : memref<320000x128xf32, #tpu.memory_space<hbm>> -> memref<80x128xf32, #tpu.memory_space<hbm>>
    tpu.wait_dma2 semaphore(%arg25 : memref<!tpu.dma_semaphore, #tpu.memory_space<semaphore_mem>>) src(%arg21 : memref<80x128xf32, #tpu.memory_space<vmem>>) dst(%dma_wait3A_159 : memref<80x128xf32, #tpu.memory_space<hbm>>)
    %dma_start3A_160 = arith.constant 0 : i32
    %dma_start3A_161 = arith.constant 0 : i32
    %dma_start3A_162 = tpu.memref_slice %arg2[%dma_start3A_160, %dma_start3A_161] : memref<10000x128xf32, #tpu.memory_space<hbm>> -> memref<10000x128xf32, #tpu.memory_space<hbm>>
    tpu.enqueue_indirect_dma source(%dma_start3A_162 : memref<10000x128xf32, #tpu.memory_space<hbm>>) target(%arg17 : memref<80x128xf32, #tpu.memory_space<vmem>>) offsets(%arg13 : memref<80xi32, #tpu.memory_space<vmem>>) semaphore(%arg27 : memref<!tpu.dma_semaphore, #tpu.memory_space<semaphore_mem>>)
    %dma_start3A_163 = arith.constant 0 : i32
    %dma_start3A_164 = arith.constant 0 : i32
    %dma_start3A_165 = tpu.memref_slice %arg3[%dma_start3A_163, %dma_start3A_164] : memref<10000x128xf32, #tpu.memory_space<hbm>> -> memref<10000x128xf32, #tpu.memory_space<hbm>>
    tpu.enqueue_indirect_dma source(%dma_start3A_165 : memref<10000x128xf32, #tpu.memory_space<hbm>>) target(%arg19 : memref<80x128xf32, #tpu.memory_space<vmem>>) offsets(%arg15 : memref<80xi32, #tpu.memory_space<vmem>>) semaphore(%arg27 : memref<!tpu.dma_semaphore, #tpu.memory_space<semaphore_mem>>)
    %dma_start3A_166 = arith.constant 0 : i32
    %dma_start3A_167 = arith.constant 0 : i32
    %dma_start3A_168 = tpu.memref_slice %arg4[%dma_start3A_166, %dma_start3A_167] : memref<10000x128xf32, #tpu.memory_space<hbm>> -> memref<10000x128xf32, #tpu.memory_space<hbm>>
    tpu.enqueue_indirect_dma source(%dma_start3A_168 : memref<10000x128xf32, #tpu.memory_space<hbm>>) target(%arg21 : memref<80x128xf32, #tpu.memory_space<vmem>>) offsets(%arg15 : memref<80xi32, #tpu.memory_space<vmem>>) semaphore(%arg27 : memref<!tpu.dma_semaphore, #tpu.memory_space<semaphore_mem>>)
    %dma_wait3A_169 = arith.constant 0 : i32
    %dma_wait3A_170 = arith.constant 0 : i32
    %dma_wait3A_171 = tpu.memref_slice %arg2[%dma_wait3A_169, %dma_wait3A_170] : memref<10000x128xf32, #tpu.memory_space<hbm>> -> memref<10000x128xf32, #tpu.memory_space<hbm>>
    tpu.wait_indirect_dma semaphore(%arg27 : memref<!tpu.dma_semaphore, #tpu.memory_space<semaphore_mem>>) src(%dma_wait3A_171 : memref<10000x128xf32, #tpu.memory_space<hbm>>) dst(%arg17 : memref<80x128xf32, #tpu.memory_space<vmem>>)
    %dma_wait3A_172 = arith.constant 0 : i32
    %dma_wait3A_173 = arith.constant 0 : i32
    %dma_wait3A_174 = tpu.memref_slice %arg3[%dma_wait3A_172, %dma_wait3A_173] : memref<10000x128xf32, #tpu.memory_space<hbm>> -> memref<10000x128xf32, #tpu.memory_space<hbm>>
    tpu.wait_indirect_dma semaphore(%arg27 : memref<!tpu.dma_semaphore, #tpu.memory_space<semaphore_mem>>) src(%dma_wait3A_174 : memref<10000x128xf32, #tpu.memory_space<hbm>>) dst(%arg19 : memref<80x128xf32, #tpu.memory_space<vmem>>)
    %dma_wait3A_175 = arith.constant 0 : i32
    %dma_wait3A_176 = arith.constant 0 : i32
    %dma_wait3A_177 = tpu.memref_slice %arg4[%dma_wait3A_175, %dma_wait3A_176] : memref<10000x128xf32, #tpu.memory_space<hbm>> -> memref<10000x128xf32, #tpu.memory_space<hbm>>
    tpu.wait_indirect_dma semaphore(%arg27 : memref<!tpu.dma_semaphore, #tpu.memory_space<semaphore_mem>>) src(%dma_wait3A_177 : memref<10000x128xf32, #tpu.memory_space<hbm>>) dst(%arg21 : memref<80x128xf32, #tpu.memory_space<vmem>>)
    %dma_start3A_178 = arith.constant 0 : i32
    %dma_start3A_179 = tpu.memref_slice %arg7[%multiple_of3A_22, %dma_start3A_178] : memref<320000x128xf32, #tpu.memory_space<hbm>> -> memref<80x128xf32, #tpu.memory_space<hbm>>
    %dma_start3A_180 = arith.constant 0 : i32
    %dma_start3A_181 = tpu.memref_slice %arg7[%multiple_of3A_22, %dma_start3A_180] : memref<320000x128xf32, #tpu.memory_space<hbm>> -> memref<80x128xf32, #tpu.memory_space<hbm>>
    tpu.enqueue_dma source(%arg17 : memref<80x128xf32, #tpu.memory_space<vmem>>) target(%dma_start3A_181 : memref<80x128xf32, #tpu.memory_space<hbm>>) target_semaphore(%arg25 : memref<!tpu.dma_semaphore, #tpu.memory_space<semaphore_mem>>)
    %dma_start3A_182 = arith.constant 0 : i32
    %dma_start3A_183 = tpu.memref_slice %arg8[%multiple_of3A_22, %dma_start3A_182] : memref<320000x128xf32, #tpu.memory_space<hbm>> -> memref<80x128xf32, #tpu.memory_space<hbm>>
    %dma_start3A_184 = arith.constant 0 : i32
    %dma_start3A_185 = tpu.memref_slice %arg8[%multiple_of3A_22, %dma_start3A_184] : memref<320000x128xf32, #tpu.memory_space<hbm>> -> memref<80x128xf32, #tpu.memory_space<hbm>>
    tpu.enqueue_dma source(%arg19 : memref<80x128xf32, #tpu.memory_space<vmem>>) target(%dma_start3A_185 : memref<80x128xf32, #tpu.memory_space<hbm>>) target_semaphore(%arg25 : memref<!tpu.dma_semaphore, #tpu.memory_space<semaphore_mem>>)
    %dma_start3A_186 = arith.constant 0 : i32
    %dma_start3A_187 = tpu.memref_slice %arg9[%multiple_of3A_22, %dma_start3A_186] : memref<320000x128xf32, #tpu.memory_space<hbm>> -> memref<80x128xf32, #tpu.memory_space<hbm>>
    %dma_start3A_188 = arith.constant 0 : i32
    %dma_start3A_189 = tpu.memref_slice %arg9[%multiple_of3A_22, %dma_start3A_188] : memref<320000x128xf32, #tpu.memory_space<hbm>> -> memref<80x128xf32, #tpu.memory_space<hbm>>
    tpu.enqueue_dma source(%arg21 : memref<80x128xf32, #tpu.memory_space<vmem>>) target(%dma_start3A_189 : memref<80x128xf32, #tpu.memory_space<hbm>>) target_semaphore(%arg25 : memref<!tpu.dma_semaphore, #tpu.memory_space<semaphore_mem>>)
    %add3A_190 = arith.constant 9840 : i32
    %add3A_191 = arith.addi %mul3A_2, %add3A_190 : i32
    %multiple_of3A_192 = tpu.assume_multiple %add3A_191, 8 : i32
    %dma_wait3A_193 = arith.constant 0 : i32
    %dma_wait3A_194 = tpu.memref_slice %arg7[%multiple_of3A_192, %dma_wait3A_193] : memref<320000x128xf32, #tpu.memory_space<hbm>> -> memref<80x128xf32, #tpu.memory_space<hbm>>
    %dma_wait3A_195 = arith.constant 0 : i32
    %dma_wait3A_196 = tpu.memref_slice %arg7[%multiple_of3A_192, %dma_wait3A_195] : memref<320000x128xf32, #tpu.memory_space<hbm>> -> memref<80x128xf32, #tpu.memory_space<hbm>>
    tpu.wait_dma2 semaphore(%arg26 : memref<!tpu.dma_semaphore, #tpu.memory_space<semaphore_mem>>) src(%arg18 : memref<80x128xf32, #tpu.memory_space<vmem>>) dst(%dma_wait3A_196 : memref<80x128xf32, #tpu.memory_space<hbm>>)
    %dma_wait3A_197 = arith.constant 0 : i32
    %dma_wait3A_198 = tpu.memref_slice %arg8[%multiple_of3A_192, %dma_wait3A_197] : memref<320000x128xf32, #tpu.memory_space<hbm>> -> memref<80x128xf32, #tpu.memory_space<hbm>>
    %dma_wait3A_199 = arith.constant 0 : i32
    %dma_wait3A_200 = tpu.memref_slice %arg8[%multiple_of3A_192, %dma_wait3A_199] : memref<320000x128xf32, #tpu.memory_space<hbm>> -> memref<80x128xf32, #tpu.memory_space<hbm>>
    tpu.wait_dma2 semaphore(%arg26 : memref<!tpu.dma_semaphore, #tpu.memory_space<semaphore_mem>>) src(%arg20 : memref<80x128xf32, #tpu.memory_space<vmem>>) dst(%dma_wait3A_200 : memref<80x128xf32, #tpu.memory_space<hbm>>)
    %dma_wait3A_201 = arith.constant 0 : i32
    %dma_wait3A_202 = tpu.memref_slice %arg9[%multiple_of3A_192, %dma_wait3A_201] : memref<320000x128xf32, #tpu.memory_space<hbm>> -> memref<80x128xf32, #tpu.memory_space<hbm>>
    %dma_wait3A_203 = arith.constant 0 : i32
    %dma_wait3A_204 = tpu.memref_slice %arg9[%multiple_of3A_192, %dma_wait3A_203] : memref<320000x128xf32, #tpu.memory_space<hbm>> -> memref<80x128xf32, #tpu.memory_space<hbm>>
    tpu.wait_dma2 semaphore(%arg26 : memref<!tpu.dma_semaphore, #tpu.memory_space<semaphore_mem>>) src(%arg22 : memref<80x128xf32, #tpu.memory_space<vmem>>) dst(%dma_wait3A_204 : memref<80x128xf32, #tpu.memory_space<hbm>>)
    %add3A_205 = arith.constant 9920 : i32
    %add3A_206 = arith.addi %mul3A_2, %add3A_205 : i32
    %multiple_of3A_207 = tpu.assume_multiple %add3A_206, 8 : i32
    %dma_wait3A_208 = arith.constant 0 : i32
    %dma_wait3A_209 = tpu.memref_slice %arg7[%multiple_of3A_207, %dma_wait3A_208] : memref<320000x128xf32, #tpu.memory_space<hbm>> -> memref<80x128xf32, #tpu.memory_space<hbm>>
    %dma_wait3A_210 = arith.constant 0 : i32
    %dma_wait3A_211 = tpu.memref_slice %arg7[%multiple_of3A_207, %dma_wait3A_210] : memref<320000x128xf32, #tpu.memory_space<hbm>> -> memref<80x128xf32, #tpu.memory_space<hbm>>
    tpu.wait_dma2 semaphore(%arg25 : memref<!tpu.dma_semaphore, #tpu.memory_space<semaphore_mem>>) src(%arg17 : memref<80x128xf32, #tpu.memory_space<vmem>>) dst(%dma_wait3A_211 : memref<80x128xf32, #tpu.memory_space<hbm>>)
    %dma_wait3A_212 = arith.constant 0 : i32
    %dma_wait3A_213 = tpu.memref_slice %arg8[%multiple_of3A_207, %dma_wait3A_212] : memref<320000x128xf32, #tpu.memory_space<hbm>> -> memref<80x128xf32, #tpu.memory_space<hbm>>
    %dma_wait3A_214 = arith.constant 0 : i32
    %dma_wait3A_215 = tpu.memref_slice %arg8[%multiple_of3A_207, %dma_wait3A_214] : memref<320000x128xf32, #tpu.memory_space<hbm>> -> memref<80x128xf32, #tpu.memory_space<hbm>>
    tpu.wait_dma2 semaphore(%arg25 : memref<!tpu.dma_semaphore, #tpu.memory_space<semaphore_mem>>) src(%arg19 : memref<80x128xf32, #tpu.memory_space<vmem>>) dst(%dma_wait3A_215 : memref<80x128xf32, #tpu.memory_space<hbm>>)
    %dma_wait3A_216 = arith.constant 0 : i32
    %dma_wait3A_217 = tpu.memref_slice %arg9[%multiple_of3A_207, %dma_wait3A_216] : memref<320000x128xf32, #tpu.memory_space<hbm>> -> memref<80x128xf32, #tpu.memory_space<hbm>>
    %dma_wait3A_218 = arith.constant 0 : i32
    %dma_wait3A_219 = tpu.memref_slice %arg9[%multiple_of3A_207, %dma_wait3A_218] : memref<320000x128xf32, #tpu.memory_space<hbm>> -> memref<80x128xf32, #tpu.memory_space<hbm>>
    tpu.wait_dma2 semaphore(%arg25 : memref<!tpu.dma_semaphore, #tpu.memory_space<semaphore_mem>>) src(%arg21 : memref<80x128xf32, #tpu.memory_space<vmem>>) dst(%dma_wait3A_219 : memref<80x128xf32, #tpu.memory_space<hbm>>)
    %lt3A = arith.constant 25 : i32
    %lt3A_220 = arith.cmpi slt, %add3A, %lt3A : i32
    %convert_element_type3A = arith.extui %lt3A_220 : i1 to i32
    %cond3A = arith.constant 0 : i32
    %cond3A_221 = arith.cmpi ne, %convert_element_type3A, %cond3A : i32
    scf.if %cond3A_221 {
      %scan3A_222 = arith.constant 0 : i32
      %scan3A_223 = arith.constant 0 : i32
      %scan3A_224 = arith.constant 5 : i32
      %scan3A_225 = arith.addi %scan3A_223, %scan3A_224 : i32
      %scan3A_226 = arith.constant 1 : i32
      scf.for %scan3A_228 = %scan3A_223 to %scan3A_225 step %scan3A_226  : i32 {
        %mul3A_229 = arith.constant 400 : i32
        %mul3A_230 = arith.muli %add3A, %mul3A_229 : i32
        %mul3A_231 = arith.constant 80 : i32
        %mul3A_232 = arith.muli %scan3A_228, %mul3A_231 : i32
        %add3A_233 = arith.addi %mul3A_230, %mul3A_232 : i32
        %multiple_of3A_234 = tpu.assume_multiple %add3A_233, 8 : i32
        "tpu.region"() ({
          %run_scoped3A = tpu.sem_alloc : memref<!tpu.dma_semaphore, #tpu.memory_space<semaphore_mem>>
          %dma_start3A_241 = tpu.memref_slice %arg6[%multiple_of3A_234] : memref<10000xi32, #tpu.memory_space<hbm>> -> memref<80xi32, #tpu.memory_space<hbm>>
          %dma_start3A_242 = tpu.memref_slice %arg6[%multiple_of3A_234] : memref<10000xi32, #tpu.memory_space<hbm>> -> memref<80xi32, #tpu.memory_space<hbm>>
          tpu.enqueue_dma source(%dma_start3A_242 : memref<80xi32, #tpu.memory_space<hbm>>) target(%arg13 : memref<80xi32, #tpu.memory_space<vmem>>) target_semaphore(%run_scoped3A : memref<!tpu.dma_semaphore, #tpu.memory_space<semaphore_mem>>)
          %dma_wait3A_243 = tpu.memref_slice %arg6[%multiple_of3A_234] : memref<10000xi32, #tpu.memory_space<hbm>> -> memref<80xi32, #tpu.memory_space<hbm>>
          %dma_wait3A_244 = tpu.memref_slice %arg6[%multiple_of3A_234] : memref<10000xi32, #tpu.memory_space<hbm>> -> memref<80xi32, #tpu.memory_space<hbm>>
          tpu.wait_dma2 semaphore(%run_scoped3A : memref<!tpu.dma_semaphore, #tpu.memory_space<semaphore_mem>>) src(%dma_wait3A_244 : memref<80xi32, #tpu.memory_space<hbm>>) dst(%arg13 : memref<80xi32, #tpu.memory_space<vmem>>)
          tpu.yield
        }) : () -> ()
        %dma_start3A_235 = arith.constant 0 : i32
        %dma_start3A_236 = arith.constant 0 : i32
        %dma_start3A_237 = tpu.memref_slice %arg2[%dma_start3A_235, %dma_start3A_236] : memref<10000x128xf32, #tpu.memory_space<hbm>> -> memref<10000x128xf32, #tpu.memory_space<hbm>>
        tpu.enqueue_indirect_dma source(%dma_start3A_237 : memref<10000x128xf32, #tpu.memory_space<hbm>>) target(%arg17 : memref<80x128xf32, #tpu.memory_space<vmem>>) offsets(%arg13 : memref<80xi32, #tpu.memory_space<vmem>>) semaphore(%arg27 : memref<!tpu.dma_semaphore, #tpu.memory_space<semaphore_mem>>)
        %dma_wait3A_238 = arith.constant 0 : i32
        %dma_wait3A_239 = arith.constant 0 : i32
        %dma_wait3A_240 = tpu.memref_slice %arg2[%dma_wait3A_238, %dma_wait3A_239] : memref<10000x128xf32, #tpu.memory_space<hbm>> -> memref<10000x128xf32, #tpu.memory_space<hbm>>
        tpu.wait_indirect_dma semaphore(%arg27 : memref<!tpu.dma_semaphore, #tpu.memory_space<semaphore_mem>>) src(%dma_wait3A_240 : memref<10000x128xf32, #tpu.memory_space<hbm>>) dst(%arg17 : memref<80x128xf32, #tpu.memory_space<vmem>>)
        "tpu.region"() ({
          %run_scoped3A = tpu.sem_alloc : memref<!tpu.dma_semaphore, #tpu.memory_space<semaphore_mem>>
          %dma_start3A_241 = arith.constant 0 : i32
          %dma_start3A_242 = tpu.memref_slice %arg10[%multiple_of3A_234, %dma_start3A_241] : memref<10000x128xf32, #tpu.memory_space<hbm>> -> memref<80x128xf32, #tpu.memory_space<hbm>>
          %dma_start3A_243 = arith.constant 0 : i32
          %dma_start3A_244 = tpu.memref_slice %arg10[%multiple_of3A_234, %dma_start3A_243] : memref<10000x128xf32, #tpu.memory_space<hbm>> -> memref<80x128xf32, #tpu.memory_space<hbm>>
          tpu.enqueue_dma source(%arg17 : memref<80x128xf32, #tpu.memory_space<vmem>>) target(%dma_start3A_244 : memref<80x128xf32, #tpu.memory_space<hbm>>) target_semaphore(%run_scoped3A : memref<!tpu.dma_semaphore, #tpu.memory_space<semaphore_mem>>)
          %dma_wait3A_245 = arith.constant 0 : i32
          %dma_wait3A_246 = tpu.memref_slice %arg10[%multiple_of3A_234, %dma_wait3A_245] : memref<10000x128xf32, #tpu.memory_space<hbm>> -> memref<80x128xf32, #tpu.memory_space<hbm>>
          %dma_wait3A_247 = arith.constant 0 : i32
          %dma_wait3A_248 = tpu.memref_slice %arg10[%multiple_of3A_234, %dma_wait3A_247] : memref<10000x128xf32, #tpu.memory_space<hbm>> -> memref<80x128xf32, #tpu.memory_space<hbm>>
          tpu.wait_dma2 semaphore(%run_scoped3A : memref<!tpu.dma_semaphore, #tpu.memory_space<semaphore_mem>>) src(%arg17 : memref<80x128xf32, #tpu.memory_space<vmem>>) dst(%dma_wait3A_248 : memref<80x128xf32, #tpu.memory_space<hbm>>)
          tpu.yield
        }) : () -> ()
      }
      %scan3A_227 = arith.constant 5 : i32
    } else {
    }
    return
  }
}

#map = affine_map<(d0, d1) -> (0, 0)>
#map1 = affine_map<(d0, d1) -> (0)>
module attributes {stable_mosaic.version = 14 : i64} {
  func.func @body(%arg0: i32, %arg1: i32, %arg2: memref<320000x64xf32, #tpu.memory_space<hbm>>, %arg3: memref<1280000xi32, #tpu.memory_space<hbm>>, %arg4: memref<632x64xf32, #tpu.memory_space<hbm>>, %arg5: memref<10112x64xf32, #tpu.memory_space<hbm>>, %arg6: memref<320xi32, #tpu.memory_space<vmem>>, %arg7: memref<320xi32, #tpu.memory_space<vmem>>, %arg8: memref<80xi32, #tpu.memory_space<vmem>>, %arg9: memref<80x64xf32, #tpu.memory_space<vmem>>, %arg10: memref<80x64xf32, #tpu.memory_space<vmem>>, %arg11: memref<632x64xf32, #tpu.memory_space<vmem>>, %arg12: memref<10112x64xf32, #tpu.memory_space<vmem_shared>>, %arg13: memref<!tpu.dma_semaphore, #tpu.memory_space<semaphore_mem>>, %arg14: memref<!tpu.dma_semaphore, #tpu.memory_space<semaphore_mem>>, %arg15: memref<!tpu.dma_semaphore, #tpu.memory_space<semaphore_mem>>, %arg16: memref<!tpu.dma_semaphore, #tpu.memory_space<semaphore_mem>>, %arg17: memref<!tpu.dma_semaphore, #tpu.memory_space<semaphore_mem>>) attributes {dimension_semantics = [#tpu.dimension_semantics<core_parallel>, #tpu.dimension_semantics<subcore_parallel>], iteration_bounds = array<i64: 1, 16>, scalar_prefetch = 0 : i64, scratch_operands = 12 : i64, tpu.core_type = #tpu.core_type<sc_vector_subcore>, window_params = [{transform_indices = #map}, {transform_indices = #map1}, {transform_indices = #map}, {transform_indices = #map}]} {
    "tpu.region"() ({
      %run_scoped3A = tpu.sem_alloc : memref<!tpu.dma_semaphore, #tpu.memory_space<semaphore_mem>>
      tpu.enqueue_dma source(%arg4 : memref<632x64xf32, #tpu.memory_space<hbm>>) target(%arg11 : memref<632x64xf32, #tpu.memory_space<vmem>>) target_semaphore(%run_scoped3A : memref<!tpu.dma_semaphore, #tpu.memory_space<semaphore_mem>>)
      tpu.wait_dma2 semaphore(%run_scoped3A : memref<!tpu.dma_semaphore, #tpu.memory_space<semaphore_mem>>) src(%arg4 : memref<632x64xf32, #tpu.memory_space<hbm>>) dst(%arg11 : memref<632x64xf32, #tpu.memory_space<vmem>>)
      tpu.yield
    }) : () -> ()
    %mul3A = arith.constant 632 : i32
    %mul3A_0 = arith.muli %arg1, %mul3A : i32
    "tpu.region"() ({
      %run_scoped3A = tpu.sem_alloc : memref<!tpu.dma_semaphore, #tpu.memory_space<semaphore_mem>>
      %dma_start3A_17 = arith.constant 0 : i32
      %dma_start3A_18 = tpu.memref_slice %arg12[%mul3A_0, %dma_start3A_17] : memref<10112x64xf32, #tpu.memory_space<vmem_shared>> -> memref<632x64xf32, #tpu.memory_space<vmem_shared>>
      %dma_start3A_19 = arith.constant 0 : i32
      %dma_start3A_20 = tpu.memref_slice %arg12[%mul3A_0, %dma_start3A_19] : memref<10112x64xf32, #tpu.memory_space<vmem_shared>> -> memref<632x64xf32, #tpu.memory_space<vmem_shared>>
      tpu.enqueue_dma source(%arg11 : memref<632x64xf32, #tpu.memory_space<vmem>>) target(%dma_start3A_20 : memref<632x64xf32, #tpu.memory_space<vmem_shared>>) target_semaphore(%run_scoped3A : memref<!tpu.dma_semaphore, #tpu.memory_space<semaphore_mem>>)
      %dma_wait3A = arith.constant 0 : i32
      %dma_wait3A_21 = tpu.memref_slice %arg12[%mul3A_0, %dma_wait3A] : memref<10112x64xf32, #tpu.memory_space<vmem_shared>> -> memref<632x64xf32, #tpu.memory_space<vmem_shared>>
      %dma_wait3A_22 = arith.constant 0 : i32
      %dma_wait3A_23 = tpu.memref_slice %arg12[%mul3A_0, %dma_wait3A_22] : memref<10112x64xf32, #tpu.memory_space<vmem_shared>> -> memref<632x64xf32, #tpu.memory_space<vmem_shared>>
      tpu.wait_dma2 semaphore(%run_scoped3A : memref<!tpu.dma_semaphore, #tpu.memory_space<semaphore_mem>>) src(%arg11 : memref<632x64xf32, #tpu.memory_space<vmem>>) dst(%dma_wait3A_23 : memref<632x64xf32, #tpu.memory_space<vmem_shared>>)
      tpu.yield
    }) : () -> ()
    %barrier3A = arith.constant 0 : index
    tpu.barrier barrier_id(%barrier3A)
    %mul3A_1 = arith.constant 20000 : i32
    %mul3A_2 = arith.muli %arg1, %mul3A_1 : i32
    %add3A = arith.constant 0 : i32
    %add3A_3 = arith.addi %mul3A_2, %add3A : i32
    %multiple_of3A = tpu.assume_multiple %add3A_3, 8 : i32
    %mul3A_4 = arith.constant 4 : i32
    %mul3A_5 = arith.muli %multiple_of3A, %mul3A_4 : i32
    %dma_start3A = tpu.memref_slice %arg3[%mul3A_5] : memref<1280000xi32, #tpu.memory_space<hbm>> -> memref<320xi32, #tpu.memory_space<hbm>>
    %dma_start3A_6 = tpu.memref_slice %arg3[%mul3A_5] : memref<1280000xi32, #tpu.memory_space<hbm>> -> memref<320xi32, #tpu.memory_space<hbm>>
    tpu.enqueue_dma source(%dma_start3A_6 : memref<320xi32, #tpu.memory_space<hbm>>) target(%arg6 : memref<320xi32, #tpu.memory_space<vmem>>) target_semaphore(%arg13 : memref<!tpu.dma_semaphore, #tpu.memory_space<semaphore_mem>>)
    %dma_start3A_7 = arith.constant 0 : i32
    %dma_start3A_8 = tpu.memref_slice %arg2[%multiple_of3A, %dma_start3A_7] : memref<320000x64xf32, #tpu.memory_space<hbm>> -> memref<80x64xf32, #tpu.memory_space<hbm>>
    %dma_start3A_9 = arith.constant 0 : i32
    %dma_start3A_10 = tpu.memref_slice %arg2[%multiple_of3A, %dma_start3A_9] : memref<320000x64xf32, #tpu.memory_space<hbm>> -> memref<80x64xf32, #tpu.memory_space<hbm>>
    tpu.enqueue_dma source(%dma_start3A_10 : memref<80x64xf32, #tpu.memory_space<hbm>>) target(%arg9 : memref<80x64xf32, #tpu.memory_space<vmem>>) target_semaphore(%arg15 : memref<!tpu.dma_semaphore, #tpu.memory_space<semaphore_mem>>)
    %scan3A = arith.constant 0 : i32
    %scan3A_11 = arith.constant 0 : i32
    %scan3A_12 = arith.constant 125 : i32
    %scan3A_13 = arith.addi %scan3A_11, %scan3A_12 : i32
    %scan3A_14 = arith.constant 1 : i32
    scf.for %scan3A_17 = %scan3A_11 to %scan3A_13 step %scan3A_14  : i32 {
      %mul3A_18 = arith.constant 2 : i32
      %mul3A_19 = arith.muli %scan3A_17, %mul3A_18 : i32
      %add3A_20 = arith.constant 1 : i32
      %add3A_21 = arith.addi %mul3A_19, %add3A_20 : i32
      %mul3A_22 = arith.constant 80 : i32
      %mul3A_23 = arith.muli %add3A_21, %mul3A_22 : i32
      %add3A_24 = arith.addi %mul3A_2, %mul3A_23 : i32
      %multiple_of3A_25 = tpu.assume_multiple %add3A_24, 8 : i32
      %mul3A_26 = arith.constant 4 : i32
      %mul3A_27 = arith.muli %multiple_of3A_25, %mul3A_26 : i32
      %dma_start3A_28 = tpu.memref_slice %arg3[%mul3A_27] : memref<1280000xi32, #tpu.memory_space<hbm>> -> memref<320xi32, #tpu.memory_space<hbm>>
      %dma_start3A_29 = tpu.memref_slice %arg3[%mul3A_27] : memref<1280000xi32, #tpu.memory_space<hbm>> -> memref<320xi32, #tpu.memory_space<hbm>>
      tpu.enqueue_dma source(%dma_start3A_29 : memref<320xi32, #tpu.memory_space<hbm>>) target(%arg7 : memref<320xi32, #tpu.memory_space<vmem>>) target_semaphore(%arg14 : memref<!tpu.dma_semaphore, #tpu.memory_space<semaphore_mem>>)
      %dma_start3A_30 = arith.constant 0 : i32
      %dma_start3A_31 = tpu.memref_slice %arg2[%multiple_of3A_25, %dma_start3A_30] : memref<320000x64xf32, #tpu.memory_space<hbm>> -> memref<80x64xf32, #tpu.memory_space<hbm>>
      %dma_start3A_32 = arith.constant 0 : i32
      %dma_start3A_33 = tpu.memref_slice %arg2[%multiple_of3A_25, %dma_start3A_32] : memref<320000x64xf32, #tpu.memory_space<hbm>> -> memref<80x64xf32, #tpu.memory_space<hbm>>
      tpu.enqueue_dma source(%dma_start3A_33 : memref<80x64xf32, #tpu.memory_space<hbm>>) target(%arg10 : memref<80x64xf32, #tpu.memory_space<vmem>>) target_semaphore(%arg16 : memref<!tpu.dma_semaphore, #tpu.memory_space<semaphore_mem>>)
      %mul3A_34 = arith.constant 80 : i32
      %mul3A_35 = arith.muli %mul3A_19, %mul3A_34 : i32
      %add3A_36 = arith.addi %mul3A_2, %mul3A_35 : i32
      %multiple_of3A_37 = tpu.assume_multiple %add3A_36, 8 : i32
      %mul3A_38 = arith.constant 4 : i32
      %mul3A_39 = arith.muli %multiple_of3A_37, %mul3A_38 : i32
      %dma_wait3A = tpu.memref_slice %arg3[%mul3A_39] : memref<1280000xi32, #tpu.memory_space<hbm>> -> memref<320xi32, #tpu.memory_space<hbm>>
      %dma_wait3A_40 = tpu.memref_slice %arg3[%mul3A_39] : memref<1280000xi32, #tpu.memory_space<hbm>> -> memref<320xi32, #tpu.memory_space<hbm>>
      tpu.wait_dma2 semaphore(%arg13 : memref<!tpu.dma_semaphore, #tpu.memory_space<semaphore_mem>>) src(%dma_wait3A_40 : memref<320xi32, #tpu.memory_space<hbm>>) dst(%arg6 : memref<320xi32, #tpu.memory_space<vmem>>)
      %dma_wait3A_41 = arith.constant 0 : i32
      %dma_wait3A_42 = tpu.memref_slice %arg2[%multiple_of3A_37, %dma_wait3A_41] : memref<320000x64xf32, #tpu.memory_space<hbm>> -> memref<80x64xf32, #tpu.memory_space<hbm>>
      %dma_wait3A_43 = arith.constant 0 : i32
      %dma_wait3A_44 = tpu.memref_slice %arg2[%multiple_of3A_37, %dma_wait3A_43] : memref<320000x64xf32, #tpu.memory_space<hbm>> -> memref<80x64xf32, #tpu.memory_space<hbm>>
      tpu.wait_dma2 semaphore(%arg15 : memref<!tpu.dma_semaphore, #tpu.memory_space<semaphore_mem>>) src(%dma_wait3A_44 : memref<80x64xf32, #tpu.memory_space<hbm>>) dst(%arg9 : memref<80x64xf32, #tpu.memory_space<vmem>>)
      %iota3A = tpu.iota {dimensions = array<i32: 0>} : vector<16xi32>
      %add3A_45 = arith.constant 0 : i32
      %add3A_46 = vector.broadcast %add3A_45 : i32 to vector<16xi32>
      %add3A_47 = arith.addi %iota3A, %add3A_46 : vector<16xi32>
      %mul3A_48 = arith.constant 4 : i32
      %mul3A_49 = vector.broadcast %mul3A_48 : i32 to vector<16xi32>
      %mul3A_50 = arith.muli %add3A_47, %mul3A_49 : vector<16xi32>
      %add3A_51 = arith.constant 3 : i32
      %add3A_52 = vector.broadcast %add3A_51 : i32 to vector<16xi32>
      %add3A_53 = arith.addi %mul3A_50, %add3A_52 : vector<16xi32>
      %gather3A = tpu.vector_load_idx %arg6[%add3A_53] : memref<320xi32, #tpu.memory_space<vmem>>[vector<16xi32>], vector<16xi32>,
      %swap3A = arith.constant 0 : index
      %swap3A_54 = tpu.vector_load %arg8[%swap3A] {strides = array<i32>} : memref<80xi32, #tpu.memory_space<vmem>>, vector<16xi32>,
      tpu.vector_store %arg8[%swap3A], %gather3A {strides = array<i32>} : memref<80xi32, #tpu.memory_space<vmem>>, vector<16xi32>,
      %add3A_55 = arith.constant 16 : i32
      %add3A_56 = vector.broadcast %add3A_55 : i32 to vector<16xi32>
      %add3A_57 = arith.addi %iota3A, %add3A_56 : vector<16xi32>
      %mul3A_58 = arith.constant 4 : i32
      %mul3A_59 = vector.broadcast %mul3A_58 : i32 to vector<16xi32>
      %mul3A_60 = arith.muli %add3A_57, %mul3A_59 : vector<16xi32>
      %add3A_61 = arith.constant 3 : i32
      %add3A_62 = vector.broadcast %add3A_61 : i32 to vector<16xi32>
      %add3A_63 = arith.addi %mul3A_60, %add3A_62 : vector<16xi32>
      %gather3A_64 = tpu.vector_load_idx %arg6[%add3A_63] : memref<320xi32, #tpu.memory_space<vmem>>[vector<16xi32>], vector<16xi32>,
      %swap3A_65 = arith.constant 16 : index
      %swap3A_66 = tpu.vector_load %arg8[%swap3A_65] {strides = array<i32>} : memref<80xi32, #tpu.memory_space<vmem>>, vector<16xi32>,
      tpu.vector_store %arg8[%swap3A_65], %gather3A_64 {strides = array<i32>} : memref<80xi32, #tpu.memory_space<vmem>>, vector<16xi32>,
      %add3A_67 = arith.constant 32 : i32
      %add3A_68 = vector.broadcast %add3A_67 : i32 to vector<16xi32>
      %add3A_69 = arith.addi %iota3A, %add3A_68 : vector<16xi32>
      %mul3A_70 = arith.constant 4 : i32
      %mul3A_71 = vector.broadcast %mul3A_70 : i32 to vector<16xi32>
      %mul3A_72 = arith.muli %add3A_69, %mul3A_71 : vector<16xi32>
      %add3A_73 = arith.constant 3 : i32
      %add3A_74 = vector.broadcast %add3A_73 : i32 to vector<16xi32>
      %add3A_75 = arith.addi %mul3A_72, %add3A_74 : vector<16xi32>
      %gather3A_76 = tpu.vector_load_idx %arg6[%add3A_75] : memref<320xi32, #tpu.memory_space<vmem>>[vector<16xi32>], vector<16xi32>,
      %swap3A_77 = arith.constant 32 : index
      %swap3A_78 = tpu.vector_load %arg8[%swap3A_77] {strides = array<i32>} : memref<80xi32, #tpu.memory_space<vmem>>, vector<16xi32>,
      tpu.vector_store %arg8[%swap3A_77], %gather3A_76 {strides = array<i32>} : memref<80xi32, #tpu.memory_space<vmem>>, vector<16xi32>,
      %add3A_79 = arith.constant 48 : i32
      %add3A_80 = vector.broadcast %add3A_79 : i32 to vector<16xi32>
      %add3A_81 = arith.addi %iota3A, %add3A_80 : vector<16xi32>
      %mul3A_82 = arith.constant 4 : i32
      %mul3A_83 = vector.broadcast %mul3A_82 : i32 to vector<16xi32>
      %mul3A_84 = arith.muli %add3A_81, %mul3A_83 : vector<16xi32>
      %add3A_85 = arith.constant 3 : i32
      %add3A_86 = vector.broadcast %add3A_85 : i32 to vector<16xi32>
      %add3A_87 = arith.addi %mul3A_84, %add3A_86 : vector<16xi32>
      %gather3A_88 = tpu.vector_load_idx %arg6[%add3A_87] : memref<320xi32, #tpu.memory_space<vmem>>[vector<16xi32>], vector<16xi32>,
      %swap3A_89 = arith.constant 48 : index
      %swap3A_90 = tpu.vector_load %arg8[%swap3A_89] {strides = array<i32>} : memref<80xi32, #tpu.memory_space<vmem>>, vector<16xi32>,
      tpu.vector_store %arg8[%swap3A_89], %gather3A_88 {strides = array<i32>} : memref<80xi32, #tpu.memory_space<vmem>>, vector<16xi32>,
      %add3A_91 = arith.constant 64 : i32
      %add3A_92 = vector.broadcast %add3A_91 : i32 to vector<16xi32>
      %add3A_93 = arith.addi %iota3A, %add3A_92 : vector<16xi32>
      %mul3A_94 = arith.constant 4 : i32
      %mul3A_95 = vector.broadcast %mul3A_94 : i32 to vector<16xi32>
      %mul3A_96 = arith.muli %add3A_93, %mul3A_95 : vector<16xi32>
      %add3A_97 = arith.constant 3 : i32
      %add3A_98 = vector.broadcast %add3A_97 : i32 to vector<16xi32>
      %add3A_99 = arith.addi %mul3A_96, %add3A_98 : vector<16xi32>
      %gather3A_100 = tpu.vector_load_idx %arg6[%add3A_99] : memref<320xi32, #tpu.memory_space<vmem>>[vector<16xi32>], vector<16xi32>,
      %swap3A_101 = arith.constant 64 : index
      %swap3A_102 = tpu.vector_load %arg8[%swap3A_101] {strides = array<i32>} : memref<80xi32, #tpu.memory_space<vmem>>, vector<16xi32>,
      tpu.vector_store %arg8[%swap3A_101], %gather3A_100 {strides = array<i32>} : memref<80xi32, #tpu.memory_space<vmem>>, vector<16xi32>,
      "tpu.region"() ({
        %run_scoped3A = tpu.sem_alloc : memref<!tpu.dma_semaphore, #tpu.memory_space<semaphore_mem>>
        %dma_start3A_180 = arith.constant 0 : i32
        %dma_start3A_181 = arith.constant 0 : i32
        %dma_start3A_182 = tpu.memref_slice %arg12[%dma_start3A_180, %dma_start3A_181] : memref<10112x64xf32, #tpu.memory_space<vmem_shared>> -> memref<10112x64xf32, #tpu.memory_space<vmem_shared>>
        tpu.enqueue_indirect_dma source(%arg9 : memref<80x64xf32, #tpu.memory_space<vmem>>) target(%dma_start3A_182 : memref<10112x64xf32, #tpu.memory_space<vmem_shared>>) offsets(%arg8 : memref<80xi32, #tpu.memory_space<vmem>>) semaphore(%run_scoped3A : memref<!tpu.dma_semaphore, #tpu.memory_space<semaphore_mem>>) {add = true}
        %dma_wait3A_183 = arith.constant 0 : i32
        %dma_wait3A_184 = arith.constant 0 : i32
        %dma_wait3A_185 = tpu.memref_slice %arg12[%dma_wait3A_183, %dma_wait3A_184] : memref<10112x64xf32, #tpu.memory_space<vmem_shared>> -> memref<10112x64xf32, #tpu.memory_space<vmem_shared>>
        tpu.wait_indirect_dma semaphore(%run_scoped3A : memref<!tpu.dma_semaphore, #tpu.memory_space<semaphore_mem>>) src(%arg9 : memref<80x64xf32, #tpu.memory_space<vmem>>) dst(%dma_wait3A_185 : memref<10112x64xf32, #tpu.memory_space<vmem_shared>>)
        tpu.yield
      }) : () -> ()
      %lt3A = arith.constant 124 : i32
      %lt3A_103 = arith.cmpi slt, %scan3A_17, %lt3A : i32
      %convert_element_type3A = arith.extui %lt3A_103 : i1 to i32
      %cond3A = arith.constant 0 : i32
      %cond3A_104 = arith.cmpi ne, %convert_element_type3A, %cond3A : i32
      scf.if %cond3A_104 {
        %add3A_180 = arith.constant 2 : i32
        %add3A_181 = arith.addi %mul3A_19, %add3A_180 : i32
        %mul3A_182 = arith.constant 80 : i32
        %mul3A_183 = arith.muli %add3A_181, %mul3A_182 : i32
        %add3A_184 = arith.addi %mul3A_2, %mul3A_183 : i32
        %multiple_of3A_185 = tpu.assume_multiple %add3A_184, 8 : i32
        %mul3A_186 = arith.constant 4 : i32
        %mul3A_187 = arith.muli %multiple_of3A_185, %mul3A_186 : i32
        %dma_start3A_188 = tpu.memref_slice %arg3[%mul3A_187] : memref<1280000xi32, #tpu.memory_space<hbm>> -> memref<320xi32, #tpu.memory_space<hbm>>
        %dma_start3A_189 = tpu.memref_slice %arg3[%mul3A_187] : memref<1280000xi32, #tpu.memory_space<hbm>> -> memref<320xi32, #tpu.memory_space<hbm>>
        tpu.enqueue_dma source(%dma_start3A_189 : memref<320xi32, #tpu.memory_space<hbm>>) target(%arg6 : memref<320xi32, #tpu.memory_space<vmem>>) target_semaphore(%arg13 : memref<!tpu.dma_semaphore, #tpu.memory_space<semaphore_mem>>)
        %dma_start3A_190 = arith.constant 0 : i32
        %dma_start3A_191 = tpu.memref_slice %arg2[%multiple_of3A_185, %dma_start3A_190] : memref<320000x64xf32, #tpu.memory_space<hbm>> -> memref<80x64xf32, #tpu.memory_space<hbm>>
        %dma_start3A_192 = arith.constant 0 : i32
        %dma_start3A_193 = tpu.memref_slice %arg2[%multiple_of3A_185, %dma_start3A_192] : memref<320000x64xf32, #tpu.memory_space<hbm>> -> memref<80x64xf32, #tpu.memory_space<hbm>>
        tpu.enqueue_dma source(%dma_start3A_193 : memref<80x64xf32, #tpu.memory_space<hbm>>) target(%arg9 : memref<80x64xf32, #tpu.memory_space<vmem>>) target_semaphore(%arg15 : memref<!tpu.dma_semaphore, #tpu.memory_space<semaphore_mem>>)
      } else {
      }
      %add3A_105 = arith.constant 1 : i32
      %add3A_106 = arith.addi %mul3A_19, %add3A_105 : i32
      %mul3A_107 = arith.constant 80 : i32
      %mul3A_108 = arith.muli %add3A_106, %mul3A_107 : i32
      %add3A_109 = arith.addi %mul3A_2, %mul3A_108 : i32
      %multiple_of3A_110 = tpu.assume_multiple %add3A_109, 8 : i32
      %mul3A_111 = arith.constant 4 : i32
      %mul3A_112 = arith.muli %multiple_of3A_110, %mul3A_111 : i32
      %dma_wait3A_113 = tpu.memref_slice %arg3[%mul3A_112] : memref<1280000xi32, #tpu.memory_space<hbm>> -> memref<320xi32, #tpu.memory_space<hbm>>
      %dma_wait3A_114 = tpu.memref_slice %arg3[%mul3A_112] : memref<1280000xi32, #tpu.memory_space<hbm>> -> memref<320xi32, #tpu.memory_space<hbm>>
      tpu.wait_dma2 semaphore(%arg14 : memref<!tpu.dma_semaphore, #tpu.memory_space<semaphore_mem>>) src(%dma_wait3A_114 : memref<320xi32, #tpu.memory_space<hbm>>) dst(%arg7 : memref<320xi32, #tpu.memory_space<vmem>>)
      %dma_wait3A_115 = arith.constant 0 : i32
      %dma_wait3A_116 = tpu.memref_slice %arg2[%multiple_of3A_110, %dma_wait3A_115] : memref<320000x64xf32, #tpu.memory_space<hbm>> -> memref<80x64xf32, #tpu.memory_space<hbm>>
      %dma_wait3A_117 = arith.constant 0 : i32
      %dma_wait3A_118 = tpu.memref_slice %arg2[%multiple_of3A_110, %dma_wait3A_117] : memref<320000x64xf32, #tpu.memory_space<hbm>> -> memref<80x64xf32, #tpu.memory_space<hbm>>
      tpu.wait_dma2 semaphore(%arg16 : memref<!tpu.dma_semaphore, #tpu.memory_space<semaphore_mem>>) src(%dma_wait3A_118 : memref<80x64xf32, #tpu.memory_space<hbm>>) dst(%arg10 : memref<80x64xf32, #tpu.memory_space<vmem>>)
      %iota3A_119 = tpu.iota {dimensions = array<i32: 0>} : vector<16xi32>
      %add3A_120 = arith.constant 0 : i32
      %add3A_121 = vector.broadcast %add3A_120 : i32 to vector<16xi32>
      %add3A_122 = arith.addi %iota3A_119, %add3A_121 : vector<16xi32>
      %mul3A_123 = arith.constant 4 : i32
      %mul3A_124 = vector.broadcast %mul3A_123 : i32 to vector<16xi32>
      %mul3A_125 = arith.muli %add3A_122, %mul3A_124 : vector<16xi32>
      %add3A_126 = arith.constant 3 : i32
      %add3A_127 = vector.broadcast %add3A_126 : i32 to vector<16xi32>
      %add3A_128 = arith.addi %mul3A_125, %add3A_127 : vector<16xi32>
      %gather3A_129 = tpu.vector_load_idx %arg7[%add3A_128] : memref<320xi32, #tpu.memory_space<vmem>>[vector<16xi32>], vector<16xi32>,
      %swap3A_130 = arith.constant 0 : index
      %swap3A_131 = tpu.vector_load %arg8[%swap3A_130] {strides = array<i32>} : memref<80xi32, #tpu.memory_space<vmem>>, vector<16xi32>,
      tpu.vector_store %arg8[%swap3A_130], %gather3A_129 {strides = array<i32>} : memref<80xi32, #tpu.memory_space<vmem>>, vector<16xi32>,
      %add3A_132 = arith.constant 16 : i32
      %add3A_133 = vector.broadcast %add3A_132 : i32 to vector<16xi32>
      %add3A_134 = arith.addi %iota3A_119, %add3A_133 : vector<16xi32>
      %mul3A_135 = arith.constant 4 : i32
      %mul3A_136 = vector.broadcast %mul3A_135 : i32 to vector<16xi32>
      %mul3A_137 = arith.muli %add3A_134, %mul3A_136 : vector<16xi32>
      %add3A_138 = arith.constant 3 : i32
      %add3A_139 = vector.broadcast %add3A_138 : i32 to vector<16xi32>
      %add3A_140 = arith.addi %mul3A_137, %add3A_139 : vector<16xi32>
      %gather3A_141 = tpu.vector_load_idx %arg7[%add3A_140] : memref<320xi32, #tpu.memory_space<vmem>>[vector<16xi32>], vector<16xi32>,
      %swap3A_142 = arith.constant 16 : index
      %swap3A_143 = tpu.vector_load %arg8[%swap3A_142] {strides = array<i32>} : memref<80xi32, #tpu.memory_space<vmem>>, vector<16xi32>,
      tpu.vector_store %arg8[%swap3A_142], %gather3A_141 {strides = array<i32>} : memref<80xi32, #tpu.memory_space<vmem>>, vector<16xi32>,
      %add3A_144 = arith.constant 32 : i32
      %add3A_145 = vector.broadcast %add3A_144 : i32 to vector<16xi32>
      %add3A_146 = arith.addi %iota3A_119, %add3A_145 : vector<16xi32>
      %mul3A_147 = arith.constant 4 : i32
      %mul3A_148 = vector.broadcast %mul3A_147 : i32 to vector<16xi32>
      %mul3A_149 = arith.muli %add3A_146, %mul3A_148 : vector<16xi32>
      %add3A_150 = arith.constant 3 : i32
      %add3A_151 = vector.broadcast %add3A_150 : i32 to vector<16xi32>
      %add3A_152 = arith.addi %mul3A_149, %add3A_151 : vector<16xi32>
      %gather3A_153 = tpu.vector_load_idx %arg7[%add3A_152] : memref<320xi32, #tpu.memory_space<vmem>>[vector<16xi32>], vector<16xi32>,
      %swap3A_154 = arith.constant 32 : index
      %swap3A_155 = tpu.vector_load %arg8[%swap3A_154] {strides = array<i32>} : memref<80xi32, #tpu.memory_space<vmem>>, vector<16xi32>,
      tpu.vector_store %arg8[%swap3A_154], %gather3A_153 {strides = array<i32>} : memref<80xi32, #tpu.memory_space<vmem>>, vector<16xi32>,
      %add3A_156 = arith.constant 48 : i32
      %add3A_157 = vector.broadcast %add3A_156 : i32 to vector<16xi32>
      %add3A_158 = arith.addi %iota3A_119, %add3A_157 : vector<16xi32>
      %mul3A_159 = arith.constant 4 : i32
      %mul3A_160 = vector.broadcast %mul3A_159 : i32 to vector<16xi32>
      %mul3A_161 = arith.muli %add3A_158, %mul3A_160 : vector<16xi32>
      %add3A_162 = arith.constant 3 : i32
      %add3A_163 = vector.broadcast %add3A_162 : i32 to vector<16xi32>
      %add3A_164 = arith.addi %mul3A_161, %add3A_163 : vector<16xi32>
      %gather3A_165 = tpu.vector_load_idx %arg7[%add3A_164] : memref<320xi32, #tpu.memory_space<vmem>>[vector<16xi32>], vector<16xi32>,
      %swap3A_166 = arith.constant 48 : index
      %swap3A_167 = tpu.vector_load %arg8[%swap3A_166] {strides = array<i32>} : memref<80xi32, #tpu.memory_space<vmem>>, vector<16xi32>,
      tpu.vector_store %arg8[%swap3A_166], %gather3A_165 {strides = array<i32>} : memref<80xi32, #tpu.memory_space<vmem>>, vector<16xi32>,
      %add3A_168 = arith.constant 64 : i32
      %add3A_169 = vector.broadcast %add3A_168 : i32 to vector<16xi32>
      %add3A_170 = arith.addi %iota3A_119, %add3A_169 : vector<16xi32>
      %mul3A_171 = arith.constant 4 : i32
      %mul3A_172 = vector.broadcast %mul3A_171 : i32 to vector<16xi32>
      %mul3A_173 = arith.muli %add3A_170, %mul3A_172 : vector<16xi32>
      %add3A_174 = arith.constant 3 : i32
      %add3A_175 = vector.broadcast %add3A_174 : i32 to vector<16xi32>
      %add3A_176 = arith.addi %mul3A_173, %add3A_175 : vector<16xi32>
      %gather3A_177 = tpu.vector_load_idx %arg7[%add3A_176] : memref<320xi32, #tpu.memory_space<vmem>>[vector<16xi32>], vector<16xi32>,
      %swap3A_178 = arith.constant 64 : index
      %swap3A_179 = tpu.vector_load %arg8[%swap3A_178] {strides = array<i32>} : memref<80xi32, #tpu.memory_space<vmem>>, vector<16xi32>,
      tpu.vector_store %arg8[%swap3A_178], %gather3A_177 {strides = array<i32>} : memref<80xi32, #tpu.memory_space<vmem>>, vector<16xi32>,
      "tpu.region"() ({
        %run_scoped3A = tpu.sem_alloc : memref<!tpu.dma_semaphore, #tpu.memory_space<semaphore_mem>>
        %dma_start3A_180 = arith.constant 0 : i32
        %dma_start3A_181 = arith.constant 0 : i32
        %dma_start3A_182 = tpu.memref_slice %arg12[%dma_start3A_180, %dma_start3A_181] : memref<10112x64xf32, #tpu.memory_space<vmem_shared>> -> memref<10112x64xf32, #tpu.memory_space<vmem_shared>>
        tpu.enqueue_indirect_dma source(%arg10 : memref<80x64xf32, #tpu.memory_space<vmem>>) target(%dma_start3A_182 : memref<10112x64xf32, #tpu.memory_space<vmem_shared>>) offsets(%arg8 : memref<80xi32, #tpu.memory_space<vmem>>) semaphore(%run_scoped3A : memref<!tpu.dma_semaphore, #tpu.memory_space<semaphore_mem>>) {add = true}
        %dma_wait3A_183 = arith.constant 0 : i32
        %dma_wait3A_184 = arith.constant 0 : i32
        %dma_wait3A_185 = tpu.memref_slice %arg12[%dma_wait3A_183, %dma_wait3A_184] : memref<10112x64xf32, #tpu.memory_space<vmem_shared>> -> memref<10112x64xf32, #tpu.memory_space<vmem_shared>>
        tpu.wait_indirect_dma semaphore(%run_scoped3A : memref<!tpu.dma_semaphore, #tpu.memory_space<semaphore_mem>>) src(%arg10 : memref<80x64xf32, #tpu.memory_space<vmem>>) dst(%dma_wait3A_185 : memref<10112x64xf32, #tpu.memory_space<vmem_shared>>)
        tpu.yield
      }) : () -> ()
    }
    %scan3A_15 = arith.constant 125 : i32
    %barrier3A_16 = arith.constant 0 : index
    tpu.barrier barrier_id(%barrier3A_16)
    "tpu.region"() ({
      %run_scoped3A = tpu.sem_alloc : memref<!tpu.dma_semaphore, #tpu.memory_space<semaphore_mem>>
      %dma_start3A_17 = arith.constant 0 : i32
      %dma_start3A_18 = tpu.memref_slice %arg12[%mul3A_0, %dma_start3A_17] : memref<10112x64xf32, #tpu.memory_space<vmem_shared>> -> memref<632x64xf32, #tpu.memory_space<vmem_shared>>
      %dma_start3A_19 = arith.constant 0 : i32
      %dma_start3A_20 = tpu.memref_slice %arg12[%mul3A_0, %dma_start3A_19] : memref<10112x64xf32, #tpu.memory_space<vmem_shared>> -> memref<632x64xf32, #tpu.memory_space<vmem_shared>>
      tpu.enqueue_dma source(%dma_start3A_20 : memref<632x64xf32, #tpu.memory_space<vmem_shared>>) target(%arg11 : memref<632x64xf32, #tpu.memory_space<vmem>>) target_semaphore(%run_scoped3A : memref<!tpu.dma_semaphore, #tpu.memory_space<semaphore_mem>>)
      %dma_wait3A = arith.constant 0 : i32
      %dma_wait3A_21 = tpu.memref_slice %arg12[%mul3A_0, %dma_wait3A] : memref<10112x64xf32, #tpu.memory_space<vmem_shared>> -> memref<632x64xf32, #tpu.memory_space<vmem_shared>>
      %dma_wait3A_22 = arith.constant 0 : i32
      %dma_wait3A_23 = tpu.memref_slice %arg12[%mul3A_0, %dma_wait3A_22] : memref<10112x64xf32, #tpu.memory_space<vmem_shared>> -> memref<632x64xf32, #tpu.memory_space<vmem_shared>>
      tpu.wait_dma2 semaphore(%run_scoped3A : memref<!tpu.dma_semaphore, #tpu.memory_space<semaphore_mem>>) src(%dma_wait3A_23 : memref<632x64xf32, #tpu.memory_space<vmem_shared>>) dst(%arg11 : memref<632x64xf32, #tpu.memory_space<vmem>>)
      tpu.yield
    }) : () -> ()
    "tpu.region"() ({
      %run_scoped3A = tpu.sem_alloc : memref<!tpu.dma_semaphore, #tpu.memory_space<semaphore_mem>>
      %dma_start3A_17 = arith.constant 0 : i32
      %dma_start3A_18 = tpu.memref_slice %arg5[%mul3A_0, %dma_start3A_17] : memref<10112x64xf32, #tpu.memory_space<hbm>> -> memref<632x64xf32, #tpu.memory_space<hbm>>
      %dma_start3A_19 = arith.constant 0 : i32
      %dma_start3A_20 = tpu.memref_slice %arg5[%mul3A_0, %dma_start3A_19] : memref<10112x64xf32, #tpu.memory_space<hbm>> -> memref<632x64xf32, #tpu.memory_space<hbm>>
      tpu.enqueue_dma source(%arg11 : memref<632x64xf32, #tpu.memory_space<vmem>>) target(%dma_start3A_20 : memref<632x64xf32, #tpu.memory_space<hbm>>) target_semaphore(%run_scoped3A : memref<!tpu.dma_semaphore, #tpu.memory_space<semaphore_mem>>)
      %dma_wait3A = arith.constant 0 : i32
      %dma_wait3A_21 = tpu.memref_slice %arg5[%mul3A_0, %dma_wait3A] : memref<10112x64xf32, #tpu.memory_space<hbm>> -> memref<632x64xf32, #tpu.memory_space<hbm>>
      %dma_wait3A_22 = arith.constant 0 : i32
      %dma_wait3A_23 = tpu.memref_slice %arg5[%mul3A_0, %dma_wait3A_22] : memref<10112x64xf32, #tpu.memory_space<hbm>> -> memref<632x64xf32, #tpu.memory_space<hbm>>
      tpu.wait_dma2 semaphore(%run_scoped3A : memref<!tpu.dma_semaphore, #tpu.memory_space<semaphore_mem>>) src(%arg11 : memref<632x64xf32, #tpu.memory_space<vmem>>) dst(%dma_wait3A_23 : memref<632x64xf32, #tpu.memory_space<hbm>>)
      tpu.yield
    }) : () -> ()
    return
  }
}

#map = affine_map<(d0, d1) -> (0, 0)>
#map1 = affine_map<(d0, d1) -> (0)>
module attributes {stable_mosaic.version = 14 : i64} {
  func.func @body(%arg0: i32, %arg1: i32, %arg2: memref<320000x80xf32, #tpu.memory_space<hbm>>, %arg3: memref<1280000xi32, #tpu.memory_space<hbm>>, %arg4: memref<632x80xf32, #tpu.memory_space<hbm>>, %arg5: memref<10112x80xf32, #tpu.memory_space<hbm>>, %arg6: memref<320xi32, #tpu.memory_space<vmem>>, %arg7: memref<320xi32, #tpu.memory_space<vmem>>, %arg8: memref<80xi32, #tpu.memory_space<vmem>>, %arg9: memref<80x80xf32, #tpu.memory_space<vmem>>, %arg10: memref<80x80xf32, #tpu.memory_space<vmem>>, %arg11: memref<632x80xf32, #tpu.memory_space<vmem>>, %arg12: memref<10112x80xf32, #tpu.memory_space<vmem_shared>>, %arg13: memref<!tpu.dma_semaphore, #tpu.memory_space<semaphore_mem>>, %arg14: memref<!tpu.dma_semaphore, #tpu.memory_space<semaphore_mem>>, %arg15: memref<!tpu.dma_semaphore, #tpu.memory_space<semaphore_mem>>, %arg16: memref<!tpu.dma_semaphore, #tpu.memory_space<semaphore_mem>>, %arg17: memref<!tpu.dma_semaphore, #tpu.memory_space<semaphore_mem>>) attributes {dimension_semantics = [#tpu.dimension_semantics<core_parallel>, #tpu.dimension_semantics<subcore_parallel>], iteration_bounds = array<i64: 1, 16>, scalar_prefetch = 0 : i64, scratch_operands = 12 : i64, tpu.core_type = #tpu.core_type<sc_vector_subcore>, window_params = [{transform_indices = #map}, {transform_indices = #map1}, {transform_indices = #map}, {transform_indices = #map}]} {
    "tpu.region"() ({
      %run_scoped3A = tpu.sem_alloc : memref<!tpu.dma_semaphore, #tpu.memory_space<semaphore_mem>>
      tpu.enqueue_dma source(%arg4 : memref<632x80xf32, #tpu.memory_space<hbm>>) target(%arg11 : memref<632x80xf32, #tpu.memory_space<vmem>>) target_semaphore(%run_scoped3A : memref<!tpu.dma_semaphore, #tpu.memory_space<semaphore_mem>>)
      tpu.wait_dma2 semaphore(%run_scoped3A : memref<!tpu.dma_semaphore, #tpu.memory_space<semaphore_mem>>) src(%arg4 : memref<632x80xf32, #tpu.memory_space<hbm>>) dst(%arg11 : memref<632x80xf32, #tpu.memory_space<vmem>>)
      tpu.yield
    }) : () -> ()
    %mul3A = arith.constant 632 : i32
    %mul3A_0 = arith.muli %arg1, %mul3A : i32
    "tpu.region"() ({
      %run_scoped3A = tpu.sem_alloc : memref<!tpu.dma_semaphore, #tpu.memory_space<semaphore_mem>>
      %dma_start3A_17 = arith.constant 0 : i32
      %dma_start3A_18 = tpu.memref_slice %arg12[%mul3A_0, %dma_start3A_17] : memref<10112x80xf32, #tpu.memory_space<vmem_shared>> -> memref<632x80xf32, #tpu.memory_space<vmem_shared>>
      %dma_start3A_19 = arith.constant 0 : i32
      %dma_start3A_20 = tpu.memref_slice %arg12[%mul3A_0, %dma_start3A_19] : memref<10112x80xf32, #tpu.memory_space<vmem_shared>> -> memref<632x80xf32, #tpu.memory_space<vmem_shared>>
      tpu.enqueue_dma source(%arg11 : memref<632x80xf32, #tpu.memory_space<vmem>>) target(%dma_start3A_20 : memref<632x80xf32, #tpu.memory_space<vmem_shared>>) target_semaphore(%run_scoped3A : memref<!tpu.dma_semaphore, #tpu.memory_space<semaphore_mem>>)
      %dma_wait3A = arith.constant 0 : i32
      %dma_wait3A_21 = tpu.memref_slice %arg12[%mul3A_0, %dma_wait3A] : memref<10112x80xf32, #tpu.memory_space<vmem_shared>> -> memref<632x80xf32, #tpu.memory_space<vmem_shared>>
      %dma_wait3A_22 = arith.constant 0 : i32
      %dma_wait3A_23 = tpu.memref_slice %arg12[%mul3A_0, %dma_wait3A_22] : memref<10112x80xf32, #tpu.memory_space<vmem_shared>> -> memref<632x80xf32, #tpu.memory_space<vmem_shared>>
      tpu.wait_dma2 semaphore(%run_scoped3A : memref<!tpu.dma_semaphore, #tpu.memory_space<semaphore_mem>>) src(%arg11 : memref<632x80xf32, #tpu.memory_space<vmem>>) dst(%dma_wait3A_23 : memref<632x80xf32, #tpu.memory_space<vmem_shared>>)
      tpu.yield
    }) : () -> ()
    %barrier3A = arith.constant 0 : index
    tpu.barrier barrier_id(%barrier3A)
    %mul3A_1 = arith.constant 20000 : i32
    %mul3A_2 = arith.muli %arg1, %mul3A_1 : i32
    %add3A = arith.constant 0 : i32
    %add3A_3 = arith.addi %mul3A_2, %add3A : i32
    %multiple_of3A = tpu.assume_multiple %add3A_3, 8 : i32
    %mul3A_4 = arith.constant 4 : i32
    %mul3A_5 = arith.muli %multiple_of3A, %mul3A_4 : i32
    %dma_start3A = tpu.memref_slice %arg3[%mul3A_5] : memref<1280000xi32, #tpu.memory_space<hbm>> -> memref<320xi32, #tpu.memory_space<hbm>>
    %dma_start3A_6 = tpu.memref_slice %arg3[%mul3A_5] : memref<1280000xi32, #tpu.memory_space<hbm>> -> memref<320xi32, #tpu.memory_space<hbm>>
    tpu.enqueue_dma source(%dma_start3A_6 : memref<320xi32, #tpu.memory_space<hbm>>) target(%arg6 : memref<320xi32, #tpu.memory_space<vmem>>) target_semaphore(%arg13 : memref<!tpu.dma_semaphore, #tpu.memory_space<semaphore_mem>>)
    %dma_start3A_7 = arith.constant 0 : i32
    %dma_start3A_8 = tpu.memref_slice %arg2[%multiple_of3A, %dma_start3A_7] : memref<320000x80xf32, #tpu.memory_space<hbm>> -> memref<80x80xf32, #tpu.memory_space<hbm>>
    %dma_start3A_9 = arith.constant 0 : i32
    %dma_start3A_10 = tpu.memref_slice %arg2[%multiple_of3A, %dma_start3A_9] : memref<320000x80xf32, #tpu.memory_space<hbm>> -> memref<80x80xf32, #tpu.memory_space<hbm>>
    tpu.enqueue_dma source(%dma_start3A_10 : memref<80x80xf32, #tpu.memory_space<hbm>>) target(%arg9 : memref<80x80xf32, #tpu.memory_space<vmem>>) target_semaphore(%arg15 : memref<!tpu.dma_semaphore, #tpu.memory_space<semaphore_mem>>)
    %scan3A = arith.constant 0 : i32
    %scan3A_11 = arith.constant 0 : i32
    %scan3A_12 = arith.constant 125 : i32
    %scan3A_13 = arith.addi %scan3A_11, %scan3A_12 : i32
    %scan3A_14 = arith.constant 1 : i32
    scf.for %scan3A_17 = %scan3A_11 to %scan3A_13 step %scan3A_14  : i32 {
      %mul3A_18 = arith.constant 2 : i32
      %mul3A_19 = arith.muli %scan3A_17, %mul3A_18 : i32
      %add3A_20 = arith.constant 1 : i32
      %add3A_21 = arith.addi %mul3A_19, %add3A_20 : i32
      %mul3A_22 = arith.constant 80 : i32
      %mul3A_23 = arith.muli %add3A_21, %mul3A_22 : i32
      %add3A_24 = arith.addi %mul3A_2, %mul3A_23 : i32
      %multiple_of3A_25 = tpu.assume_multiple %add3A_24, 8 : i32
      %mul3A_26 = arith.constant 4 : i32
      %mul3A_27 = arith.muli %multiple_of3A_25, %mul3A_26 : i32
      %dma_start3A_28 = tpu.memref_slice %arg3[%mul3A_27] : memref<1280000xi32, #tpu.memory_space<hbm>> -> memref<320xi32, #tpu.memory_space<hbm>>
      %dma_start3A_29 = tpu.memref_slice %arg3[%mul3A_27] : memref<1280000xi32, #tpu.memory_space<hbm>> -> memref<320xi32, #tpu.memory_space<hbm>>
      tpu.enqueue_dma source(%dma_start3A_29 : memref<320xi32, #tpu.memory_space<hbm>>) target(%arg7 : memref<320xi32, #tpu.memory_space<vmem>>) target_semaphore(%arg14 : memref<!tpu.dma_semaphore, #tpu.memory_space<semaphore_mem>>)
      %dma_start3A_30 = arith.constant 0 : i32
      %dma_start3A_31 = tpu.memref_slice %arg2[%multiple_of3A_25, %dma_start3A_30] : memref<320000x80xf32, #tpu.memory_space<hbm>> -> memref<80x80xf32, #tpu.memory_space<hbm>>
      %dma_start3A_32 = arith.constant 0 : i32
      %dma_start3A_33 = tpu.memref_slice %arg2[%multiple_of3A_25, %dma_start3A_32] : memref<320000x80xf32, #tpu.memory_space<hbm>> -> memref<80x80xf32, #tpu.memory_space<hbm>>
      tpu.enqueue_dma source(%dma_start3A_33 : memref<80x80xf32, #tpu.memory_space<hbm>>) target(%arg10 : memref<80x80xf32, #tpu.memory_space<vmem>>) target_semaphore(%arg16 : memref<!tpu.dma_semaphore, #tpu.memory_space<semaphore_mem>>)
      %mul3A_34 = arith.constant 80 : i32
      %mul3A_35 = arith.muli %mul3A_19, %mul3A_34 : i32
      %add3A_36 = arith.addi %mul3A_2, %mul3A_35 : i32
      %multiple_of3A_37 = tpu.assume_multiple %add3A_36, 8 : i32
      %mul3A_38 = arith.constant 4 : i32
      %mul3A_39 = arith.muli %multiple_of3A_37, %mul3A_38 : i32
      %dma_wait3A = tpu.memref_slice %arg3[%mul3A_39] : memref<1280000xi32, #tpu.memory_space<hbm>> -> memref<320xi32, #tpu.memory_space<hbm>>
      %dma_wait3A_40 = tpu.memref_slice %arg3[%mul3A_39] : memref<1280000xi32, #tpu.memory_space<hbm>> -> memref<320xi32, #tpu.memory_space<hbm>>
      tpu.wait_dma2 semaphore(%arg13 : memref<!tpu.dma_semaphore, #tpu.memory_space<semaphore_mem>>) src(%dma_wait3A_40 : memref<320xi32, #tpu.memory_space<hbm>>) dst(%arg6 : memref<320xi32, #tpu.memory_space<vmem>>)
      %dma_wait3A_41 = arith.constant 0 : i32
      %dma_wait3A_42 = tpu.memref_slice %arg2[%multiple_of3A_37, %dma_wait3A_41] : memref<320000x80xf32, #tpu.memory_space<hbm>> -> memref<80x80xf32, #tpu.memory_space<hbm>>
      %dma_wait3A_43 = arith.constant 0 : i32
      %dma_wait3A_44 = tpu.memref_slice %arg2[%multiple_of3A_37, %dma_wait3A_43] : memref<320000x80xf32, #tpu.memory_space<hbm>> -> memref<80x80xf32, #tpu.memory_space<hbm>>
      tpu.wait_dma2 semaphore(%arg15 : memref<!tpu.dma_semaphore, #tpu.memory_space<semaphore_mem>>) src(%dma_wait3A_44 : memref<80x80xf32, #tpu.memory_space<hbm>>) dst(%arg9 : memref<80x80xf32, #tpu.memory_space<vmem>>)
      %iota3A = tpu.iota {dimensions = array<i32: 0>} : vector<16xi32>
      %add3A_45 = arith.constant 0 : i32
      %add3A_46 = vector.broadcast %add3A_45 : i32 to vector<16xi32>
      %add3A_47 = arith.addi %iota3A, %add3A_46 : vector<16xi32>
      %mul3A_48 = arith.constant 4 : i32
      %mul3A_49 = vector.broadcast %mul3A_48 : i32 to vector<16xi32>
      %mul3A_50 = arith.muli %add3A_47, %mul3A_49 : vector<16xi32>
      %add3A_51 = arith.constant 3 : i32
      %add3A_52 = vector.broadcast %add3A_51 : i32 to vector<16xi32>
      %add3A_53 = arith.addi %mul3A_50, %add3A_52 : vector<16xi32>
      %gather3A = tpu.vector_load_idx %arg6[%add3A_53] : memref<320xi32, #tpu.memory_space<vmem>>[vector<16xi32>], vector<16xi32>,
      %swap3A = arith.constant 0 : index
      %swap3A_54 = tpu.vector_load %arg8[%swap3A] {strides = array<i32>} : memref<80xi32, #tpu.memory_space<vmem>>, vector<16xi32>,
      tpu.vector_store %arg8[%swap3A], %gather3A {strides = array<i32>} : memref<80xi32, #tpu.memory_space<vmem>>, vector<16xi32>,
      %add3A_55 = arith.constant 16 : i32
      %add3A_56 = vector.broadcast %add3A_55 : i32 to vector<16xi32>
      %add3A_57 = arith.addi %iota3A, %add3A_56 : vector<16xi32>
      %mul3A_58 = arith.constant 4 : i32
      %mul3A_59 = vector.broadcast %mul3A_58 : i32 to vector<16xi32>
      %mul3A_60 = arith.muli %add3A_57, %mul3A_59 : vector<16xi32>
      %add3A_61 = arith.constant 3 : i32
      %add3A_62 = vector.broadcast %add3A_61 : i32 to vector<16xi32>
      %add3A_63 = arith.addi %mul3A_60, %add3A_62 : vector<16xi32>
      %gather3A_64 = tpu.vector_load_idx %arg6[%add3A_63] : memref<320xi32, #tpu.memory_space<vmem>>[vector<16xi32>], vector<16xi32>,
      %swap3A_65 = arith.constant 16 : index
      %swap3A_66 = tpu.vector_load %arg8[%swap3A_65] {strides = array<i32>} : memref<80xi32, #tpu.memory_space<vmem>>, vector<16xi32>,
      tpu.vector_store %arg8[%swap3A_65], %gather3A_64 {strides = array<i32>} : memref<80xi32, #tpu.memory_space<vmem>>, vector<16xi32>,
      %add3A_67 = arith.constant 32 : i32
      %add3A_68 = vector.broadcast %add3A_67 : i32 to vector<16xi32>
      %add3A_69 = arith.addi %iota3A, %add3A_68 : vector<16xi32>
      %mul3A_70 = arith.constant 4 : i32
      %mul3A_71 = vector.broadcast %mul3A_70 : i32 to vector<16xi32>
      %mul3A_72 = arith.muli %add3A_69, %mul3A_71 : vector<16xi32>
      %add3A_73 = arith.constant 3 : i32
      %add3A_74 = vector.broadcast %add3A_73 : i32 to vector<16xi32>
      %add3A_75 = arith.addi %mul3A_72, %add3A_74 : vector<16xi32>
      %gather3A_76 = tpu.vector_load_idx %arg6[%add3A_75] : memref<320xi32, #tpu.memory_space<vmem>>[vector<16xi32>], vector<16xi32>,
      %swap3A_77 = arith.constant 32 : index
      %swap3A_78 = tpu.vector_load %arg8[%swap3A_77] {strides = array<i32>} : memref<80xi32, #tpu.memory_space<vmem>>, vector<16xi32>,
      tpu.vector_store %arg8[%swap3A_77], %gather3A_76 {strides = array<i32>} : memref<80xi32, #tpu.memory_space<vmem>>, vector<16xi32>,
      %add3A_79 = arith.constant 48 : i32
      %add3A_80 = vector.broadcast %add3A_79 : i32 to vector<16xi32>
      %add3A_81 = arith.addi %iota3A, %add3A_80 : vector<16xi32>
      %mul3A_82 = arith.constant 4 : i32
      %mul3A_83 = vector.broadcast %mul3A_82 : i32 to vector<16xi32>
      %mul3A_84 = arith.muli %add3A_81, %mul3A_83 : vector<16xi32>
      %add3A_85 = arith.constant 3 : i32
      %add3A_86 = vector.broadcast %add3A_85 : i32 to vector<16xi32>
      %add3A_87 = arith.addi %mul3A_84, %add3A_86 : vector<16xi32>
      %gather3A_88 = tpu.vector_load_idx %arg6[%add3A_87] : memref<320xi32, #tpu.memory_space<vmem>>[vector<16xi32>], vector<16xi32>,
      %swap3A_89 = arith.constant 48 : index
      %swap3A_90 = tpu.vector_load %arg8[%swap3A_89] {strides = array<i32>} : memref<80xi32, #tpu.memory_space<vmem>>, vector<16xi32>,
      tpu.vector_store %arg8[%swap3A_89], %gather3A_88 {strides = array<i32>} : memref<80xi32, #tpu.memory_space<vmem>>, vector<16xi32>,
      %add3A_91 = arith.constant 64 : i32
      %add3A_92 = vector.broadcast %add3A_91 : i32 to vector<16xi32>
      %add3A_93 = arith.addi %iota3A, %add3A_92 : vector<16xi32>
      %mul3A_94 = arith.constant 4 : i32
      %mul3A_95 = vector.broadcast %mul3A_94 : i32 to vector<16xi32>
      %mul3A_96 = arith.muli %add3A_93, %mul3A_95 : vector<16xi32>
      %add3A_97 = arith.constant 3 : i32
      %add3A_98 = vector.broadcast %add3A_97 : i32 to vector<16xi32>
      %add3A_99 = arith.addi %mul3A_96, %add3A_98 : vector<16xi32>
      %gather3A_100 = tpu.vector_load_idx %arg6[%add3A_99] : memref<320xi32, #tpu.memory_space<vmem>>[vector<16xi32>], vector<16xi32>,
      %swap3A_101 = arith.constant 64 : index
      %swap3A_102 = tpu.vector_load %arg8[%swap3A_101] {strides = array<i32>} : memref<80xi32, #tpu.memory_space<vmem>>, vector<16xi32>,
      tpu.vector_store %arg8[%swap3A_101], %gather3A_100 {strides = array<i32>} : memref<80xi32, #tpu.memory_space<vmem>>, vector<16xi32>,
      "tpu.region"() ({
        %run_scoped3A = tpu.sem_alloc : memref<!tpu.dma_semaphore, #tpu.memory_space<semaphore_mem>>
        %dma_start3A_180 = arith.constant 0 : i32
        %dma_start3A_181 = arith.constant 0 : i32
        %dma_start3A_182 = tpu.memref_slice %arg12[%dma_start3A_180, %dma_start3A_181] : memref<10112x80xf32, #tpu.memory_space<vmem_shared>> -> memref<10112x80xf32, #tpu.memory_space<vmem_shared>>
        tpu.enqueue_indirect_dma source(%arg9 : memref<80x80xf32, #tpu.memory_space<vmem>>) target(%dma_start3A_182 : memref<10112x80xf32, #tpu.memory_space<vmem_shared>>) offsets(%arg8 : memref<80xi32, #tpu.memory_space<vmem>>) semaphore(%run_scoped3A : memref<!tpu.dma_semaphore, #tpu.memory_space<semaphore_mem>>) {add = true}
        %dma_wait3A_183 = arith.constant 0 : i32
        %dma_wait3A_184 = arith.constant 0 : i32
        %dma_wait3A_185 = tpu.memref_slice %arg12[%dma_wait3A_183, %dma_wait3A_184] : memref<10112x80xf32, #tpu.memory_space<vmem_shared>> -> memref<10112x80xf32, #tpu.memory_space<vmem_shared>>
        tpu.wait_indirect_dma semaphore(%run_scoped3A : memref<!tpu.dma_semaphore, #tpu.memory_space<semaphore_mem>>) src(%arg9 : memref<80x80xf32, #tpu.memory_space<vmem>>) dst(%dma_wait3A_185 : memref<10112x80xf32, #tpu.memory_space<vmem_shared>>)
        tpu.yield
      }) : () -> ()
      %lt3A = arith.constant 124 : i32
      %lt3A_103 = arith.cmpi slt, %scan3A_17, %lt3A : i32
      %convert_element_type3A = arith.extui %lt3A_103 : i1 to i32
      %cond3A = arith.constant 0 : i32
      %cond3A_104 = arith.cmpi ne, %convert_element_type3A, %cond3A : i32
      scf.if %cond3A_104 {
        %add3A_180 = arith.constant 2 : i32
        %add3A_181 = arith.addi %mul3A_19, %add3A_180 : i32
        %mul3A_182 = arith.constant 80 : i32
        %mul3A_183 = arith.muli %add3A_181, %mul3A_182 : i32
        %add3A_184 = arith.addi %mul3A_2, %mul3A_183 : i32
        %multiple_of3A_185 = tpu.assume_multiple %add3A_184, 8 : i32
        %mul3A_186 = arith.constant 4 : i32
        %mul3A_187 = arith.muli %multiple_of3A_185, %mul3A_186 : i32
        %dma_start3A_188 = tpu.memref_slice %arg3[%mul3A_187] : memref<1280000xi32, #tpu.memory_space<hbm>> -> memref<320xi32, #tpu.memory_space<hbm>>
        %dma_start3A_189 = tpu.memref_slice %arg3[%mul3A_187] : memref<1280000xi32, #tpu.memory_space<hbm>> -> memref<320xi32, #tpu.memory_space<hbm>>
        tpu.enqueue_dma source(%dma_start3A_189 : memref<320xi32, #tpu.memory_space<hbm>>) target(%arg6 : memref<320xi32, #tpu.memory_space<vmem>>) target_semaphore(%arg13 : memref<!tpu.dma_semaphore, #tpu.memory_space<semaphore_mem>>)
        %dma_start3A_190 = arith.constant 0 : i32
        %dma_start3A_191 = tpu.memref_slice %arg2[%multiple_of3A_185, %dma_start3A_190] : memref<320000x80xf32, #tpu.memory_space<hbm>> -> memref<80x80xf32, #tpu.memory_space<hbm>>
        %dma_start3A_192 = arith.constant 0 : i32
        %dma_start3A_193 = tpu.memref_slice %arg2[%multiple_of3A_185, %dma_start3A_192] : memref<320000x80xf32, #tpu.memory_space<hbm>> -> memref<80x80xf32, #tpu.memory_space<hbm>>
        tpu.enqueue_dma source(%dma_start3A_193 : memref<80x80xf32, #tpu.memory_space<hbm>>) target(%arg9 : memref<80x80xf32, #tpu.memory_space<vmem>>) target_semaphore(%arg15 : memref<!tpu.dma_semaphore, #tpu.memory_space<semaphore_mem>>)
      } else {
      }
      %add3A_105 = arith.constant 1 : i32
      %add3A_106 = arith.addi %mul3A_19, %add3A_105 : i32
      %mul3A_107 = arith.constant 80 : i32
      %mul3A_108 = arith.muli %add3A_106, %mul3A_107 : i32
      %add3A_109 = arith.addi %mul3A_2, %mul3A_108 : i32
      %multiple_of3A_110 = tpu.assume_multiple %add3A_109, 8 : i32
      %mul3A_111 = arith.constant 4 : i32
      %mul3A_112 = arith.muli %multiple_of3A_110, %mul3A_111 : i32
      %dma_wait3A_113 = tpu.memref_slice %arg3[%mul3A_112] : memref<1280000xi32, #tpu.memory_space<hbm>> -> memref<320xi32, #tpu.memory_space<hbm>>
      %dma_wait3A_114 = tpu.memref_slice %arg3[%mul3A_112] : memref<1280000xi32, #tpu.memory_space<hbm>> -> memref<320xi32, #tpu.memory_space<hbm>>
      tpu.wait_dma2 semaphore(%arg14 : memref<!tpu.dma_semaphore, #tpu.memory_space<semaphore_mem>>) src(%dma_wait3A_114 : memref<320xi32, #tpu.memory_space<hbm>>) dst(%arg7 : memref<320xi32, #tpu.memory_space<vmem>>)
      %dma_wait3A_115 = arith.constant 0 : i32
      %dma_wait3A_116 = tpu.memref_slice %arg2[%multiple_of3A_110, %dma_wait3A_115] : memref<320000x80xf32, #tpu.memory_space<hbm>> -> memref<80x80xf32, #tpu.memory_space<hbm>>
      %dma_wait3A_117 = arith.constant 0 : i32
      %dma_wait3A_118 = tpu.memref_slice %arg2[%multiple_of3A_110, %dma_wait3A_117] : memref<320000x80xf32, #tpu.memory_space<hbm>> -> memref<80x80xf32, #tpu.memory_space<hbm>>
      tpu.wait_dma2 semaphore(%arg16 : memref<!tpu.dma_semaphore, #tpu.memory_space<semaphore_mem>>) src(%dma_wait3A_118 : memref<80x80xf32, #tpu.memory_space<hbm>>) dst(%arg10 : memref<80x80xf32, #tpu.memory_space<vmem>>)
      %iota3A_119 = tpu.iota {dimensions = array<i32: 0>} : vector<16xi32>
      %add3A_120 = arith.constant 0 : i32
      %add3A_121 = vector.broadcast %add3A_120 : i32 to vector<16xi32>
      %add3A_122 = arith.addi %iota3A_119, %add3A_121 : vector<16xi32>
      %mul3A_123 = arith.constant 4 : i32
      %mul3A_124 = vector.broadcast %mul3A_123 : i32 to vector<16xi32>
      %mul3A_125 = arith.muli %add3A_122, %mul3A_124 : vector<16xi32>
      %add3A_126 = arith.constant 3 : i32
      %add3A_127 = vector.broadcast %add3A_126 : i32 to vector<16xi32>
      %add3A_128 = arith.addi %mul3A_125, %add3A_127 : vector<16xi32>
      %gather3A_129 = tpu.vector_load_idx %arg7[%add3A_128] : memref<320xi32, #tpu.memory_space<vmem>>[vector<16xi32>], vector<16xi32>,
      %swap3A_130 = arith.constant 0 : index
      %swap3A_131 = tpu.vector_load %arg8[%swap3A_130] {strides = array<i32>} : memref<80xi32, #tpu.memory_space<vmem>>, vector<16xi32>,
      tpu.vector_store %arg8[%swap3A_130], %gather3A_129 {strides = array<i32>} : memref<80xi32, #tpu.memory_space<vmem>>, vector<16xi32>,
      %add3A_132 = arith.constant 16 : i32
      %add3A_133 = vector.broadcast %add3A_132 : i32 to vector<16xi32>
      %add3A_134 = arith.addi %iota3A_119, %add3A_133 : vector<16xi32>
      %mul3A_135 = arith.constant 4 : i32
      %mul3A_136 = vector.broadcast %mul3A_135 : i32 to vector<16xi32>
      %mul3A_137 = arith.muli %add3A_134, %mul3A_136 : vector<16xi32>
      %add3A_138 = arith.constant 3 : i32
      %add3A_139 = vector.broadcast %add3A_138 : i32 to vector<16xi32>
      %add3A_140 = arith.addi %mul3A_137, %add3A_139 : vector<16xi32>
      %gather3A_141 = tpu.vector_load_idx %arg7[%add3A_140] : memref<320xi32, #tpu.memory_space<vmem>>[vector<16xi32>], vector<16xi32>,
      %swap3A_142 = arith.constant 16 : index
      %swap3A_143 = tpu.vector_load %arg8[%swap3A_142] {strides = array<i32>} : memref<80xi32, #tpu.memory_space<vmem>>, vector<16xi32>,
      tpu.vector_store %arg8[%swap3A_142], %gather3A_141 {strides = array<i32>} : memref<80xi32, #tpu.memory_space<vmem>>, vector<16xi32>,
      %add3A_144 = arith.constant 32 : i32
      %add3A_145 = vector.broadcast %add3A_144 : i32 to vector<16xi32>
      %add3A_146 = arith.addi %iota3A_119, %add3A_145 : vector<16xi32>
      %mul3A_147 = arith.constant 4 : i32
      %mul3A_148 = vector.broadcast %mul3A_147 : i32 to vector<16xi32>
      %mul3A_149 = arith.muli %add3A_146, %mul3A_148 : vector<16xi32>
      %add3A_150 = arith.constant 3 : i32
      %add3A_151 = vector.broadcast %add3A_150 : i32 to vector<16xi32>
      %add3A_152 = arith.addi %mul3A_149, %add3A_151 : vector<16xi32>
      %gather3A_153 = tpu.vector_load_idx %arg7[%add3A_152] : memref<320xi32, #tpu.memory_space<vmem>>[vector<16xi32>], vector<16xi32>,
      %swap3A_154 = arith.constant 32 : index
      %swap3A_155 = tpu.vector_load %arg8[%swap3A_154] {strides = array<i32>} : memref<80xi32, #tpu.memory_space<vmem>>, vector<16xi32>,
      tpu.vector_store %arg8[%swap3A_154], %gather3A_153 {strides = array<i32>} : memref<80xi32, #tpu.memory_space<vmem>>, vector<16xi32>,
      %add3A_156 = arith.constant 48 : i32
      %add3A_157 = vector.broadcast %add3A_156 : i32 to vector<16xi32>
      %add3A_158 = arith.addi %iota3A_119, %add3A_157 : vector<16xi32>
      %mul3A_159 = arith.constant 4 : i32
      %mul3A_160 = vector.broadcast %mul3A_159 : i32 to vector<16xi32>
      %mul3A_161 = arith.muli %add3A_158, %mul3A_160 : vector<16xi32>
      %add3A_162 = arith.constant 3 : i32
      %add3A_163 = vector.broadcast %add3A_162 : i32 to vector<16xi32>
      %add3A_164 = arith.addi %mul3A_161, %add3A_163 : vector<16xi32>
      %gather3A_165 = tpu.vector_load_idx %arg7[%add3A_164] : memref<320xi32, #tpu.memory_space<vmem>>[vector<16xi32>], vector<16xi32>,
      %swap3A_166 = arith.constant 48 : index
      %swap3A_167 = tpu.vector_load %arg8[%swap3A_166] {strides = array<i32>} : memref<80xi32, #tpu.memory_space<vmem>>, vector<16xi32>,
      tpu.vector_store %arg8[%swap3A_166], %gather3A_165 {strides = array<i32>} : memref<80xi32, #tpu.memory_space<vmem>>, vector<16xi32>,
      %add3A_168 = arith.constant 64 : i32
      %add3A_169 = vector.broadcast %add3A_168 : i32 to vector<16xi32>
      %add3A_170 = arith.addi %iota3A_119, %add3A_169 : vector<16xi32>
      %mul3A_171 = arith.constant 4 : i32
      %mul3A_172 = vector.broadcast %mul3A_171 : i32 to vector<16xi32>
      %mul3A_173 = arith.muli %add3A_170, %mul3A_172 : vector<16xi32>
      %add3A_174 = arith.constant 3 : i32
      %add3A_175 = vector.broadcast %add3A_174 : i32 to vector<16xi32>
      %add3A_176 = arith.addi %mul3A_173, %add3A_175 : vector<16xi32>
      %gather3A_177 = tpu.vector_load_idx %arg7[%add3A_176] : memref<320xi32, #tpu.memory_space<vmem>>[vector<16xi32>], vector<16xi32>,
      %swap3A_178 = arith.constant 64 : index
      %swap3A_179 = tpu.vector_load %arg8[%swap3A_178] {strides = array<i32>} : memref<80xi32, #tpu.memory_space<vmem>>, vector<16xi32>,
      tpu.vector_store %arg8[%swap3A_178], %gather3A_177 {strides = array<i32>} : memref<80xi32, #tpu.memory_space<vmem>>, vector<16xi32>,
      "tpu.region"() ({
        %run_scoped3A = tpu.sem_alloc : memref<!tpu.dma_semaphore, #tpu.memory_space<semaphore_mem>>
        %dma_start3A_180 = arith.constant 0 : i32
        %dma_start3A_181 = arith.constant 0 : i32
        %dma_start3A_182 = tpu.memref_slice %arg12[%dma_start3A_180, %dma_start3A_181] : memref<10112x80xf32, #tpu.memory_space<vmem_shared>> -> memref<10112x80xf32, #tpu.memory_space<vmem_shared>>
        tpu.enqueue_indirect_dma source(%arg10 : memref<80x80xf32, #tpu.memory_space<vmem>>) target(%dma_start3A_182 : memref<10112x80xf32, #tpu.memory_space<vmem_shared>>) offsets(%arg8 : memref<80xi32, #tpu.memory_space<vmem>>) semaphore(%run_scoped3A : memref<!tpu.dma_semaphore, #tpu.memory_space<semaphore_mem>>) {add = true}
        %dma_wait3A_183 = arith.constant 0 : i32
        %dma_wait3A_184 = arith.constant 0 : i32
        %dma_wait3A_185 = tpu.memref_slice %arg12[%dma_wait3A_183, %dma_wait3A_184] : memref<10112x80xf32, #tpu.memory_space<vmem_shared>> -> memref<10112x80xf32, #tpu.memory_space<vmem_shared>>
        tpu.wait_indirect_dma semaphore(%run_scoped3A : memref<!tpu.dma_semaphore, #tpu.memory_space<semaphore_mem>>) src(%arg10 : memref<80x80xf32, #tpu.memory_space<vmem>>) dst(%dma_wait3A_185 : memref<10112x80xf32, #tpu.memory_space<vmem_shared>>)
        tpu.yield
      }) : () -> ()
    }
    %scan3A_15 = arith.constant 125 : i32
    %barrier3A_16 = arith.constant 0 : index
    tpu.barrier barrier_id(%barrier3A_16)
    "tpu.region"() ({
      %run_scoped3A = tpu.sem_alloc : memref<!tpu.dma_semaphore, #tpu.memory_space<semaphore_mem>>
      %dma_start3A_17 = arith.constant 0 : i32
      %dma_start3A_18 = tpu.memref_slice %arg12[%mul3A_0, %dma_start3A_17] : memref<10112x80xf32, #tpu.memory_space<vmem_shared>> -> memref<632x80xf32, #tpu.memory_space<vmem_shared>>
      %dma_start3A_19 = arith.constant 0 : i32
      %dma_start3A_20 = tpu.memref_slice %arg12[%mul3A_0, %dma_start3A_19] : memref<10112x80xf32, #tpu.memory_space<vmem_shared>> -> memref<632x80xf32, #tpu.memory_space<vmem_shared>>
      tpu.enqueue_dma source(%dma_start3A_20 : memref<632x80xf32, #tpu.memory_space<vmem_shared>>) target(%arg11 : memref<632x80xf32, #tpu.memory_space<vmem>>) target_semaphore(%run_scoped3A : memref<!tpu.dma_semaphore, #tpu.memory_space<semaphore_mem>>)
      %dma_wait3A = arith.constant 0 : i32
      %dma_wait3A_21 = tpu.memref_slice %arg12[%mul3A_0, %dma_wait3A] : memref<10112x80xf32, #tpu.memory_space<vmem_shared>> -> memref<632x80xf32, #tpu.memory_space<vmem_shared>>
      %dma_wait3A_22 = arith.constant 0 : i32
      %dma_wait3A_23 = tpu.memref_slice %arg12[%mul3A_0, %dma_wait3A_22] : memref<10112x80xf32, #tpu.memory_space<vmem_shared>> -> memref<632x80xf32, #tpu.memory_space<vmem_shared>>
      tpu.wait_dma2 semaphore(%run_scoped3A : memref<!tpu.dma_semaphore, #tpu.memory_space<semaphore_mem>>) src(%dma_wait3A_23 : memref<632x80xf32, #tpu.memory_space<vmem_shared>>) dst(%arg11 : memref<632x80xf32, #tpu.memory_space<vmem>>)
      tpu.yield
    }) : () -> ()
    "tpu.region"() ({
      %run_scoped3A = tpu.sem_alloc : memref<!tpu.dma_semaphore, #tpu.memory_space<semaphore_mem>>
      %dma_start3A_17 = arith.constant 0 : i32
      %dma_start3A_18 = tpu.memref_slice %arg5[%mul3A_0, %dma_start3A_17] : memref<10112x80xf32, #tpu.memory_space<hbm>> -> memref<632x80xf32, #tpu.memory_space<hbm>>
      %dma_start3A_19 = arith.constant 0 : i32
      %dma_start3A_20 = tpu.memref_slice %arg5[%mul3A_0, %dma_start3A_19] : memref<10112x80xf32, #tpu.memory_space<hbm>> -> memref<632x80xf32, #tpu.memory_space<hbm>>
      tpu.enqueue_dma source(%arg11 : memref<632x80xf32, #tpu.memory_space<vmem>>) target(%dma_start3A_20 : memref<632x80xf32, #tpu.memory_space<hbm>>) target_semaphore(%run_scoped3A : memref<!tpu.dma_semaphore, #tpu.memory_space<semaphore_mem>>)
      %dma_wait3A = arith.constant 0 : i32
      %dma_wait3A_21 = tpu.memref_slice %arg5[%mul3A_0, %dma_wait3A] : memref<10112x80xf32, #tpu.memory_space<hbm>> -> memref<632x80xf32, #tpu.memory_space<hbm>>
      %dma_wait3A_22 = arith.constant 0 : i32
      %dma_wait3A_23 = tpu.memref_slice %arg5[%mul3A_0, %dma_wait3A_22] : memref<10112x80xf32, #tpu.memory_space<hbm>> -> memref<632x80xf32, #tpu.memory_space<hbm>>
      tpu.wait_dma2 semaphore(%run_scoped3A : memref<!tpu.dma_semaphore, #tpu.memory_space<semaphore_mem>>) src(%arg11 : memref<632x80xf32, #tpu.memory_space<vmem>>) dst(%dma_wait3A_23 : memref<632x80xf32, #tpu.memory_space<hbm>>)
      tpu.yield
    }) : () -> ()
    return
  }
}

module attributes {stable_mosaic.version = 14 : i64} {
  func.func @_proj_body(%arg0: i32, %arg1: memref<400x128xf32, #tpu.memory_space<vmem>>, %arg2: memref<400x128xf32, #tpu.memory_space<vmem>>, %arg3: memref<128x128xf32, #tpu.memory_space<vmem>>, %arg4: memref<1x128xf32, #tpu.memory_space<vmem>>, %arg5: memref<128x128xf32, #tpu.memory_space<vmem>>, %arg6: memref<1x128xf32, #tpu.memory_space<vmem>>, %arg7: memref<128x128xf32, #tpu.memory_space<vmem>>, %arg8: memref<1x128xf32, #tpu.memory_space<vmem>>, %arg9: memref<400x128xf32, #tpu.memory_space<vmem>>, %arg10: memref<400x128xf32, #tpu.memory_space<vmem>>, %arg11: memref<400x128xf32, #tpu.memory_space<vmem>>) attributes {dimension_semantics = [#tpu.dimension_semantics<arbitrary>], iteration_bounds = array<i64: 25>, scalar_prefetch = 0 : i64, scratch_operands = 0 : i64, tpu.core_type = #tpu.core_type<tc>, window_params = [{transform_indices = @transform_0, window_bounds = array<i64: 400, 128>}, {transform_indices = @transform_1, window_bounds = array<i64: 400, 128>}, {pipeline_mode = #tpu.pipeline_mode<synchronous>, transform_indices = @transform_2, window_bounds = array<i64: 128, 128>}, {pipeline_mode = #tpu.pipeline_mode<synchronous>, transform_indices = @transform_3, window_bounds = array<i64: 1, 128>}, {pipeline_mode = #tpu.pipeline_mode<synchronous>, transform_indices = @transform_4, window_bounds = array<i64: 128, 128>}, {pipeline_mode = #tpu.pipeline_mode<synchronous>, transform_indices = @transform_5, window_bounds = array<i64: 1, 128>}, {pipeline_mode = #tpu.pipeline_mode<synchronous>, transform_indices = @transform_6, window_bounds = array<i64: 128, 128>}, {pipeline_mode = #tpu.pipeline_mode<synchronous>, transform_indices = @transform_7, window_bounds = array<i64: 1, 128>}, {transform_indices = @transform_8, window_bounds = array<i64: 400, 128>}, {transform_indices = @transform_9, window_bounds = array<i64: 400, 128>}, {transform_indices = @transform_10, window_bounds = array<i64: 400, 128>}]} {
    %get3A = arith.constant 0 : index
    %get3A_0 = arith.constant 0 : index
    %get3A_1 = vector.load %arg1[%get3A, %get3A_0] : memref<400x128xf32, #tpu.memory_space<vmem>>, vector<400x128xf32>
    %get3A_2 = arith.constant 0 : index
    %get3A_3 = arith.constant 0 : index
    %get3A_4 = vector.load %arg2[%get3A_2, %get3A_3] : memref<400x128xf32, #tpu.memory_space<vmem>>, vector<400x128xf32>
    %get3A_5 = arith.constant 0 : index
    %get3A_6 = arith.constant 0 : index
    %get3A_7 = vector.load %arg3[%get3A_5, %get3A_6] : memref<128x128xf32, #tpu.memory_space<vmem>>, vector<128x128xf32>
    %dot_general3A = arith.constant dense<0.000000e+00> : vector<400x128xf32>
    %dot_general3A_8 = tpu.matmul %get3A_1, %get3A_7, %dot_general3A {dimension_numbers = #tpu.dot_dimension_numbers<[1], [1], [0], [0], [0, 0, 1, 0], [], []>, transpose_lhs_hint = false} : vector<400x128xf32>, vector<128x128xf32>, vector<400x128xf32> -> vector<400x128xf32>
    %get3A_9 = arith.constant 0 : index
    %get3A_10 = arith.constant 0 : index
    %get3A_11 = vector.load %arg4[%get3A_9, %get3A_10] : memref<1x128xf32, #tpu.memory_space<vmem>>, vector<1x128xf32>
    %add3A = vector.broadcast %get3A_11 : vector<1x128xf32> to vector<400x128xf32>
    %add3A_12 = arith.addf %dot_general3A_8, %add3A : vector<400x128xf32>
    %swap3A = arith.constant 0 : index
    %swap3A_13 = arith.constant 0 : index
    %swap3A_14 = vector.load %arg9[%swap3A, %swap3A_13] : memref<400x128xf32, #tpu.memory_space<vmem>>, vector<400x128xf32>
    tpu.vector_store %arg9[%swap3A, %swap3A_13], %add3A_12 {strides = array<i32>} : memref<400x128xf32, #tpu.memory_space<vmem>>, vector<400x128xf32>,
    %get3A_15 = arith.constant 0 : index
    %get3A_16 = arith.constant 0 : index
    %get3A_17 = vector.load %arg5[%get3A_15, %get3A_16] : memref<128x128xf32, #tpu.memory_space<vmem>>, vector<128x128xf32>
    %dot_general3A_18 = arith.constant dense<0.000000e+00> : vector<400x128xf32>
    %dot_general3A_19 = tpu.matmul %get3A_4, %get3A_17, %dot_general3A_18 {dimension_numbers = #tpu.dot_dimension_numbers<[1], [1], [0], [0], [0, 0, 1, 0], [], []>, transpose_lhs_hint = false} : vector<400x128xf32>, vector<128x128xf32>, vector<400x128xf32> -> vector<400x128xf32>
    %get3A_20 = arith.constant 0 : index
    %get3A_21 = arith.constant 0 : index
    %get3A_22 = vector.load %arg6[%get3A_20, %get3A_21] : memref<1x128xf32, #tpu.memory_space<vmem>>, vector<1x128xf32>
    %add3A_23 = vector.broadcast %get3A_22 : vector<1x128xf32> to vector<400x128xf32>
    %add3A_24 = arith.addf %dot_general3A_19, %add3A_23 : vector<400x128xf32>
    %swap3A_25 = arith.constant 0 : index
    %swap3A_26 = arith.constant 0 : index
    %swap3A_27 = vector.load %arg10[%swap3A_25, %swap3A_26] : memref<400x128xf32, #tpu.memory_space<vmem>>, vector<400x128xf32>
    tpu.vector_store %arg10[%swap3A_25, %swap3A_26], %add3A_24 {strides = array<i32>} : memref<400x128xf32, #tpu.memory_space<vmem>>, vector<400x128xf32>,
    %get3A_28 = arith.constant 0 : index
    %get3A_29 = arith.constant 0 : index
    %get3A_30 = vector.load %arg7[%get3A_28, %get3A_29] : memref<128x128xf32, #tpu.memory_space<vmem>>, vector<128x128xf32>
    %dot_general3A_31 = arith.constant dense<0.000000e+00> : vector<400x128xf32>
    %dot_general3A_32 = tpu.matmul %get3A_4, %get3A_30, %dot_general3A_31 {dimension_numbers = #tpu.dot_dimension_numbers<[1], [1], [0], [0], [0, 0, 1, 0], [], []>, transpose_lhs_hint = false} : vector<400x128xf32>, vector<128x128xf32>, vector<400x128xf32> -> vector<400x128xf32>
    %get3A_33 = arith.constant 0 : index
    %get3A_34 = arith.constant 0 : index
    %get3A_35 = vector.load %arg8[%get3A_33, %get3A_34] : memref<1x128xf32, #tpu.memory_space<vmem>>, vector<1x128xf32>
    %add3A_36 = vector.broadcast %get3A_35 : vector<1x128xf32> to vector<400x128xf32>
    %add3A_37 = arith.addf %dot_general3A_32, %add3A_36 : vector<400x128xf32>
    %swap3A_38 = arith.constant 0 : index
    %swap3A_39 = arith.constant 0 : index
    %swap3A_40 = vector.load %arg11[%swap3A_38, %swap3A_39] : memref<400x128xf32, #tpu.memory_space<vmem>>, vector<400x128xf32>
    tpu.vector_store %arg11[%swap3A_38, %swap3A_39], %add3A_37 {strides = array<i32>} : memref<400x128xf32, #tpu.memory_space<vmem>>, vector<400x128xf32>,
    return
  }
  func.func @transform_0(%arg0: i32) -> (i32, i32) {
    %c0_i32 = arith.constant 0 : i32
    %c0_i32_0 = arith.constant 0 : i32
    return %arg0, %c0_i32 : i32, i32
  }
  func.func @transform_1(%arg0: i32) -> (i32, i32) {
    %c0_i32 = arith.constant 0 : i32
    %c0_i32_0 = arith.constant 0 : i32
    return %arg0, %c0_i32 : i32, i32
  }
  func.func @transform_2(%arg0: i32) -> (i32, i32) {
    %c0_i32 = arith.constant 0 : i32
    %c0_i32_0 = arith.constant 0 : i32
    %c0_i32_1 = arith.constant 0 : i32
    return %c0_i32, %c0_i32_0 : i32, i32
  }
  func.func @transform_3(%arg0: i32) -> (i32, i32) {
    %c0_i32 = arith.constant 0 : i32
    %c0_i32_0 = arith.constant 0 : i32
    %c0_i32_1 = arith.constant 0 : i32
    return %c0_i32, %c0_i32_0 : i32, i32
  }
  func.func @transform_4(%arg0: i32) -> (i32, i32) {
    %c0_i32 = arith.constant 0 : i32
    %c0_i32_0 = arith.constant 0 : i32
    %c0_i32_1 = arith.constant 0 : i32
    return %c0_i32, %c0_i32_0 : i32, i32
  }
  func.func @transform_5(%arg0: i32) -> (i32, i32) {
    %c0_i32 = arith.constant 0 : i32
    %c0_i32_0 = arith.constant 0 : i32
    %c0_i32_1 = arith.constant 0 : i32
    return %c0_i32, %c0_i32_0 : i32, i32
  }
  func.func @transform_6(%arg0: i32) -> (i32, i32) {
    %c0_i32 = arith.constant 0 : i32
    %c0_i32_0 = arith.constant 0 : i32
    %c0_i32_1 = arith.constant 0 : i32
    return %c0_i32, %c0_i32_0 : i32, i32
  }
  func.func @transform_7(%arg0: i32) -> (i32, i32) {
    %c0_i32 = arith.constant 0 : i32
    %c0_i32_0 = arith.constant 0 : i32
    %c0_i32_1 = arith.constant 0 : i32
    return %c0_i32, %c0_i32_0 : i32, i32
  }
  func.func @transform_8(%arg0: i32) -> (i32, i32) {
    %c0_i32 = arith.constant 0 : i32
    %c0_i32_0 = arith.constant 0 : i32
    return %arg0, %c0_i32 : i32, i32
  }
  func.func @transform_9(%arg0: i32) -> (i32, i32) {
    %c0_i32 = arith.constant 0 : i32
    %c0_i32_0 = arith.constant 0 : i32
    return %arg0, %c0_i32 : i32, i32
  }
  func.func @transform_10(%arg0: i32) -> (i32, i32) {
    %c0_i32 = arith.constant 0 : i32
    %c0_i32_0 = arith.constant 0 : i32
    return %arg0, %c0_i32 : i32, i32
  }
}

module attributes {stable_mosaic.version = 14 : i64} {
  func.func @_edge_body(%arg0: i32, %arg1: memref<2000x128xf32, #tpu.memory_space<vmem>>, %arg2: memref<2000x128xf32, #tpu.memory_space<vmem>>, %arg3: memref<2000x128xf32, #tpu.memory_space<vmem>>, %arg4: memref<128x128xf32, #tpu.memory_space<vmem>>, %arg5: memref<128x16xf32, #tpu.memory_space<vmem>>, %arg6: memref<2000x80xf32, #tpu.memory_space<vmem>>, %arg7: memref<2000x64xf32, #tpu.memory_space<vmem>>) attributes {dimension_semantics = [#tpu.dimension_semantics<arbitrary>], iteration_bounds = array<i64: 160>, scalar_prefetch = 0 : i64, scratch_operands = 0 : i64, tpu.core_type = #tpu.core_type<tc>, window_params = [{transform_indices = @transform_0, window_bounds = array<i64: 2000, 128>}, {transform_indices = @transform_1, window_bounds = array<i64: 2000, 128>}, {transform_indices = @transform_2, window_bounds = array<i64: 2000, 128>}, {pipeline_mode = #tpu.pipeline_mode<synchronous>, transform_indices = @transform_3, window_bounds = array<i64: 128, 128>}, {pipeline_mode = #tpu.pipeline_mode<synchronous>, transform_indices = @transform_4, window_bounds = array<i64: 128, 16>}, {transform_indices = @transform_5, window_bounds = array<i64: 2000, 80>}, {transform_indices = @transform_6, window_bounds = array<i64: 2000, 64>}]} {
    %get3A = arith.constant 0 : index
    %get3A_0 = arith.constant 0 : index
    %get3A_1 = vector.load %arg1[%get3A, %get3A_0] : memref<2000x128xf32, #tpu.memory_space<vmem>>, vector<2000x128xf32>
    %get3A_2 = arith.constant 0 : index
    %get3A_3 = arith.constant 0 : index
    %get3A_4 = vector.load %arg2[%get3A_2, %get3A_3] : memref<2000x128xf32, #tpu.memory_space<vmem>>, vector<2000x128xf32>
    %mul3A = arith.mulf %get3A_1, %get3A_4 : vector<2000x128xf32>
    %get3A_5 = arith.constant 0 : index
    %get3A_6 = arith.constant 0 : index
    %get3A_7 = vector.load %arg4[%get3A_5, %get3A_6] : memref<128x128xf32, #tpu.memory_space<vmem>>, vector<128x128xf32>
    %dot_general3A = arith.constant dense<0.000000e+00> : vector<2000x128xf32>
    %dot_general3A_8 = tpu.matmul %mul3A, %get3A_7, %dot_general3A {dimension_numbers = #tpu.dot_dimension_numbers<[1], [0], [0], [1], [0, 0, 1, 1], [], []>, transpose_lhs_hint = false} : vector<2000x128xf32>, vector<128x128xf32>, vector<2000x128xf32> -> vector<2000x128xf32>
    %mul3A_9 = arith.constant 0.0883883461 : f32
    %mul3A_10 = vector.broadcast %mul3A_9 : f32 to vector<2000x128xf32>
    %mul3A_11 = arith.mulf %dot_general3A_8, %mul3A_10 : vector<2000x128xf32>
    %exp3A = math.exp %mul3A_11 : vector<2000x128xf32>
    %get3A_12 = arith.constant 0 : index
    %get3A_13 = arith.constant 0 : index
    %get3A_14 = vector.load %arg3[%get3A_12, %get3A_13] : memref<2000x128xf32, #tpu.memory_space<vmem>>, vector<2000x128xf32>
    %mul3A_15 = arith.mulf %exp3A, %get3A_14 : vector<2000x128xf32>
    %get3A_16 = arith.constant 0 : index
    %get3A_17 = arith.constant 0 : index
    %get3A_18 = vector.load %arg5[%get3A_16, %get3A_17] : memref<128x16xf32, #tpu.memory_space<vmem>>, vector<128x16xf32>
    %dot_general3A_19 = arith.constant dense<0.000000e+00> : vector<2000x16xf32>
    %dot_general3A_20 = tpu.matmul %exp3A, %get3A_18, %dot_general3A_19 {dimension_numbers = #tpu.dot_dimension_numbers<[1], [0], [0], [1], [0, 0, 1, 1], [], []>, transpose_lhs_hint = false} : vector<2000x128xf32>, vector<128x16xf32>, vector<2000x16xf32> -> vector<2000x16xf32>
    %slice3A = vector.extract_strided_slice %mul3A_15 {offsets = [0, 0], sizes = [2000, 64], strides = [1, 1]} : vector<2000x128xf32> to vector<2000x64xf32>
    %concatenate3A = tpu.concatenate %slice3A, %dot_general3A_20 in 1 : vector<2000x64xf32>, vector<2000x16xf32> -> vector<2000x80xf32>
    %swap3A = arith.constant 0 : index
    %swap3A_21 = arith.constant 0 : index
    %swap3A_22 = vector.load %arg6[%swap3A, %swap3A_21] : memref<2000x80xf32, #tpu.memory_space<vmem>>, vector<2000x80xf32>
    tpu.vector_store %arg6[%swap3A, %swap3A_21], %concatenate3A {strides = array<i32>} : memref<2000x80xf32, #tpu.memory_space<vmem>>, vector<2000x80xf32>,
    %slice3A_23 = vector.extract_strided_slice %mul3A_15 {offsets = [0, 64], sizes = [2000, 64], strides = [1, 1]} : vector<2000x128xf32> to vector<2000x64xf32>
    %swap3A_24 = arith.constant 0 : index
    %swap3A_25 = arith.constant 0 : index
    %swap3A_26 = vector.load %arg7[%swap3A_24, %swap3A_25] : memref<2000x64xf32, #tpu.memory_space<vmem>>, vector<2000x64xf32>
    tpu.vector_store %arg7[%swap3A_24, %swap3A_25], %slice3A_23 {strides = array<i32>} : memref<2000x64xf32, #tpu.memory_space<vmem>>, vector<2000x64xf32>,
    return
  }
  func.func @transform_0(%arg0: i32) -> (i32, i32) {
    %c0_i32 = arith.constant 0 : i32
    %c0_i32_0 = arith.constant 0 : i32
    return %arg0, %c0_i32 : i32, i32
  }
  func.func @transform_1(%arg0: i32) -> (i32, i32) {
    %c0_i32 = arith.constant 0 : i32
    %c0_i32_0 = arith.constant 0 : i32
    return %arg0, %c0_i32 : i32, i32
  }
  func.func @transform_2(%arg0: i32) -> (i32, i32) {
    %c0_i32 = arith.constant 0 : i32
    %c0_i32_0 = arith.constant 0 : i32
    return %arg0, %c0_i32 : i32, i32
  }
  func.func @transform_3(%arg0: i32) -> (i32, i32) {
    %c0_i32 = arith.constant 0 : i32
    %c0_i32_0 = arith.constant 0 : i32
    %c0_i32_1 = arith.constant 0 : i32
    return %c0_i32, %c0_i32_0 : i32, i32
  }
  func.func @transform_4(%arg0: i32) -> (i32, i32) {
    %c0_i32 = arith.constant 0 : i32
    %c0_i32_0 = arith.constant 0 : i32
    %c0_i32_1 = arith.constant 0 : i32
    return %c0_i32, %c0_i32_0 : i32, i32
  }
  func.func @transform_5(%arg0: i32) -> (i32, i32) {
    %c0_i32 = arith.constant 0 : i32
    %c0_i32_0 = arith.constant 0 : i32
    return %arg0, %c0_i32 : i32, i32
  }
  func.func @transform_6(%arg0: i32) -> (i32, i32) {
    %c0_i32 = arith.constant 0 : i32
    %c0_i32_0 = arith.constant 0 : i32
    return %arg0, %c0_i32 : i32, i32
  }
}

module attributes {stable_mosaic.version = 14 : i64} {
  func.func @_final_body(%arg0: i32, %arg1: memref<1000x80xf32, #tpu.memory_space<vmem>>, %arg2: memref<1000x64xf32, #tpu.memory_space<vmem>>, %arg3: memref<1000x128xf32, #tpu.memory_space<vmem>>, %arg4: memref<128x128xf32, #tpu.memory_space<vmem>>, %arg5: memref<16x128xf32, #tpu.memory_space<vmem>>, %arg6: memref<128x128xf32, #tpu.memory_space<vmem>>, %arg7: memref<1x128xf32, #tpu.memory_space<vmem>>, %arg8: memref<1000x128xf32, #tpu.memory_space<vmem>>) attributes {dimension_semantics = [#tpu.dimension_semantics<arbitrary>], iteration_bounds = array<i64: 10>, scalar_prefetch = 0 : i64, scratch_operands = 0 : i64, tpu.core_type = #tpu.core_type<tc>, window_params = [{transform_indices = @transform_0, window_bounds = array<i64: 1000, 80>}, {transform_indices = @transform_1, window_bounds = array<i64: 1000, 64>}, {transform_indices = @transform_2, window_bounds = array<i64: 1000, 128>}, {pipeline_mode = #tpu.pipeline_mode<synchronous>, transform_indices = @transform_3, window_bounds = array<i64: 128, 128>}, {pipeline_mode = #tpu.pipeline_mode<synchronous>, transform_indices = @transform_4, window_bounds = array<i64: 16, 128>}, {pipeline_mode = #tpu.pipeline_mode<synchronous>, transform_indices = @transform_5, window_bounds = array<i64: 128, 128>}, {pipeline_mode = #tpu.pipeline_mode<synchronous>, transform_indices = @transform_6, window_bounds = array<i64: 1, 128>}, {transform_indices = @transform_7, window_bounds = array<i64: 1000, 128>}]} {
    %get3A = arith.constant 0 : index
    %get3A_0 = arith.constant 0 : index
    %get3A_1 = vector.load %arg1[%get3A, %get3A_0] : memref<1000x80xf32, #tpu.memory_space<vmem>>, vector<1000x80xf32>
    %slice3A = vector.extract_strided_slice %get3A_1 {offsets = [0, 0], sizes = [1000, 64], strides = [1, 1]} : vector<1000x80xf32> to vector<1000x64xf32>
    %get3A_2 = arith.constant 0 : index
    %get3A_3 = arith.constant 0 : index
    %get3A_4 = vector.load %arg2[%get3A_2, %get3A_3] : memref<1000x64xf32, #tpu.memory_space<vmem>>, vector<1000x64xf32>
    %concatenate3A = tpu.concatenate %slice3A, %get3A_4 in 1 : vector<1000x64xf32>, vector<1000x64xf32> -> vector<1000x128xf32>
    %slice3A_5 = vector.extract_strided_slice %get3A_1 {offsets = [0, 64], sizes = [1000, 16], strides = [1, 1]} : vector<1000x80xf32> to vector<1000x16xf32>
    %get3A_6 = arith.constant 0 : index
    %get3A_7 = arith.constant 0 : index
    %get3A_8 = vector.load %arg5[%get3A_6, %get3A_7] : memref<16x128xf32, #tpu.memory_space<vmem>>, vector<16x128xf32>
    %dot_general3A = arith.constant dense<0.000000e+00> : vector<1000x128xf32>
    %dot_general3A_9 = tpu.matmul %slice3A_5, %get3A_8, %dot_general3A {dimension_numbers = #tpu.dot_dimension_numbers<[1], [0], [0], [1], [0, 0, 1, 1], [], []>, transpose_lhs_hint = false} : vector<1000x16xf32>, vector<16x128xf32>, vector<1000x128xf32> -> vector<1000x128xf32>
    %gt3A = arith.constant 0.000000e+00 : f32
    %gt3A_10 = vector.broadcast %gt3A : f32 to vector<1000x128xf32>
    %gt3A_11 = arith.cmpf ogt, %dot_general3A_9, %gt3A_10 : vector<1000x128xf32>
    %jit3A = arith.constant 1.000000e+00 : f32
    %broadcast_in_dim3A = vector.broadcast %jit3A : f32 to vector<1000x128xf32>
    %select_n3A = arith.select %gt3A_11, %dot_general3A_9, %broadcast_in_dim3A : vector<1000x128xi1>, vector<1000x128xf32>
    %gt3A_12 = arith.constant 0.000000e+00 : f32
    %gt3A_13 = vector.broadcast %gt3A_12 : f32 to vector<1000x128xf32>
    %gt3A_14 = arith.cmpf ogt, %dot_general3A_9, %gt3A_13 : vector<1000x128xf32>
    %div3A = arith.divf %concatenate3A, %select_n3A : vector<1000x128xf32>
    %jit3A_15 = arith.constant 0.000000e+00 : f32
    %broadcast_in_dim3A_16 = vector.broadcast %jit3A_15 : f32 to vector<1000x128xf32>
    %select_n3A_17 = arith.select %gt3A_14, %div3A, %broadcast_in_dim3A_16 : vector<1000x128xi1>, vector<1000x128xf32>
    %get3A_18 = arith.constant 0 : index
    %get3A_19 = arith.constant 0 : index
    %get3A_20 = vector.load %arg3[%get3A_18, %get3A_19] : memref<1000x128xf32, #tpu.memory_space<vmem>>, vector<1000x128xf32>
    %add3A = arith.addf %get3A_20, %select_n3A_17 : vector<1000x128xf32>
    %get3A_21 = arith.constant 0 : index
    %get3A_22 = arith.constant 0 : index
    %get3A_23 = vector.load %arg4[%get3A_21, %get3A_22] : memref<128x128xf32, #tpu.memory_space<vmem>>, vector<128x128xf32>
    %dot_general3A_24 = arith.constant dense<0.000000e+00> : vector<1000x128xf32>
    %dot_general3A_25 = tpu.matmul %add3A, %get3A_23, %dot_general3A_24 {dimension_numbers = #tpu.dot_dimension_numbers<[1], [0], [0], [1], [0, 0, 1, 1], [], []>, transpose_lhs_hint = false} : vector<1000x128xf32>, vector<128x128xf32>, vector<1000x128xf32> -> vector<1000x128xf32>
    %get3A_26 = arith.constant 0 : index
    %get3A_27 = arith.constant 0 : index
    %get3A_28 = vector.load %arg6[%get3A_26, %get3A_27] : memref<128x128xf32, #tpu.memory_space<vmem>>, vector<128x128xf32>
    %dot_general3A_29 = arith.constant dense<0.000000e+00> : vector<1000x128xf32>
    %dot_general3A_30 = tpu.matmul %dot_general3A_25, %get3A_28, %dot_general3A_29 {dimension_numbers = #tpu.dot_dimension_numbers<[1], [1], [0], [0], [0, 0, 1, 0], [], []>, transpose_lhs_hint = false} : vector<1000x128xf32>, vector<128x128xf32>, vector<1000x128xf32> -> vector<1000x128xf32>
    %get3A_31 = arith.constant 0 : index
    %get3A_32 = arith.constant 0 : index
    %get3A_33 = vector.load %arg7[%get3A_31, %get3A_32] : memref<1x128xf32, #tpu.memory_space<vmem>>, vector<1x128xf32>
    %add3A_34 = vector.broadcast %get3A_33 : vector<1x128xf32> to vector<1000x128xf32>
    %add3A_35 = arith.addf %dot_general3A_30, %add3A_34 : vector<1000x128xf32>
    %max3A = arith.constant 0.000000e+00 : f32
    %max3A_36 = vector.broadcast %max3A : f32 to vector<1000x128xf32>
    %max3A_37 = arith.maximumf %add3A_35, %max3A_36 : vector<1000x128xf32>
    %add3A_38 = arith.addf %dot_general3A_25, %max3A_37 : vector<1000x128xf32>
    %swap3A = arith.constant 0 : index
    %swap3A_39 = arith.constant 0 : index
    %swap3A_40 = vector.load %arg8[%swap3A, %swap3A_39] : memref<1000x128xf32, #tpu.memory_space<vmem>>, vector<1000x128xf32>
    tpu.vector_store %arg8[%swap3A, %swap3A_39], %add3A_38 {strides = array<i32>} : memref<1000x128xf32, #tpu.memory_space<vmem>>, vector<1000x128xf32>,
    return
  }
  func.func @transform_0(%arg0: i32) -> (i32, i32) {
    %c0_i32 = arith.constant 0 : i32
    %c0_i32_0 = arith.constant 0 : i32
    return %arg0, %c0_i32 : i32, i32
  }
  func.func @transform_1(%arg0: i32) -> (i32, i32) {
    %c0_i32 = arith.constant 0 : i32
    %c0_i32_0 = arith.constant 0 : i32
    return %arg0, %c0_i32 : i32, i32
  }
  func.func @transform_2(%arg0: i32) -> (i32, i32) {
    %c0_i32 = arith.constant 0 : i32
    %c0_i32_0 = arith.constant 0 : i32
    return %arg0, %c0_i32 : i32, i32
  }
  func.func @transform_3(%arg0: i32) -> (i32, i32) {
    %c0_i32 = arith.constant 0 : i32
    %c0_i32_0 = arith.constant 0 : i32
    %c0_i32_1 = arith.constant 0 : i32
    return %c0_i32, %c0_i32_0 : i32, i32
  }
  func.func @transform_4(%arg0: i32) -> (i32, i32) {
    %c0_i32 = arith.constant 0 : i32
    %c0_i32_0 = arith.constant 0 : i32
    %c0_i32_1 = arith.constant 0 : i32
    return %c0_i32, %c0_i32_0 : i32, i32
  }
  func.func @transform_5(%arg0: i32) -> (i32, i32) {
    %c0_i32 = arith.constant 0 : i32
    %c0_i32_0 = arith.constant 0 : i32
    %c0_i32_1 = arith.constant 0 : i32
    return %c0_i32, %c0_i32_0 : i32, i32
  }
  func.func @transform_6(%arg0: i32) -> (i32, i32) {
    %c0_i32 = arith.constant 0 : i32
    %c0_i32_0 = arith.constant 0 : i32
    %c0_i32_1 = arith.constant 0 : i32
    return %c0_i32, %c0_i32_0 : i32, i32
  }
  func.func @transform_7(%arg0: i32) -> (i32, i32) {
    %c0_i32 = arith.constant 0 : i32
    %c0_i32_0 = arith.constant 0 : i32
    return %arg0, %c0_i32 : i32, i32
  }
}

</mosaic_0001>

<sc_bundles>
// kernel: kernel.11.cloned.1.call-start
scs
__scs_entry_jumppad:
0x0: {  	(pc) =	sbr.rel $0x88, $3  }
0x1: {  	(tag) =	ssettag $0x0;
	lr =	simm.s32 $0x1  }
0x2: {  	[smem:$0x3F95] =	sst lr;
	_ =	strace $0xD0000000  }
0x3: {  	_ = 	snop  }
0x4: {  	_ = 	snop  }
0x5: {  	_ = 	snop  }
0x6: {  	_ = 	snop  }
0x7: {  	_ = 	snop  }
__scs_overlays_trampoline_lowered:
0x8: {  	[smem:$0x3FA4] =	sst s0  }
0x9: {  	[smem:$0x3FA5] =	sst s1  }
0xa: {  	[smem:$0x3FA6] =	sst s2  }
0xb: {  	[smem:$0x3FA7] =	sst s3  }
0xc: {  	[smem:$0x3FA8] =	sst s4  }
0xd: {  	[smem:$0x3FA9] =	sst s5  }
0xe: {  	[smem:$0x3FAA] =	sst s6  }
0xf: {  	[smem:$0x3FAB] =	sst s7  }
0x10: {  	[smem:$0x3FAC] =	sst s8  }
0x11: {  	[smem:$0x3FAD] =	sst s9;
	s0 =	simm.s32 @!p0 $0x0  }
0x12: {  	s1 =	sld [smem:$0x3F93];
	s0 =	simm.s32 @p0 $0x1  }
0x13: {  	[smem:$0x3FAE] =	sst s0;
	s0 =	simm.s32 @!p1 $0x0  }
0x14: {  	s2 =	sld [smem:$0x3F92];
	s0 =	simm.s32 @p1 $0x1  }
0x15: {  	[smem:$0x3FAF] =	sst s0;
	s0 =	simm.s32 @!p2 $0x0  }
0x16: {  	s3 =	sld [smem:$0x3FDB];
	s0 =	simm.s32 @p2 $0x1  }
0x17: {  	s4 =	simm.s32 $0x1BF5;
	[smem:$0x3FB1] =	sst s0  }
0x18: {  	s0 =	sld [smem:$0x3F94];
	_ =	swait.ge [sflag:s4], $0x0  }
0x19: {  	s7 =	sld [smem:$0x3F95]  }
0x1a: {  	s8 =	sadd.s32 $0xFFFFE003, lr  }
0x1b: {  	s9 =	sadd.s32 $0xFFFFFEF7, lr;
	s5 =	simm.s32 $0xFFFFFFFF;
	p2 =	slt.u32 s8, $0xFFFFF086  }
0x1c: {  	p1 =	slt.u32 s9, $0xF7A;
	s5 =	simm.s32 @!p2 $0x0  }
0x1d: {  	s5 =	simm.s32 @p1 $0x1;
	p0 =	seq.s32 s7, s2  }
0x1e: {  	s7 =	smul.u32 @!p0 $0xF7A, s2;
	p2 =	seq.s32 @!p0 s5, $0x0  }
0x1f: {  	s9 =	smul.u32 $0xF7A, s1;
	s8 =	simm.s32 @!p0 $0x1BF5;
	p2 =	por !p2, p0  }
0x20: {  	[sflag:s8] =	ssyncset.s32 @!p0 $0xFFFFF086;
	s6 =	sadd.s32 @!p0 s3, s7;
	s7 =	simm.s32 @!p0 $0x108  }
0x21: {  	s3 =	sadd.s32 s3, s9;
	s6 =	sadd.s32 @!p0 $0x88, s6;
	s7 =	simm.s32 @p2 $0x1082  }
0x22: {  	[simem:s7], [sflag:s8] =	dma.local @!p0 [hbm:s6], $0xF7A  }
0x23: {  	s9 =	sor.u32 $0xD0000000, s2;
	s6 =	simm.s32 $0x108;
	_ =	swait.ge @!p0 [sflag:s8], $0x0  }
0x24: {  	s3 =	sadd.s32 $0x88, s3;
	s6 =	simm.s32 @!p1 $0x1082;
	[sflag:s4] =	ssyncset.s32 $0xFFFFF086  }
0x25: {  	[simem:s6], [sflag:s4] =	dma.local [hbm:s3], $0xF7A  }
0x26: {  	[smem:$0x3F95] =	sst s1;
	(tag) =	ssettag s2;
	_ =	strace s9  }
0x27: {  	s1 =	sld [smem:$0x3FA5]  }
0x28: {  	s2 =	sld [smem:$0x3FA6]  }
0x29: {  	s4 =	sld [smem:$0x3FA8]  }
0x2a: {  	p0 =	seq.s32 s5, $0x0;
	s5 =	sld [smem:$0x3FA9]  }
0x2b: {  	s6 =	sld [smem:$0x3FAA]  }
0x2c: {  	s7 =	sld [smem:$0x3FAB]  }
0x2d: {  	s3 =	simm.s32 $0x108;
	s8 =	sld [smem:$0x3FAC]  }
0x2e: {  	s3 =	simm.s32 @!p0 $0x1082;
	s9 =	sld [smem:$0x3FAD]  }
0x2f: {  	lr =	sadd.s32 s0, s3;
	s0 =	sld [smem:$0x3FA4]  }
0x30: {  	s3 =	sld [smem:$0x3FA7]  }
0x31: {  	[smem:$0x3FB0] =	sst s10  }
0x32: {  	s10 =	sld [smem:$0x3FAE];
	_ =	sdelay $0x3  }
0x33: {  	p0 =	seq.s32 s10, $0x1;
	s10 =	sld [smem:$0x3FB0];
	_ =	sdelay $0x3  }
0x34: {  	[smem:$0x3FB0] =	sst s10  }
0x35: {  	s10 =	sld [smem:$0x3FAF];
	_ =	sdelay $0x3  }
0x36: {  	p1 =	seq.s32 s10, $0x1;
	s10 =	sld [smem:$0x3FB0];
	_ =	sdelay $0x3  }
0x37: {  	[smem:$0x3FB0] =	sst s10  }
0x38: {  	s10 =	sld [smem:$0x3FB1]  }
0x39: {  	_ = 	snop;
	(pc) =	sbr.ind lr, $3  }
0x3a: {  	_ = 	snop  }
0x3b: {  	_ = 	snop  }
0x3c: {  	p2 =	seq.s32 s10, $0x1;
	s10 =	sld [smem:$0x3FB0]  }
0x3d: {  	_ =	shalt  }
0x3e: {  	_ =	shalt  }
0x3f: {  	_ =	shalt  }
0x40: {  	_ =	shalt  }
0x41: {  	_ =	shalt  }
0x42: {  	_ =	shalt  }
0x43: {  	_ =	shalt  }
0x44: {  	_ =	shalt  }
0x45: {  	_ =	shalt  }
0x46: {  	_ =	shalt  }
0x47: {  	_ =	shalt  }
0x48: {  	_ =	shalt  }
0x49: {  	_ =	shalt  }
0x4a: {  	_ =	shalt  }
0x4b: {  	_ =	shalt  }
0x4c: {  	_ =	shalt  }
0x4d: {  	_ =	shalt  }
0x4e: {  	_ =	shalt  }
0x4f: {  	_ =	shalt  }
0x50: {  	_ =	shalt  }
0x51: {  	_ =	shalt  }
0x52: {  	_ =	shalt  }
0x53: {  	_ =	shalt  }
0x54: {  	_ =	shalt  }
0x55: {  	_ =	shalt  }
0x56: {  	_ =	shalt  }
0x57: {  	_ =	shalt  }
0x58: {  	_ =	shalt  }
0x59: {  	_ =	shalt  }
0x5a: {  	_ =	shalt  }
0x5b: {  	_ =	shalt  }
0x5c: {  	_ =	shalt  }
0x5d: {  	_ =	shalt  }
0x5e: {  	_ =	shalt  }
0x5f: {  	_ =	shalt  }
0x60: {  	_ =	shalt  }
0x61: {  	_ =	shalt  }
0x62: {  	_ =	shalt  }
0x63: {  	_ =	shalt  }
0x64: {  	_ =	shalt  }
0x65: {  	_ =	shalt  }
0x66: {  	_ =	shalt  }
0x67: {  	_ =	shalt  }
0x68: {  	_ =	shalt  }
0x69: {  	_ =	shalt  }
0x6a: {  	_ =	shalt  }
0x6b: {  	_ =	shalt  }
0x6c: {  	_ =	shalt  }
0x6d: {  	_ =	shalt  }
0x6e: {  	_ =	shalt  }
0x6f: {  	_ =	shalt  }
0x70: {  	_ =	shalt  }
0x71: {  	_ =	shalt  }
0x72: {  	_ =	shalt  }
0x73: {  	_ =	shalt  }
0x74: {  	_ =	shalt  }
0x75: {  	_ =	shalt  }
0x76: {  	_ =	shalt  }
0x77: {  	_ =	shalt  }
0x78: {  	_ =	shalt  }
0x79: {  	_ =	shalt  }
0x7a: {  	_ =	shalt  }
0x7b: {  	_ =	shalt  }
0x7c: {  	_ =	shalt  }
0x7d: {  	_ =	shalt  }
0x7e: {  	_ =	shalt  }
0x7f: {  	_ =	shalt  }
0x80: {  	_ =	shalt  }
0x81: {  	_ =	shalt  }
0x82: {  	_ =	shalt  }
0x83: {  	_ =	shalt  }
0x84: {  	_ =	shalt  }
0x85: {  	_ =	shalt  }
0x86: {  	_ =	shalt  }
0x87: {  	_ =	shalt  }
.Lfunc_end0:
.L_simem_size_0:
called_computation.1_lowered:
.L_overlay_start_0:
0x88: {  	s0 =	sld [smem:$0x3FD9]  }
0x89: {  	s1 =	sld [smem:$0x3FFE];
	_ =	sdelay $0x3  }
0x8a: {  	s0 =	sadd.s32 s1, s0  }
0x8b: {  	[smem:$0x3FBC] =	sst s0  }
0x8c: {  	_ = 	snop  }
0x8d: {  	s0 =	sld [smem:$0x3FD0];
	(tm) =	ssettm $0x1  }
0x8e: {  	s16 =	sld [smem:$0x3FFB];
	_ =	sdelay $0x3  }
0x8f: {  	_ =	strace s16  }
0x90: {  	s1 =	sld [smem:$0x3FFC];
	_ =	sdelay $0x3  }
0x91: {  	_ =	strace s1  }
0x92: {  	s1 =	sld [smem:$0x3FFD];
	_ =	sdelay $0x3  }
0x93: {  	_ =	strace s1  }
0x94: {  	_ =	strace $0x8FFFFFFF  }
0x95: {  	s17 =	sld [smem:$0x3FDB];
	_ =	sdelay $0x1  }
0x96: {  	s2 =	simm.s32 $_scs_section_size  }
0x97: {  	s3 =	simm.s32 $_size__tile_overlayer_lowered;
	s4 =	simm.s32 $_tile_overlayer_lowered  }
0x98: {  	s20 =	simm.s32 $0x1BFF;
	s19 =	sshll.u32 s4, $0x1;
	s1 =	sadd.s32 s2, s17  }
0x99: {  	s5 =	simm.s32 $0x0;
	s18 =	sshll.u32 s3, $0x1;
	s3 =	sadd.s32 s19, s1  }
0x9a: {  	[timem:s5], [sflag:s20] =	dma.local [hbm:s3], s18  }
0x9b: {  	_ =	swait.ge [sflag:s20], s18  }
0x9c: {  	s2 =	ssub.s32 $0x0, s18;
	[sflag:s20] =	ssyncset.done $0x0  }
0x9d: {  	[sflag:s20] =	ssyncadd.s32 s2;
	_ =	sdelay $0x1  }
0x9e: {  	s21 =	simm.s32 $0x1B8B  }
0x9f: {  	_ =	swait.ge [sflag:s21], $0x1  }
0xa0: {  	[sflag:s21] =	ssyncset.done $0x0  }
0xa1: {  	s23 =	simm.s32 $0x1B8E;
	s22 =	sld [smem:$0x3FFE];
	[sflag:s21] =	ssyncadd.s32 $0xFFFFFFFF  }
0xa2: {  	s24 =	simm.s32 $execute0_lowered;
	[smem:$0x3FD2] =	sst s23  }
0xa3: {  	s3 =	sshll.u32 s24, $0x1;
	_ =	strace $0x8000004C;
	[dreg:$0x1] =	wrdreg $0xFFFFFFFF  }
0xa4: {  	s25 =	simm.s32 $_size_execute0_lowered;
	s1 =	sadd.s32 s1, s3;
	[dreg:$0x0] =	wrdreg $0x0  }
0xa5: {  	s3 =	sshll.u32 s25, $0x1;
	[dreg:$0x2] =	wrdreg s1  }
0xa6: {  	[dreg:$0x3] =	wrdreg s3  }
0xa7: {  	[dreg:$0x4] =	wrdreg $0xC0  }
0xa8: {  	_ =	task [dreg:s5], $0x5FFFF  }
0xa9: {  	[dreg:$0x1] =	wrdreg $0xFFFFFFFF  }
0xaa: {  	[dreg:$0x0] =	wrdreg $0x60  }
0xab: {  	[dreg:$0x2] =	wrdreg s22  }
0xac: {  	[dreg:$0x3] =	wrdreg s0  }
0xad: {  	[dreg:$0x4] =	wrdreg $0xFA500  }
0xae: {  	[dreg:$0x5] =	wrdreg $0x9  }
0xaf: {  	_ =	task.clear_ibuf [dreg:s5], $0x6FFFF;
	_ =	strace $0x9000004C  }
0xb0: {  	s26 =	simm.s32 $0x9;
	_ =	strace $0x8000004E  }
0xb1: {  	_ =	swait.ge [sflag:s26], $0x1  }
0xb2: {  	[sflag:s26] =	ssyncadd.s32 $0xFFFFFFFF  }
0xb3: {  	_ =	strace $0x9000004E  }
0xb4: {  	_ =	sfence  }
0xb5: {  	s28 =	sld [smem:$0x0];
	_ =	sdelay $0x1  }
0xb6: {  	s29 =	srdreg.scid  }
0xb7: {  	s30 =	sshll.u32 s29, $0xD;
	s31 =	sshrl.u32 s29, $0x2  }
0xb8: {  	s2 =	sand.u32 $0x4000, s30;
	s1 =	sand.u32 $0x1, s29;
	s0 =	sadd.s32 s31, s28  }
0xb9: {  	s1 =	sor.u32 s2, s1;
	s0 =	sshll.u32 s0, $0x11  }
0xba: {  	s0 =	sor.u32 s0, s1  }
0xbb: {  	s0 =	sadd.s32 $0x8F2B, s0  }
0xbc: {  	[sflag:s0] =	ssyncadd.remote.s32 $0x1  }
0xbd: {  	_ =	sfence.sel $0xFFFF  }
0xbe: {  	[dreg:$0x0] =	wrdreg $0xFFFFFFFF;
	(pc) =	sbr.abs _section_cstart, $3  }
0xbf: {  	[dreg:$0x1] =	wrdreg $0xFFFFFFFF  }
0xc0: {  	_ =	task.clear_ibuf [dreg:s5], $0x2FFFF;
	_ =	strace $0x9FFFFFFF  }
0xc1: {  	(tm) =	ssettm $0x7FFFFFFF  }
tec
execute0_lowered:
.L_overlay_start_1:
0x0: {  	(tag) =	ssettag $0x1  }
0x1: {  	s8 =	rddreg [dreg:$0x0]  }
0x2: {  	s1 =	rddreg [dreg:$0x1]  }
0x3: {  	s3 =	rddreg [dreg:$0x2]  }
0x4: {  	s0 =	rddreg [dreg:$0x3];
	s9 =	simm.s32 $0x0  }
0x5: {  	[smem:$0x7FF] =	sst s9  }
0x6: {  	s7 =	simm.s32 $0x34D0;
	s2 =	sadd.s32 $0x19200, s8;
	_ =	strace $0x8000004D  }
0x7: {  	[tilespmem:s7], [sflag:$0x5] =	stream.linear.gather [hbm4b:s2+s9], $0xC580, $0x38;
	[tilespmem:$0x1BFD0] =	vst v63  }
0x8: {  	s6 =	simm.s32 $0x5;
	s2 =	stileid.u32  }
0x9: {  	s4 =	smul.u32 $0xC580, s2;
	_ =	swait.ge [sflag:s6], $0xC580  }
0xa: {  	[sflag:s6] =	ssyncset.done $0x0  }
0xb: {  	s5 =	sadd.s32 s4, s3;
	[sflag:s6] =	ssyncadd.s32 $0xFFFF3A80  }
0xc: {  	[spmem:s5] =	stream.linear.scatter [tilespmem:s7], [sflag:$0x5], $0xC580, $0x38;
	[tilespmem:$0x1BFD0] =	vst v63  }
0xd: {  	_ =	swait.ge [sflag:s6], $0xC580  }
0xe: {  	s10 =	smul.u32 $0x2710, s2;
	s7 =	sadd.s32 $0x50D400, s8;
	[sflag:s6] =	ssyncset.done $0x0  }
0xf: {  	s8 =	sadd.s32 $0x4E6200, s8;
	[sflag:s6] =	ssyncadd.s32 $0xFFFF3A80  }
0x10: {  	s11 =	smul.u32 $0x30D40, s2;
	s10 =	sadd.s32 s8, s10;
	[bflag:$0x0] =	sbarrier.arrive $0xFFFF  }
0x11: {  	[tilespmem:s9], [sflag:$0x1] =	stream.linear.gather [hbm4b:s10+s9], $0x140, $0x38;
	[tilespmem:$0x1BFD0] =	vst v63  }
0x12: {  	s12 =	simm.s32 $0x2D0;
	s15 =	sadd.s32 s7, s11;
	s21 =	sadd.s32 $0x50, s10  }
0x13: {  	[tilespmem:s12], [sflag:$0x3] =	stream.linear.gather [hbm4b:s15+s9], $0x1900, $0x38;
	[tilespmem:$0x1BFD0] =	vst v63  }
0x14: {  	s19 =	sadd.s32 $0x0, s15;
	s31 =	sadd.s32 $0xFFFFFFD8, s21;
	s10 =	simm.s32 $0x140  }
0x15: {  	[tilespmem:s10], [sflag:$0x2] =	stream.linear.gather [hbm4b:s31+s9], $0x140, $0x38;
	[tilespmem:$0x1BFD0] =	vst v63  }
0x16: {  	s16 =	simm.s32 $0x1;
	v0 =	vlaneseq.u32;
	s11 =	simm.s32 $0x1BD0;
	s13 =	sadd.s32 $0x320, s19  }
0x17: {  	v4 =	vmul.u32 $0x4, v0;
	[tilespmem:s11], [sflag:$0x4] =	stream.linear.gather [hbm4b:s13+s9], $0x1900, $0x38;
	[tilespmem:$0x1BFD0] =	vst v63  }
0x18: {  	_ =	swait.ge [sflag:s16], $0x140  }
0x19: {  	v0 =	vor.u32 $0x3, v4;
	[sflag:s16] =	ssyncset.done $0x0  }
0x1a: {  	s17 =	simm.s32 $0x3;
	[sflag:s16] =	ssyncadd.s32 $0xFFFFFEC0  }
0x1b: {  	_ =	swait.ge [sflag:s17], $0x1900  }
0x1c: {  	[sflag:s17] =	ssyncset.done $0x0  }
0x1d: {  	[sflag:s17] =	ssyncadd.s32 $0xFFFFE700  }
0x1e: {  	v2 =	vld.idx.msk [tilespmem:v0+s9+$0x0], $0xffff  }
0x1f: {  	v1 =	vor.u32 $0x43, v4;
	_ =	sdelay $0x3  }
0x20: {  	[tilespmem:$0x280] =	vst v2  }
0x21: {  	v3 =	vld.idx.msk [tilespmem:v1+s9+$0x0], $0xffff  }
0x22: {  	v2 =	vor.u32 $0x83, v4;
	_ =	sdelay $0x3  }
0x23: {  	[tilespmem:$0x290] =	vst v3  }
0x24: {  	v5 =	vld.idx.msk [tilespmem:v2+s9+$0x0], $0xffff  }
0x25: {  	v3 =	vor.u32 $0xC3, v4;
	_ =	sdelay $0x3  }
0x26: {  	[tilespmem:$0x2A0] =	vst v5  }
0x27: {  	v5 =	vld.idx.msk [tilespmem:v3+s9+$0x0], $0xffff  }
0x28: {  	v4 =	vor.u32 $0x103, v4;
	_ =	sdelay $0x3  }
0x29: {  	[tilespmem:$0x2B0] =	vst v5  }
0x2a: {  	v5 =	vld.idx.msk [tilespmem:v4+s9+$0x0], $0xffff;
	_ =	sdelay $0x4  }
0x2b: {  	s14 =	simm.s32 $0x280;
	s13 =	simm.s32 $0x50;
	[tilespmem:$0x2C0] =	vst v5  }
0x2c: {  	[spmem:s3] =	stream.indirect.scatter.add.f32 [tilespmem:s12], [sflag:$0x5], $0x50, s14, s13, $0xb8;
	[tilespmem:$0x1BFD0] =	vst v63  }
0x2d: {  	_ =	swait.ge [sflag:s6], $0x1900  }
0x2e: {  	[sflag:s6] =	ssyncset.done $0x0  }
0x2f: {  	[sflag:s6] =	ssyncadd.s32 $0xFFFFE700  }
0x30: {  	[tilespmem:s9], [sflag:$0x1] =	stream.linear.gather [hbm4b:s21+s9], $0x140, $0x38;
	[tilespmem:$0x1BFD0] =	vst v63  }
0x31: {  	s18 =	simm.s32 $0x2;
	s19 =	sadd.s32 $0x640, s19  }
0x32: {  	[tilespmem:s12], [sflag:$0x3] =	stream.linear.gather [hbm4b:s19+s9], $0x1900, $0x38;
	[tilespmem:$0x1BFD0] =	vst v63  }
0x33: {  	_ =	swait.ge [sflag:s18], $0x140  }
0x34: {  	[sflag:s18] =	ssyncset.done $0x0  }
0x35: {  	s19 =	simm.s32 $0x4;
	[sflag:s18] =	ssyncadd.s32 $0xFFFFFEC0  }
0x36: {  	_ =	swait.ge [sflag:s19], $0x1900  }
0x37: {  	[sflag:s19] =	ssyncset.done $0x0  }
0x38: {  	[sflag:s19] =	ssyncadd.s32 $0xFFFFE700  }
0x39: {  	v5 =	vld.idx.msk [tilespmem:v0+s10+$0x0], $0xffff;
	_ =	sdelay $0x4  }
0x3a: {  	[tilespmem:$0x280] =	vst v5  }
0x3b: {  	v5 =	vld.idx.msk [tilespmem:v1+s10+$0x0], $0xffff;
	_ =	sdelay $0x4  }
0x3c: {  	[tilespmem:$0x290] =	vst v5  }
0x3d: {  	v5 =	vld.idx.msk [tilespmem:v2+s10+$0x0], $0xffff;
	_ =	sdelay $0x4  }
0x3e: {  	[tilespmem:$0x2A0] =	vst v5  }
0x3f: {  	v5 =	vld.idx.msk [tilespmem:v3+s10+$0x0], $0xffff;
	_ =	sdelay $0x4  }
0x40: {  	[tilespmem:$0x2B0] =	vst v5  }
0x41: {  	v5 =	vld.idx.msk [tilespmem:v4+s10+$0x0], $0xffff;
	_ =	sdelay $0x4  }
0x42: {  	[tilespmem:$0x2C0] =	vst v5  }
0x43: {  	[spmem:s3] =	stream.indirect.scatter.add.f32 [tilespmem:s11], [sflag:$0x5], $0x50, s14, s13, $0xb8;
	[tilespmem:$0x1BFD0] =	vst v63  }
0x44: {  	s22 =	simm.s32 $0x640;
	s23 =	simm.s32 $0xC80;
	_ =	swait.ge [sflag:s6], $0x1900  }
0x45: {  	s20 =	smul.u32 $0x4E20, s2;
	s21 =	sadd.s32 $0x50, s21;
	[sflag:s6] =	ssyncset.done $0x0  }
.LBB2_1:
0x46: {  	s25 =	sadd.s32 $0xFFFFFFD8, s21  }
0x47: {  	s24 =	sadd.s32 s22, s15;
	[sflag:s6] =	ssyncadd.s32 $0xFFFFE700;
	s22 =	smov.u32 s23  }
0x48: {  	[tilespmem:s10], [sflag:$0x2] =	stream.linear.gather [hbm4b:s25+s9], $0x140, $0x38;
	[tilespmem:$0x1BFD0] =	vst v63  }
0x49: {  	p0 =	sne.s32 s23, $0x300C0;
	s23 =	sadd.s32 $0x640, s23;
	s25 =	sadd.s32 $0x320, s24  }
0x4a: {  	[tilespmem:s11], [sflag:$0x4] =	stream.linear.gather [hbm4b:s25+s9], $0x1900, $0x38;
	[tilespmem:$0x1BFD0] =	vst v63  }
0x4b: {  	_ =	swait.ge [sflag:s16], $0x140  }
0x4c: {  	[sflag:s16] =	ssyncset.done $0x0  }
0x4d: {  	[sflag:s16] =	ssyncadd.s32 $0xFFFFFEC0  }
0x4e: {  	_ =	swait.ge [sflag:s17], $0x1900  }
0x4f: {  	[sflag:s17] =	ssyncset.done $0x0  }
0x50: {  	[sflag:s17] =	ssyncadd.s32 $0xFFFFE700  }
0x51: {  	v5 =	vld.idx.msk [tilespmem:v0+s9+$0x0], $0xffff;
	_ =	sdelay $0x5  }
0x52: {  	[tilespmem:$0x280] =	vst v5  }
0x53: {  	v5 =	vld.idx.msk [tilespmem:v1+s9+$0x0], $0xffff;
	_ =	sdelay $0x5  }
0x54: {  	[tilespmem:$0x290] =	vst v5  }
0x55: {  	v5 =	vld.idx.msk [tilespmem:v2+s9+$0x0], $0xffff;
	_ =	sdelay $0x5  }
0x56: {  	[tilespmem:$0x2A0] =	vst v5  }
0x57: {  	v5 =	vld.idx.msk [tilespmem:v3+s9+$0x0], $0xffff;
	_ =	sdelay $0x5  }
0x58: {  	[tilespmem:$0x2B0] =	vst v5  }
0x59: {  	v5 =	vld.idx.msk [tilespmem:v4+s9+$0x0], $0xffff;
	_ =	sdelay $0x5  }
0x5a: {  	[tilespmem:$0x2C0] =	vst v5  }
0x5b: {  	[spmem:s3] =	stream.indirect.scatter.add.f32 [tilespmem:s12], [sflag:$0x5], $0x50, s14, s13, $0xb8;
	[tilespmem:$0x1BFD0] =	vst v63  }
0x5c: {  	_ =	swait.ge [sflag:s6], $0x1900  }
0x5d: {  	[sflag:s6] =	ssyncset.done $0x0  }
0x5e: {  	[sflag:s6] =	ssyncadd.s32 $0xFFFFE700  }
0x5f: {  	[tilespmem:s9], [sflag:$0x1] =	stream.linear.gather [hbm4b:s21+s9], $0x140, $0x38;
	[tilespmem:$0x1BFD0] =	vst v63  }
0x60: {  	s24 =	sadd.s32 $0x640, s24  }
0x61: {  	[tilespmem:s12], [sflag:$0x3] =	stream.linear.gather [hbm4b:s24+s9], $0x1900, $0x38;
	[tilespmem:$0x1BFD0] =	vst v63  }
0x62: {  	_ =	swait.ge [sflag:s18], $0x140  }
0x63: {  	[sflag:s18] =	ssyncset.done $0x0  }
0x64: {  	[sflag:s18] =	ssyncadd.s32 $0xFFFFFEC0  }
0x65: {  	_ =	swait.ge [sflag:s19], $0x1900  }
0x66: {  	[sflag:s19] =	ssyncset.done $0x0  }
0x67: {  	[sflag:s19] =	ssyncadd.s32 $0xFFFFE700  }
0x68: {  	v5 =	vld.idx.msk [tilespmem:v0+s10+$0x0], $0xffff;
	_ =	sdelay $0x5  }
0x69: {  	[tilespmem:$0x280] =	vst v5  }
0x6a: {  	v5 =	vld.idx.msk [tilespmem:v1+s10+$0x0], $0xffff;
	_ =	sdelay $0x5  }
0x6b: {  	[tilespmem:$0x290] =	vst v5  }
0x6c: {  	v5 =	vld.idx.msk [tilespmem:v2+s10+$0x0], $0xffff;
	_ =	sdelay $0x5  }
0x6d: {  	[tilespmem:$0x2A0] =	vst v5  }
0x6e: {  	v5 =	vld.idx.msk [tilespmem:v3+s10+$0x0], $0xffff;
	_ =	sdelay $0x5  }
0x6f: {  	[tilespmem:$0x2B0] =	vst v5  }
0x70: {  	v5 =	vld.idx.msk [tilespmem:v4+s10+$0x0], $0xffff;
	_ =	sdelay $0x4  }
.Ltmp0:
0x71: {  	(pc) =	sbr.rel @p0 .LBB2_1-.Ltmp0, $4  }
0x72: {  	[tilespmem:$0x2C0] =	vst v5  }
0x73: {  	[spmem:s3] =	stream.indirect.scatter.add.f32 [tilespmem:s11], [sflag:$0x5], $0x50, s14, s13, $0xb8;
	[tilespmem:$0x1BFD0] =	vst v63  }
0x74: {  	_ =	swait.ge [sflag:s6], $0x1900  }
0x75: {  	s21 =	sadd.s32 $0x50, s21;
	[sflag:s6] =	ssyncset.done $0x0  }
0x76: {  	s23 =	sadd.s32 $0xFFFFFFD8, s21;
	s15 =	sadd.s32 s22, s15;
	[sflag:s6] =	ssyncadd.s32 $0xFFFFE700  }
0x77: {  	[tilespmem:s10], [sflag:$0x2] =	stream.linear.gather [hbm4b:s23+s9], $0x140, $0x38;
	[tilespmem:$0x1BFD0] =	vst v63  }
0x78: {  	s22 =	sadd.s32 $0x320, s15  }
0x79: {  	[tilespmem:s11], [sflag:$0x4] =	stream.linear.gather [hbm4b:s22+s9], $0x1900, $0x38;
	[tilespmem:$0x1BFD0] =	vst v63  }
0x7a: {  	_ =	swait.ge [sflag:s16], $0x140  }
0x7b: {  	[sflag:s16] =	ssyncset.done $0x0  }
0x7c: {  	[sflag:s16] =	ssyncadd.s32 $0xFFFFFEC0  }
0x7d: {  	_ =	swait.ge [sflag:s17], $0x1900  }
0x7e: {  	[sflag:s17] =	ssyncset.done $0x0  }
0x7f: {  	[sflag:s17] =	ssyncadd.s32 $0xFFFFE700  }
0x80: {  	v5 =	vld.idx.msk [tilespmem:v0+s9+$0x0], $0xffff;
	_ =	sdelay $0x4  }
0x81: {  	[tilespmem:$0x280] =	vst v5  }
0x82: {  	v5 =	vld.idx.msk [tilespmem:v1+s9+$0x0], $0xffff;
	_ =	sdelay $0x4  }
0x83: {  	[tilespmem:$0x290] =	vst v5  }
0x84: {  	v5 =	vld.idx.msk [tilespmem:v2+s9+$0x0], $0xffff;
	_ =	sdelay $0x4  }
0x85: {  	[tilespmem:$0x2A0] =	vst v5  }
0x86: {  	v5 =	vld.idx.msk [tilespmem:v3+s9+$0x0], $0xffff;
	_ =	sdelay $0x4  }
0x87: {  	[tilespmem:$0x2B0] =	vst v5  }
0x88: {  	v5 =	vld.idx.msk [tilespmem:v4+s9+$0x0], $0xffff;
	_ =	sdelay $0x4  }
0x89: {  	[tilespmem:$0x2C0] =	vst v5  }
0x8a: {  	[spmem:s3] =	stream.indirect.scatter.add.f32 [tilespmem:s12], [sflag:$0x5], $0x50, s14, s13, $0xb8;
	[tilespmem:$0x1BFD0] =	vst v63  }
0x8b: {  	_ =	swait.ge [sflag:s6], $0x1900  }
0x8c: {  	[sflag:s6] =	ssyncset.done $0x0  }
0x8d: {  	[sflag:s6] =	ssyncadd.s32 $0xFFFFE700  }
0x8e: {  	[tilespmem:s9], [sflag:$0x1] =	stream.linear.gather [hbm4b:s21+s9], $0x140, $0x38;
	[tilespmem:$0x1BFD0] =	vst v63  }
0x8f: {  	s15 =	sadd.s32 $0x640, s15  }
0x90: {  	[tilespmem:s12], [sflag:$0x3] =	stream.linear.gather [hbm4b:s15+s9], $0x1900, $0x38;
	[tilespmem:$0x1BFD0] =	vst v63  }
0x91: {  	_ =	swait.ge [sflag:s18], $0x140  }
0x92: {  	[sflag:s18] =	ssyncset.done $0x0  }
0x93: {  	[sflag:s18] =	ssyncadd.s32 $0xFFFFFEC0  }
0x94: {  	_ =	swait.ge [sflag:s19], $0x1900  }
0x95: {  	[sflag:s19] =	ssyncset.done $0x0  }
0x96: {  	[sflag:s19] =	ssyncadd.s32 $0xFFFFE700  }
0x97: {  	v57 =	vld.idx.msk [tilespmem:v0+s10+$0x0], $0xffff;
	_ =	sdelay $0x4  }
0x98: {  	[tilespmem:$0x280] =	vst v57  }
0x99: {  	v0 =	vld.idx.msk [tilespmem:v1+s10+$0x0], $0xffff;
	_ =	sdelay $0x4  }
0x9a: {  	[tilespmem:$0x290] =	vst v0  }
0x9b: {  	v0 =	vld.idx.msk [tilespmem:v2+s10+$0x0], $0xffff;
	_ =	sdelay $0x4  }
0x9c: {  	[tilespmem:$0x2A0] =	vst v0  }
0x9d: {  	v0 =	vld.idx.msk [tilespmem:v3+s10+$0x0], $0xffff;
	_ =	sdelay $0x4  }
0x9e: {  	[tilespmem:$0x2B0] =	vst v0  }
0x9f: {  	v0 =	vld.idx.msk [tilespmem:v4+s10+$0x0], $0xffff;
	_ =	sdelay $0x4  }
0xa0: {  	[tilespmem:$0x2C0] =	vst v0  }
0xa1: {  	[spmem:s3] =	stream.indirect.scatter.add.f32 [tilespmem:s11], [sflag:$0x5], $0x50, s14, s13, $0xb8;
	[tilespmem:$0x1BFD0] =	vst v63  }
0xa2: {  	s17 =	sadd.s32 $0x4DD0, s20;
	s20 =	simm.s32 $0x140;
	_ =	swait.ge [sflag:s6], $0x1900  }
0xa3: {  	s9 =	smul.u32 $0xA, s17;
	s18 =	sshrl.u32 s17, $0x1;
	[sflag:s6] =	ssyncset.done $0x0  }
0xa4: {  	s8 =	sadd.s32 s8, s18;
	s19 =	simm.s32 $0x0;
	[sflag:s6] =	ssyncadd.s32 $0xFFFFE700  }
0xa5: {  	[tilespmem:s20], [sflag:$0x2] =	stream.linear.gather [hbm4b:s8+s19], $0x140, $0x38;
	[tilespmem:$0x1BFD0] =	vst v63  }
0xa6: {  	v58 =	vlaneseq.u32;
	s22 =	simm.s32 $0x1;
	s21 =	simm.s32 $0x1BD0;
	s7 =	sadd.s32 s7, s9  }
0xa7: {  	v0 =	vmul.u32 $0x4, v58;
	[tilespmem:s21], [sflag:$0x4] =	stream.linear.gather [hbm4b:s7+s19], $0x1900, $0x38;
	[tilespmem:$0x1BFD0] =	vst v63  }
0xa8: {  	_ =	swait.ge [sflag:s22], $0x140  }
0xa9: {  	v59 =	vor.u32 $0x3, v0;
	[sflag:s22] =	ssyncset.done $0x0  }
0xaa: {  	s23 =	simm.s32 $0x3;
	[sflag:s22] =	ssyncadd.s32 $0xFFFFFEC0  }
0xab: {  	_ =	swait.ge [sflag:s23], $0x1900  }
0xac: {  	[sflag:s23] =	ssyncset.done $0x0  }
0xad: {  	[sflag:s23] =	ssyncadd.s32 $0xFFFFE700  }
0xae: {  	v60 =	vld.idx.msk [tilespmem:v59+s19+$0x0], $0xffff  }
0xaf: {  	v61 =	vor.u32 $0x43, v0;
	_ =	sdelay $0x3  }
0xb0: {  	[tilespmem:$0x280] =	vst v60  }
0xb1: {  	v2 =	vld.idx.msk [tilespmem:v61+s19+$0x0], $0xffff  }
0xb2: {  	v62 =	vor.u32 $0x83, v0;
	_ =	sdelay $0x3  }
0xb3: {  	[tilespmem:$0x290] =	vst v2  }
0xb4: {  	v2 =	vld.idx.msk [tilespmem:v62+s19+$0x0], $0xffff  }
0xb5: {  	v63 =	vor.u32 $0xC3, v0;
	_ =	sdelay $0x3  }
0xb6: {  	[tilespmem:$0x2A0] =	vst v2  }
0xb7: {  	v2 =	vld.idx.msk [tilespmem:v63+s19+$0x0], $0xffff  }
0xb8: {  	v0 =	vor.u32 $0x103, v0;
	_ =	sdelay $0x3  }
0xb9: {  	[tilespmem:$0x2B0] =	vst v2  }
0xba: {  	v2 =	vld.idx.msk [tilespmem:v0+s19+$0x0], $0xffff;
	_ =	sdelay $0x3  }
0xbb: {  	s24 =	simm.s32 $0x50  }
0xbc: {  	s25 =	simm.s32 $0x280;
	s26 =	simm.s32 $0x2D0;
	s28 =	simm.s32 $0x5;
	[tilespmem:$0x2C0] =	vst v2  }
0xbd: {  	[spmem:s3] =	stream.indirect.scatter.add.f32 [tilespmem:s26], [sflag:$0x5], $0x50, s25, s24, $0xb8;
	[tilespmem:$0x1BFD0] =	vst v63  }
0xbe: {  	_ =	swait.ge [sflag:s28], $0x1900  }
0xbf: {  	[sflag:s28] =	ssyncset.done $0x0  }
0xc0: {  	s29 =	simm.s32 $0x2;
	[sflag:s28] =	ssyncadd.s32 $0xFFFFE700  }
0xc1: {  	_ =	swait.ge [sflag:s29], $0x140  }
0xc2: {  	[sflag:s29] =	ssyncset.done $0x0  }
0xc3: {  	s30 =	simm.s32 $0x4;
	[sflag:s29] =	ssyncadd.s32 $0xFFFFFEC0  }
0xc4: {  	_ =	swait.ge [sflag:s30], $0x1900  }
0xc5: {  	[sflag:s30] =	ssyncset.done $0x0  }
0xc6: {  	[sflag:s30] =	ssyncadd.s32 $0xFFFFE700  }
0xc7: {  	v1 =	vld.idx.msk [tilespmem:v59+s20+$0x0], $0xffff;
	_ =	sdelay $0x4  }
0xc8: {  	[tilespmem:$0x280] =	vst v1  }
0xc9: {  	v1 =	vld.idx.msk [tilespmem:v61+s20+$0x0], $0xffff;
	_ =	sdelay $0x4  }
0xca: {  	[tilespmem:$0x290] =	vst v1  }
0xcb: {  	v1 =	vld.idx.msk [tilespmem:v62+s20+$0x0], $0xffff;
	_ =	sdelay $0x4  }
0xcc: {  	[tilespmem:$0x2A0] =	vst v1  }
0xcd: {  	v1 =	vld.idx.msk [tilespmem:v63+s20+$0x0], $0xffff;
	_ =	sdelay $0x4  }
0xce: {  	[tilespmem:$0x2B0] =	vst v1  }
0xcf: {  	v0 =	vld.idx.msk [tilespmem:v0+s20+$0x0], $0xffff;
	_ =	sdelay $0x4  }
0xd0: {  	[tilespmem:$0x2C0] =	vst v0  }
0xd1: {  	[spmem:s3] =	stream.indirect.scatter.add.f32 [tilespmem:s21], [sflag:$0x5], $0x50, s25, s24, $0xb8;
	[tilespmem:$0x1BFD0] =	vst v63  }
0xd2: {  	_ =	swait.ge [sflag:s28], $0x1900  }
0xd3: {  	[sflag:s28] =	ssyncset.done $0x0  }
0xd4: {  	[sflag:s28] =	ssyncadd.s32 $0xFFFFE700  }
0xd5: {  	s31 =	simm.s32 $0x34D0;
	[bflag:$0x0] =	sbarrier.arrive $0xFFFF  }
0xd6: {  	[tilespmem:s31], [sflag:$0x5] =	stream.linear.gather [spmem:s5], $0xC580, $0x38;
	[tilespmem:$0x1BFD0] =	vst v63  }
0xd7: {  	_ =	swait.ge [sflag:s28], $0xC580  }
0xd8: {  	s4 =	sshrl.u32 s4, $0x3;
	[sflag:s28] =	ssyncset.done $0x0  }
0xd9: {  	s1 =	sadd.s32 s1, s4;
	[sflag:s28] =	ssyncadd.s32 $0xFFFF3A80  }
0xda: {  	[hbm4b:s1+s19] =	stream.linear.scatter [tilespmem:s31], [sflag:$0x5], $0xC580, $0x38;
	[tilespmem:$0x1BFD0] =	vst v63  }
0xdb: {  	_ =	swait.ge [sflag:s28], $0xC580  }
0xdc: {  	[sflag:s28] =	ssyncset.done $0x0  }
0xdd: {  	[sflag:s28] =	ssyncadd.s32 $0xFFFF3A80  }
0xde: {  	_ =	sfence.sel $0x180000  }
0xdf: {  	[bflag:$0x0] =	sbarrier.arrive $0xFFFF  }
0xe0: {  	p0 =	sne.s32 s2, $0x0;
	_ =	strace $0x9000004D  }
0xe1: {  	s0 =	sadd.s32 @!p0 $0x100000, s0;
	[bflag:$0x2] =	sbarrier.arrive $0xFFFF  }
0xe2: {  	[sflag:s0] =	ssyncadd.tile.s32 @!p0 $0x1;
	_ =	shalt  }
.Lfunc_end2:
_tile_overlayer_lowered:
.L_overlay_start_2:
0xe3: {  	(tag) =	ssettag $0x2  }
0xe4: {  	s0 =	rddreg [dreg:$0x0];
	s2 =	stileid.u32  }
0xe5: {  	s1 =	rddreg [dreg:$0x1];
	p0 =	sne.s32 s2, $0x0  }
0xe6: {  	s3 =	rddreg [dreg:$0x2];
	[bflag:$0x3] =	sbarrier.arrive $0xFFFF;
	s2 =	simm.s32 @!p0 $0x1C05  }
0xe7: {  	[timem:s3], [sflag:s2] =	dma.local @!p0 [hbm:s0], s1  }
0xe8: {  	s0 =	simm.s32 @!p0 $0x5  }
0xe9: {  	_ =	swait.ge @!p0 [sflag:s0], s1  }
0xea: {  	s1 =	ssub.s32 @!p0 $0x0, s1;
	[sflag:s0] =	ssyncset.done @!p0 $0x0  }
0xeb: {  	[sflag:s0] =	ssyncadd.s32 @!p0 s1  }
0xec: {  	[bflag:$0x3] =	sbarrier.arrive $0xFFFF  }
0xed: {  	_ =	shalt  }

// kernel: kernel.14.cloned.1.call-start
scs
__scs_entry_jumppad:
0x0: {  	(pc) =	sbr.rel $0x88, $3  }
0x1: {  	(tag) =	ssettag $0x0;
	lr =	simm.s32 $0x1  }
0x2: {  	[smem:$0x3F95] =	sst lr;
	_ =	strace $0xD0000000  }
0x3: {  	_ = 	snop  }
0x4: {  	_ = 	snop  }
0x5: {  	_ = 	snop  }
0x6: {  	_ = 	snop  }
0x7: {  	_ = 	snop  }
__scs_overlays_trampoline_lowered:
0x8: {  	[smem:$0x3FA4] =	sst s0  }
0x9: {  	[smem:$0x3FA5] =	sst s1  }
0xa: {  	[smem:$0x3FA6] =	sst s2  }
0xb: {  	[smem:$0x3FA7] =	sst s3  }
0xc: {  	[smem:$0x3FA8] =	sst s4  }
0xd: {  	[smem:$0x3FA9] =	sst s5  }
0xe: {  	[smem:$0x3FAA] =	sst s6  }
0xf: {  	[smem:$0x3FAB] =	sst s7  }
0x10: {  	[smem:$0x3FAC] =	sst s8  }
0x11: {  	[smem:$0x3FAD] =	sst s9;
	s0 =	simm.s32 @!p0 $0x0  }
0x12: {  	s1 =	sld [smem:$0x3F93];
	s0 =	simm.s32 @p0 $0x1  }
0x13: {  	[smem:$0x3FAE] =	sst s0;
	s0 =	simm.s32 @!p1 $0x0  }
0x14: {  	s2 =	sld [smem:$0x3F92];
	s0 =	simm.s32 @p1 $0x1  }
0x15: {  	[smem:$0x3FAF] =	sst s0;
	s0 =	simm.s32 @!p2 $0x0  }
0x16: {  	s3 =	sld [smem:$0x3FDB];
	s0 =	simm.s32 @p2 $0x1  }
0x17: {  	s4 =	simm.s32 $0x1BF5;
	[smem:$0x3FB1] =	sst s0  }
0x18: {  	s0 =	sld [smem:$0x3F94];
	_ =	swait.ge [sflag:s4], $0x0  }
0x19: {  	s7 =	sld [smem:$0x3F95]  }
0x1a: {  	s8 =	sadd.s32 $0xFFFFE003, lr  }
0x1b: {  	s9 =	sadd.s32 $0xFFFFFEF7, lr;
	s5 =	simm.s32 $0xFFFFFFFF;
	p2 =	slt.u32 s8, $0xFFFFF086  }
0x1c: {  	p1 =	slt.u32 s9, $0xF7A;
	s5 =	simm.s32 @!p2 $0x0  }
0x1d: {  	s5 =	simm.s32 @p1 $0x1;
	p0 =	seq.s32 s7, s2  }
0x1e: {  	s7 =	smul.u32 @!p0 $0xF7A, s2;
	p2 =	seq.s32 @!p0 s5, $0x0  }
0x1f: {  	s9 =	smul.u32 $0xF7A, s1;
	s8 =	simm.s32 @!p0 $0x1BF5;
	p2 =	por !p2, p0  }
0x20: {  	[sflag:s8] =	ssyncset.s32 @!p0 $0xFFFFF086;
	s6 =	sadd.s32 @!p0 s3, s7;
	s7 =	simm.s32 @!p0 $0x108  }
0x21: {  	s3 =	sadd.s32 s3, s9;
	s6 =	sadd.s32 @!p0 $0x88, s6;
	s7 =	simm.s32 @p2 $0x1082  }
0x22: {  	[simem:s7], [sflag:s8] =	dma.local @!p0 [hbm:s6], $0xF7A  }
0x23: {  	s9 =	sor.u32 $0xD0000000, s2;
	s6 =	simm.s32 $0x108;
	_ =	swait.ge @!p0 [sflag:s8], $0x0  }
0x24: {  	s3 =	sadd.s32 $0x88, s3;
	s6 =	simm.s32 @!p1 $0x1082;
	[sflag:s4] =	ssyncset.s32 $0xFFFFF086  }
0x25: {  	[simem:s6], [sflag:s4] =	dma.local [hbm:s3], $0xF7A  }
0x26: {  	[smem:$0x3F95] =	sst s1;
	(tag) =	ssettag s2;
	_ =	strace s9  }
0x27: {  	s1 =	sld [smem:$0x3FA5]  }
0x28: {  	s2 =	sld [smem:$0x3FA6]  }
0x29: {  	s4 =	sld [smem:$0x3FA8]  }
0x2a: {  	p0 =	seq.s32 s5, $0x0;
	s5 =	sld [smem:$0x3FA9]  }
0x2b: {  	s6 =	sld [smem:$0x3FAA]  }
0x2c: {  	s7 =	sld [smem:$0x3FAB]  }
0x2d: {  	s3 =	simm.s32 $0x108;
	s8 =	sld [smem:$0x3FAC]  }
0x2e: {  	s3 =	simm.s32 @!p0 $0x1082;
	s9 =	sld [smem:$0x3FAD]  }
0x2f: {  	lr =	sadd.s32 s0, s3;
	s0 =	sld [smem:$0x3FA4]  }
0x30: {  	s3 =	sld [smem:$0x3FA7]  }
0x31: {  	[smem:$0x3FB0] =	sst s10  }
0x32: {  	s10 =	sld [smem:$0x3FAE];
	_ =	sdelay $0x3  }
0x33: {  	p0 =	seq.s32 s10, $0x1;
	s10 =	sld [smem:$0x3FB0];
	_ =	sdelay $0x3  }
0x34: {  	[smem:$0x3FB0] =	sst s10  }
0x35: {  	s10 =	sld [smem:$0x3FAF];
	_ =	sdelay $0x3  }
0x36: {  	p1 =	seq.s32 s10, $0x1;
	s10 =	sld [smem:$0x3FB0];
	_ =	sdelay $0x3  }
0x37: {  	[smem:$0x3FB0] =	sst s10  }
0x38: {  	s10 =	sld [smem:$0x3FB1]  }
0x39: {  	_ = 	snop;
	(pc) =	sbr.ind lr, $3  }
0x3a: {  	_ = 	snop  }
0x3b: {  	_ = 	snop  }
0x3c: {  	p2 =	seq.s32 s10, $0x1;
	s10 =	sld [smem:$0x3FB0]  }
0x3d: {  	_ =	shalt  }
0x3e: {  	_ =	shalt  }
0x3f: {  	_ =	shalt  }
0x40: {  	_ =	shalt  }
0x41: {  	_ =	shalt  }
0x42: {  	_ =	shalt  }
0x43: {  	_ =	shalt  }
0x44: {  	_ =	shalt  }
0x45: {  	_ =	shalt  }
0x46: {  	_ =	shalt  }
0x47: {  	_ =	shalt  }
0x48: {  	_ =	shalt  }
0x49: {  	_ =	shalt  }
0x4a: {  	_ =	shalt  }
0x4b: {  	_ =	shalt  }
0x4c: {  	_ =	shalt  }
0x4d: {  	_ =	shalt  }
0x4e: {  	_ =	shalt  }
0x4f: {  	_ =	shalt  }
0x50: {  	_ =	shalt  }
0x51: {  	_ =	shalt  }
0x52: {  	_ =	shalt  }
0x53: {  	_ =	shalt  }
0x54: {  	_ =	shalt  }
0x55: {  	_ =	shalt  }
0x56: {  	_ =	shalt  }
0x57: {  	_ =	shalt  }
0x58: {  	_ =	shalt  }
0x59: {  	_ =	shalt  }
0x5a: {  	_ =	shalt  }
0x5b: {  	_ =	shalt  }
0x5c: {  	_ =	shalt  }
0x5d: {  	_ =	shalt  }
0x5e: {  	_ =	shalt  }
0x5f: {  	_ =	shalt  }
0x60: {  	_ =	shalt  }
0x61: {  	_ =	shalt  }
0x62: {  	_ =	shalt  }
0x63: {  	_ =	shalt  }
0x64: {  	_ =	shalt  }
0x65: {  	_ =	shalt  }
0x66: {  	_ =	shalt  }
0x67: {  	_ =	shalt  }
0x68: {  	_ =	shalt  }
0x69: {  	_ =	shalt  }
0x6a: {  	_ =	shalt  }
0x6b: {  	_ =	shalt  }
0x6c: {  	_ =	shalt  }
0x6d: {  	_ =	shalt  }
0x6e: {  	_ =	shalt  }
0x6f: {  	_ =	shalt  }
0x70: {  	_ =	shalt  }
0x71: {  	_ =	shalt  }
0x72: {  	_ =	shalt  }
0x73: {  	_ =	shalt  }
0x74: {  	_ =	shalt  }
0x75: {  	_ =	shalt  }
0x76: {  	_ =	shalt  }
0x77: {  	_ =	shalt  }
0x78: {  	_ =	shalt  }
0x79: {  	_ =	shalt  }
0x7a: {  	_ =	shalt  }
0x7b: {  	_ =	shalt  }
0x7c: {  	_ =	shalt  }
0x7d: {  	_ =	shalt  }
0x7e: {  	_ =	shalt  }
0x7f: {  	_ =	shalt  }
0x80: {  	_ =	shalt  }
0x81: {  	_ =	shalt  }
0x82: {  	_ =	shalt  }
0x83: {  	_ =	shalt  }
0x84: {  	_ =	shalt  }
0x85: {  	_ =	shalt  }
0x86: {  	_ =	shalt  }
0x87: {  	_ =	shalt  }
.Lfunc_end0:
.L_simem_size_0:
called_computation.2_lowered:
.L_overlay_start_0:
0x88: {  	s0 =	sld [smem:$0x3FD9]  }
0x89: {  	s1 =	sld [smem:$0x3FFE];
	_ =	sdelay $0x3  }
0x8a: {  	s0 =	sadd.s32 s1, s0  }
0x8b: {  	[smem:$0x3FBC] =	sst s0  }
0x8c: {  	_ = 	snop  }
0x8d: {  	(tm) =	ssettm $0x1  }
0x8e: {  	s15 =	sld [smem:$0x3FFB];
	_ =	sdelay $0x3  }
0x8f: {  	_ =	strace s15  }
0x90: {  	s0 =	sld [smem:$0x3FFC];
	_ =	sdelay $0x3  }
0x91: {  	_ =	strace s0  }
0x92: {  	s0 =	sld [smem:$0x3FFD];
	_ =	sdelay $0x3  }
0x93: {  	_ =	strace s0  }
0x94: {  	_ =	strace $0x8FFFFFFF  }
0x95: {  	s16 =	sld [smem:$0x3FDB];
	_ =	sdelay $0x1  }
0x96: {  	s17 =	simm.s32 $_scs_section_size  }
0x97: {  	s2 =	simm.s32 $_size__tile_overlayer_lowered;
	s3 =	simm.s32 $_tile_overlayer_lowered  }
0x98: {  	s20 =	simm.s32 $0x1BFF;
	s19 =	sshll.u32 s3, $0x1;
	s0 =	sadd.s32 s17, s16  }
0x99: {  	s4 =	simm.s32 $0x0;
	s18 =	sshll.u32 s2, $0x1;
	s2 =	sadd.s32 s19, s0  }
0x9a: {  	[timem:s4], [sflag:s20] =	dma.local [hbm:s2], s18  }
0x9b: {  	_ =	swait.ge [sflag:s20], s18  }
0x9c: {  	s1 =	ssub.s32 $0x0, s18;
	[sflag:s20] =	ssyncset.done $0x0  }
0x9d: {  	[sflag:s20] =	ssyncadd.s32 s1;
	_ =	sdelay $0x1  }
0x9e: {  	s21 =	simm.s32 $0x1B8B  }
0x9f: {  	_ =	swait.ge [sflag:s21], $0x1  }
0xa0: {  	[sflag:s21] =	ssyncset.done $0x0  }
0xa1: {  	s23 =	simm.s32 $0x1B8E;
	s22 =	sld [smem:$0x3FFE];
	[sflag:s21] =	ssyncadd.s32 $0xFFFFFFFF  }
0xa2: {  	s24 =	simm.s32 $execute0_lowered;
	[smem:$0x3FD2] =	sst s23  }
0xa3: {  	s2 =	sshll.u32 s24, $0x1;
	_ =	strace $0x80000049;
	[dreg:$0x1] =	wrdreg $0xFFFFFFFF  }
0xa4: {  	s25 =	simm.s32 $_size_execute0_lowered;
	s0 =	sadd.s32 s0, s2;
	[dreg:$0x0] =	wrdreg $0x0  }
0xa5: {  	s2 =	sshll.u32 s25, $0x1;
	[dreg:$0x2] =	wrdreg s0  }
0xa6: {  	[dreg:$0x3] =	wrdreg s2  }
0xa7: {  	[dreg:$0x4] =	wrdreg $0xC0  }
0xa8: {  	_ =	task [dreg:s4], $0x5FFFF  }
0xa9: {  	[dreg:$0x1] =	wrdreg $0xFFFFFFFF  }
0xaa: {  	[dreg:$0x0] =	wrdreg $0x60  }
0xab: {  	[dreg:$0x2] =	wrdreg s22  }
0xac: {  	[dreg:$0x3] =	wrdreg $0xC8D00  }
0xad: {  	[dreg:$0x4] =	wrdreg $0xA  }
0xae: {  	_ =	task.clear_ibuf [dreg:s4], $0x5FFFF;
	_ =	strace $0x90000049  }
0xaf: {  	s26 =	simm.s32 $0xA;
	_ =	strace $0x8000004B  }
0xb0: {  	_ =	swait.ge [sflag:s26], $0x1  }
0xb1: {  	[sflag:s26] =	ssyncadd.s32 $0xFFFFFFFF  }
0xb2: {  	_ =	strace $0x9000004B  }
0xb3: {  	_ =	sfence  }
0xb4: {  	s28 =	sld [smem:$0x0];
	_ =	sdelay $0x1  }
0xb5: {  	s29 =	srdreg.scid  }
0xb6: {  	s30 =	sshll.u32 s29, $0xD;
	s31 =	sshrl.u32 s29, $0x2  }
0xb7: {  	s1 =	sand.u32 $0x1, s29;
	s2 =	sand.u32 $0x4000, s30;
	s0 =	sadd.s32 s31, s28  }
0xb8: {  	s1 =	sor.u32 s2, s1;
	s0 =	sshll.u32 s0, $0x11  }
0xb9: {  	s0 =	sor.u32 s0, s1  }
0xba: {  	s0 =	sadd.s32 $0x8F2B, s0  }
0xbb: {  	[sflag:s0] =	ssyncadd.remote.s32 $0x1  }
0xbc: {  	_ =	sfence.sel $0xFFFF  }
0xbd: {  	[dreg:$0x0] =	wrdreg $0xFFFFFFFF;
	(pc) =	sbr.abs _section_cstart, $3  }
0xbe: {  	[dreg:$0x1] =	wrdreg $0xFFFFFFFF  }
0xbf: {  	_ =	task.clear_ibuf [dreg:s4], $0x2FFFF;
	_ =	strace $0x9FFFFFFF  }
0xc0: {  	(tm) =	ssettm $0x7FFFFFFF  }
0xc1: {  	_ =	shalt  }
tec
execute0_lowered:
.L_overlay_start_1:
0x0: {  	(tag) =	ssettag $0x1  }
0x1: {  	s7 =	rddreg [dreg:$0x0]  }
0x2: {  	s2 =	rddreg [dreg:$0x1]  }
0x3: {  	s0 =	rddreg [dreg:$0x2];
	s9 =	simm.s32 $0x0  }
0x4: {  	[smem:$0x7FF] =	sst s9  }
0x5: {  	s6 =	simm.s32 $0x2AD0;
	s1 =	sadd.s32 $0x4200, s7;
	_ =	strace $0x8000004A  }
0x6: {  	[tilespmem:s6], [sflag:$0x5] =	stream.linear.gather [hbm4b:s1+s9], $0x9E00, $0x38;
	[tilespmem:$0x166D0] =	vst v63  }
0x7: {  	s5 =	simm.s32 $0x5;
	s1 =	stileid.u32  }
0x8: {  	s3 =	smul.u32 $0x9E00, s1;
	_ =	swait.ge [sflag:s5], $0x9E00  }
0x9: {  	[sflag:s5] =	ssyncset.done $0x0  }
0xa: {  	s4 =	sadd.s32 s3, s2;
	[sflag:s5] =	ssyncadd.s32 $0xFFFF6200  }
0xb: {  	[spmem:s4] =	stream.linear.scatter [tilespmem:s6], [sflag:$0x5], $0x9E00, $0x38;
	[tilespmem:$0x166D0] =	vst v63  }
0xc: {  	_ =	swait.ge [sflag:s5], $0x9E00  }
0xd: {  	s10 =	smul.u32 $0x2710, s1;
	[sflag:s5] =	ssyncset.done $0x0  }
0xe: {  	s8 =	sadd.s32 $0x4E6200, s7;
	s11 =	smul.u32 $0x27100, s1;
	[sflag:s5] =	ssyncadd.s32 $0xFFFF6200  }
0xf: {  	s10 =	sadd.s32 s8, s10;
	s6 =	sadd.s32 $0x79800, s7;
	[bflag:$0x0] =	sbarrier.arrive $0xFFFF  }
0x10: {  	[tilespmem:s9], [sflag:$0x1] =	stream.linear.gather [hbm4b:s10+s9], $0x140, $0x38;
	[tilespmem:$0x166D0] =	vst v63  }
0x11: {  	s12 =	simm.s32 $0x2D0;
	s21 =	sadd.s32 $0x50, s10;
	s15 =	sadd.s32 s6, s11  }
0x12: {  	[tilespmem:s12], [sflag:$0x3] =	stream.linear.gather [hbm4b:s15+s9], $0x1400, $0x38;
	[tilespmem:$0x166D0] =	vst v63  }
0x13: {  	s31 =	sadd.s32 $0xFFFFFFD8, s21;
	s19 =	sadd.s32 $0x0, s15;
	s10 =	simm.s32 $0x140  }
0x14: {  	[tilespmem:s10], [sflag:$0x2] =	stream.linear.gather [hbm4b:s31+s9], $0x140, $0x38;
	[tilespmem:$0x166D0] =	vst v63  }
0x15: {  	s16 =	simm.s32 $0x1;
	v0 =	vlaneseq.u32;
	s11 =	simm.s32 $0x16D0;
	s13 =	sadd.s32 $0x280, s19  }
0x16: {  	v4 =	vmul.u32 $0x4, v0;
	[tilespmem:s11], [sflag:$0x4] =	stream.linear.gather [hbm4b:s13+s9], $0x1400, $0x38;
	[tilespmem:$0x166D0] =	vst v63  }
0x17: {  	_ =	swait.ge [sflag:s16], $0x140  }
0x18: {  	v0 =	vor.u32 $0x3, v4;
	[sflag:s16] =	ssyncset.done $0x0  }
0x19: {  	s17 =	simm.s32 $0x3;
	[sflag:s16] =	ssyncadd.s32 $0xFFFFFEC0  }
0x1a: {  	_ =	swait.ge [sflag:s17], $0x1400  }
0x1b: {  	[sflag:s17] =	ssyncset.done $0x0  }
0x1c: {  	[sflag:s17] =	ssyncadd.s32 $0xFFFFEC00  }
0x1d: {  	v2 =	vld.idx.msk [tilespmem:v0+s9+$0x0], $0xffff  }
0x1e: {  	v1 =	vor.u32 $0x43, v4;
	_ =	sdelay $0x3  }
0x1f: {  	[tilespmem:$0x280] =	vst v2  }
0x20: {  	v3 =	vld.idx.msk [tilespmem:v1+s9+$0x0], $0xffff  }
0x21: {  	v2 =	vor.u32 $0x83, v4;
	_ =	sdelay $0x3  }
0x22: {  	[tilespmem:$0x290] =	vst v3  }
0x23: {  	v5 =	vld.idx.msk [tilespmem:v2+s9+$0x0], $0xffff  }
0x24: {  	v3 =	vor.u32 $0xC3, v4;
	_ =	sdelay $0x3  }
0x25: {  	[tilespmem:$0x2A0] =	vst v5  }
0x26: {  	v5 =	vld.idx.msk [tilespmem:v3+s9+$0x0], $0xffff  }
0x27: {  	v4 =	vor.u32 $0x103, v4;
	_ =	sdelay $0x3  }
0x28: {  	[tilespmem:$0x2B0] =	vst v5  }
0x29: {  	v5 =	vld.idx.msk [tilespmem:v4+s9+$0x0], $0xffff;
	_ =	sdelay $0x4  }
0x2a: {  	s14 =	simm.s32 $0x280;
	s13 =	simm.s32 $0x50;
	[tilespmem:$0x2C0] =	vst v5  }
0x2b: {  	[spmem:s2] =	stream.indirect.scatter.add.f32 [tilespmem:s12], [sflag:$0x5], $0x40, s14, s13, $0xb8;
	[tilespmem:$0x166D0] =	vst v63  }
0x2c: {  	_ =	swait.ge [sflag:s5], $0x1400  }
0x2d: {  	[sflag:s5] =	ssyncset.done $0x0  }
0x2e: {  	[sflag:s5] =	ssyncadd.s32 $0xFFFFEC00  }
0x2f: {  	[tilespmem:s9], [sflag:$0x1] =	stream.linear.gather [hbm4b:s21+s9], $0x140, $0x38;
	[tilespmem:$0x166D0] =	vst v63  }
0x30: {  	s18 =	simm.s32 $0x2;
	s19 =	sadd.s32 $0x500, s19  }
0x31: {  	[tilespmem:s12], [sflag:$0x3] =	stream.linear.gather [hbm4b:s19+s9], $0x1400, $0x38;
	[tilespmem:$0x166D0] =	vst v63  }
0x32: {  	_ =	swait.ge [sflag:s18], $0x140  }
0x33: {  	[sflag:s18] =	ssyncset.done $0x0  }
0x34: {  	s19 =	simm.s32 $0x4;
	[sflag:s18] =	ssyncadd.s32 $0xFFFFFEC0  }
0x35: {  	_ =	swait.ge [sflag:s19], $0x1400  }
0x36: {  	[sflag:s19] =	ssyncset.done $0x0  }
0x37: {  	[sflag:s19] =	ssyncadd.s32 $0xFFFFEC00  }
0x38: {  	v5 =	vld.idx.msk [tilespmem:v0+s10+$0x0], $0xffff;
	_ =	sdelay $0x4  }
0x39: {  	[tilespmem:$0x280] =	vst v5  }
0x3a: {  	v5 =	vld.idx.msk [tilespmem:v1+s10+$0x0], $0xffff;
	_ =	sdelay $0x4  }
0x3b: {  	[tilespmem:$0x290] =	vst v5  }
0x3c: {  	v5 =	vld.idx.msk [tilespmem:v2+s10+$0x0], $0xffff;
	_ =	sdelay $0x4  }
0x3d: {  	[tilespmem:$0x2A0] =	vst v5  }
0x3e: {  	v5 =	vld.idx.msk [tilespmem:v3+s10+$0x0], $0xffff;
	_ =	sdelay $0x4  }
0x3f: {  	[tilespmem:$0x2B0] =	vst v5  }
0x40: {  	v5 =	vld.idx.msk [tilespmem:v4+s10+$0x0], $0xffff;
	_ =	sdelay $0x4  }
0x41: {  	s22 =	simm.s32 $0x500;
	[tilespmem:$0x2C0] =	vst v5  }
0x42: {  	[spmem:s2] =	stream.indirect.scatter.add.f32 [tilespmem:s11], [sflag:$0x5], $0x40, s14, s13, $0xb8;
	[tilespmem:$0x166D0] =	vst v63  }
0x43: {  	s23 =	simm.s32 $0xA00;
	s20 =	smul.u32 $0x4E20, s1;
	_ =	swait.ge [sflag:s5], $0x1400  }
0x44: {  	s7 =	sadd.s32 $0x5600, s7;
	s21 =	sadd.s32 $0x50, s21;
	[sflag:s5] =	ssyncset.done $0x0  }
.LBB2_1:
0x45: {  	s25 =	sadd.s32 $0xFFFFFFD8, s21  }
0x46: {  	s24 =	sadd.s32 s22, s15;
	[sflag:s5] =	ssyncadd.s32 $0xFFFFEC00;
	s22 =	smov.u32 s23  }
0x47: {  	[tilespmem:s10], [sflag:$0x2] =	stream.linear.gather [hbm4b:s25+s9], $0x140, $0x38;
	[tilespmem:$0x166D0] =	vst v63  }
0x48: {  	p0 =	sne.s32 s23, $0x26700;
	s23 =	sadd.s32 $0x500, s23;
	s25 =	sadd.s32 $0x280, s24  }
0x49: {  	[tilespmem:s11], [sflag:$0x4] =	stream.linear.gather [hbm4b:s25+s9], $0x1400, $0x38;
	[tilespmem:$0x166D0] =	vst v63  }
0x4a: {  	_ =	swait.ge [sflag:s16], $0x140  }
0x4b: {  	[sflag:s16] =	ssyncset.done $0x0  }
0x4c: {  	[sflag:s16] =	ssyncadd.s32 $0xFFFFFEC0  }
0x4d: {  	_ =	swait.ge [sflag:s17], $0x1400  }
0x4e: {  	[sflag:s17] =	ssyncset.done $0x0  }
0x4f: {  	[sflag:s17] =	ssyncadd.s32 $0xFFFFEC00  }
0x50: {  	v5 =	vld.idx.msk [tilespmem:v0+s9+$0x0], $0xffff;
	_ =	sdelay $0x5  }
0x51: {  	[tilespmem:$0x280] =	vst v5  }
0x52: {  	v5 =	vld.idx.msk [tilespmem:v1+s9+$0x0], $0xffff;
	_ =	sdelay $0x5  }
0x53: {  	[tilespmem:$0x290] =	vst v5  }
0x54: {  	v5 =	vld.idx.msk [tilespmem:v2+s9+$0x0], $0xffff;
	_ =	sdelay $0x5  }
0x55: {  	[tilespmem:$0x2A0] =	vst v5  }
0x56: {  	v5 =	vld.idx.msk [tilespmem:v3+s9+$0x0], $0xffff;
	_ =	sdelay $0x5  }
0x57: {  	[tilespmem:$0x2B0] =	vst v5  }
0x58: {  	v5 =	vld.idx.msk [tilespmem:v4+s9+$0x0], $0xffff;
	_ =	sdelay $0x5  }
0x59: {  	[tilespmem:$0x2C0] =	vst v5  }
0x5a: {  	[spmem:s2] =	stream.indirect.scatter.add.f32 [tilespmem:s12], [sflag:$0x5], $0x40, s14, s13, $0xb8;
	[tilespmem:$0x166D0] =	vst v63  }
0x5b: {  	_ =	swait.ge [sflag:s5], $0x1400  }
0x5c: {  	[sflag:s5] =	ssyncset.done $0x0  }
0x5d: {  	[sflag:s5] =	ssyncadd.s32 $0xFFFFEC00  }
0x5e: {  	[tilespmem:s9], [sflag:$0x1] =	stream.linear.gather [hbm4b:s21+s9], $0x140, $0x38;
	[tilespmem:$0x166D0] =	vst v63  }
0x5f: {  	s24 =	sadd.s32 $0x500, s24  }
0x60: {  	[tilespmem:s12], [sflag:$0x3] =	stream.linear.gather [hbm4b:s24+s9], $0x1400, $0x38;
	[tilespmem:$0x166D0] =	vst v63  }
0x61: {  	_ =	swait.ge [sflag:s18], $0x140  }
0x62: {  	[sflag:s18] =	ssyncset.done $0x0  }
0x63: {  	[sflag:s18] =	ssyncadd.s32 $0xFFFFFEC0  }
0x64: {  	_ =	swait.ge [sflag:s19], $0x1400  }
0x65: {  	[sflag:s19] =	ssyncset.done $0x0  }
0x66: {  	[sflag:s19] =	ssyncadd.s32 $0xFFFFEC00  }
0x67: {  	v5 =	vld.idx.msk [tilespmem:v0+s10+$0x0], $0xffff;
	_ =	sdelay $0x5  }
0x68: {  	[tilespmem:$0x280] =	vst v5  }
0x69: {  	v5 =	vld.idx.msk [tilespmem:v1+s10+$0x0], $0xffff;
	_ =	sdelay $0x5  }
0x6a: {  	[tilespmem:$0x290] =	vst v5  }
0x6b: {  	v5 =	vld.idx.msk [tilespmem:v2+s10+$0x0], $0xffff;
	_ =	sdelay $0x5  }
0x6c: {  	[tilespmem:$0x2A0] =	vst v5  }
0x6d: {  	v5 =	vld.idx.msk [tilespmem:v3+s10+$0x0], $0xffff;
	_ =	sdelay $0x5  }
0x6e: {  	[tilespmem:$0x2B0] =	vst v5  }
0x6f: {  	v5 =	vld.idx.msk [tilespmem:v4+s10+$0x0], $0xffff;
	_ =	sdelay $0x4  }
.Ltmp0:
0x70: {  	(pc) =	sbr.rel @p0 .LBB2_1-.Ltmp0, $4  }
0x71: {  	[tilespmem:$0x2C0] =	vst v5  }
0x72: {  	[spmem:s2] =	stream.indirect.scatter.add.f32 [tilespmem:s11], [sflag:$0x5], $0x40, s14, s13, $0xb8;
	[tilespmem:$0x166D0] =	vst v63  }
0x73: {  	_ =	swait.ge [sflag:s5], $0x1400  }
0x74: {  	s21 =	sadd.s32 $0x50, s21;
	[sflag:s5] =	ssyncset.done $0x0  }
0x75: {  	s23 =	sadd.s32 $0xFFFFFFD8, s21;
	s15 =	sadd.s32 s22, s15;
	[sflag:s5] =	ssyncadd.s32 $0xFFFFEC00  }
0x76: {  	[tilespmem:s10], [sflag:$0x2] =	stream.linear.gather [hbm4b:s23+s9], $0x140, $0x38;
	[tilespmem:$0x166D0] =	vst v63  }
0x77: {  	s22 =	sadd.s32 $0x280, s15  }
0x78: {  	[tilespmem:s11], [sflag:$0x4] =	stream.linear.gather [hbm4b:s22+s9], $0x1400, $0x38;
	[tilespmem:$0x166D0] =	vst v63  }
0x79: {  	_ =	swait.ge [sflag:s16], $0x140  }
0x7a: {  	[sflag:s16] =	ssyncset.done $0x0  }
0x7b: {  	[sflag:s16] =	ssyncadd.s32 $0xFFFFFEC0  }
0x7c: {  	_ =	swait.ge [sflag:s17], $0x1400  }
0x7d: {  	[sflag:s17] =	ssyncset.done $0x0  }
0x7e: {  	[sflag:s17] =	ssyncadd.s32 $0xFFFFEC00  }
0x7f: {  	v5 =	vld.idx.msk [tilespmem:v0+s9+$0x0], $0xffff;
	_ =	sdelay $0x4  }
0x80: {  	[tilespmem:$0x280] =	vst v5  }
0x81: {  	v5 =	vld.idx.msk [tilespmem:v1+s9+$0x0], $0xffff;
	_ =	sdelay $0x4  }
0x82: {  	[tilespmem:$0x290] =	vst v5  }
0x83: {  	v5 =	vld.idx.msk [tilespmem:v2+s9+$0x0], $0xffff;
	_ =	sdelay $0x4  }
0x84: {  	[tilespmem:$0x2A0] =	vst v5  }
0x85: {  	v5 =	vld.idx.msk [tilespmem:v3+s9+$0x0], $0xffff;
	_ =	sdelay $0x4  }
0x86: {  	[tilespmem:$0x2B0] =	vst v5  }
0x87: {  	v5 =	vld.idx.msk [tilespmem:v4+s9+$0x0], $0xffff;
	_ =	sdelay $0x4  }
0x88: {  	[tilespmem:$0x2C0] =	vst v5  }
0x89: {  	[spmem:s2] =	stream.indirect.scatter.add.f32 [tilespmem:s12], [sflag:$0x5], $0x40, s14, s13, $0xb8;
	[tilespmem:$0x166D0] =	vst v63  }
0x8a: {  	_ =	swait.ge [sflag:s5], $0x1400  }
0x8b: {  	[sflag:s5] =	ssyncset.done $0x0  }
0x8c: {  	[sflag:s5] =	ssyncadd.s32 $0xFFFFEC00  }
0x8d: {  	[tilespmem:s9], [sflag:$0x1] =	stream.linear.gather [hbm4b:s21+s9], $0x140, $0x38;
	[tilespmem:$0x166D0] =	vst v63  }
0x8e: {  	s15 =	sadd.s32 $0x500, s15  }
0x8f: {  	[tilespmem:s12], [sflag:$0x3] =	stream.linear.gather [hbm4b:s15+s9], $0x1400, $0x38;
	[tilespmem:$0x166D0] =	vst v63  }
0x90: {  	_ =	swait.ge [sflag:s18], $0x140  }
0x91: {  	[sflag:s18] =	ssyncset.done $0x0  }
0x92: {  	[sflag:s18] =	ssyncadd.s32 $0xFFFFFEC0  }
0x93: {  	_ =	swait.ge [sflag:s19], $0x1400  }
0x94: {  	[sflag:s19] =	ssyncset.done $0x0  }
0x95: {  	[sflag:s19] =	ssyncadd.s32 $0xFFFFEC00  }
0x96: {  	v57 =	vld.idx.msk [tilespmem:v0+s10+$0x0], $0xffff;
	_ =	sdelay $0x4  }
0x97: {  	[tilespmem:$0x280] =	vst v57  }
0x98: {  	v0 =	vld.idx.msk [tilespmem:v1+s10+$0x0], $0xffff;
	_ =	sdelay $0x4  }
0x99: {  	[tilespmem:$0x290] =	vst v0  }
0x9a: {  	v0 =	vld.idx.msk [tilespmem:v2+s10+$0x0], $0xffff;
	_ =	sdelay $0x4  }
0x9b: {  	[tilespmem:$0x2A0] =	vst v0  }
0x9c: {  	v0 =	vld.idx.msk [tilespmem:v3+s10+$0x0], $0xffff;
	_ =	sdelay $0x4  }
0x9d: {  	[tilespmem:$0x2B0] =	vst v0  }
0x9e: {  	v0 =	vld.idx.msk [tilespmem:v4+s10+$0x0], $0xffff;
	_ =	sdelay $0x4  }
0x9f: {  	s16 =	sadd.s32 $0x4DD0, s20;
	[tilespmem:$0x2C0] =	vst v0  }
0xa0: {  	[spmem:s2] =	stream.indirect.scatter.add.f32 [tilespmem:s11], [sflag:$0x5], $0x40, s14, s13, $0xb8;
	[tilespmem:$0x166D0] =	vst v63  }
0xa1: {  	s17 =	sshrl.u32 s16, $0x1;
	_ =	swait.ge [sflag:s5], $0x1400  }
0xa2: {  	s20 =	sshll.u32 s16, $0x3;
	s8 =	sadd.s32 s8, s17;
	[sflag:s5] =	ssyncset.done $0x0  }
0xa3: {  	s18 =	simm.s32 $0x0;
	s19 =	simm.s32 $0x140;
	[sflag:s5] =	ssyncadd.s32 $0xFFFFEC00  }
0xa4: {  	[tilespmem:s19], [sflag:$0x2] =	stream.linear.gather [hbm4b:s8+s18], $0x140, $0x38;
	[tilespmem:$0x166D0] =	vst v63  }
0xa5: {  	v58 =	vlaneseq.u32;
	s22 =	simm.s32 $0x1;
	s6 =	sadd.s32 s6, s20;
	s21 =	simm.s32 $0x16D0  }
0xa6: {  	v0 =	vmul.u32 $0x4, v58;
	[tilespmem:s21], [sflag:$0x4] =	stream.linear.gather [hbm4b:s6+s18], $0x1400, $0x38;
	[tilespmem:$0x166D0] =	vst v63  }
0xa7: {  	_ =	swait.ge [sflag:s22], $0x140  }
0xa8: {  	v59 =	vor.u32 $0x3, v0;
	[sflag:s22] =	ssyncset.done $0x0  }
0xa9: {  	s23 =	simm.s32 $0x3;
	[sflag:s22] =	ssyncadd.s32 $0xFFFFFEC0  }
0xaa: {  	_ =	swait.ge [sflag:s23], $0x1400  }
0xab: {  	[sflag:s23] =	ssyncset.done $0x0  }
0xac: {  	[sflag:s23] =	ssyncadd.s32 $0xFFFFEC00  }
0xad: {  	v60 =	vld.idx.msk [tilespmem:v59+s18+$0x0], $0xffff  }
0xae: {  	v61 =	vor.u32 $0x43, v0;
	_ =	sdelay $0x3  }
0xaf: {  	[tilespmem:$0x280] =	vst v60  }
0xb0: {  	v2 =	vld.idx.msk [tilespmem:v61+s18+$0x0], $0xffff  }
0xb1: {  	v62 =	vor.u32 $0x83, v0;
	_ =	sdelay $0x3  }
0xb2: {  	[tilespmem:$0x290] =	vst v2  }
0xb3: {  	v2 =	vld.idx.msk [tilespmem:v62+s18+$0x0], $0xffff  }
0xb4: {  	v63 =	vor.u32 $0xC3, v0;
	_ =	sdelay $0x3  }
0xb5: {  	[tilespmem:$0x2A0] =	vst v2  }
0xb6: {  	v2 =	vld.idx.msk [tilespmem:v63+s18+$0x0], $0xffff  }
0xb7: {  	v0 =	vor.u32 $0x103, v0;
	_ =	sdelay $0x3  }
0xb8: {  	[tilespmem:$0x2B0] =	vst v2  }
0xb9: {  	v2 =	vld.idx.msk [tilespmem:v0+s18+$0x0], $0xffff;
	_ =	sdelay $0x3  }
0xba: {  	s24 =	simm.s32 $0x50  }
0xbb: {  	s25 =	simm.s32 $0x280;
	s26 =	simm.s32 $0x2D0;
	s28 =	simm.s32 $0x5;
	[tilespmem:$0x2C0] =	vst v2  }
0xbc: {  	[spmem:s2] =	stream.indirect.scatter.add.f32 [tilespmem:s26], [sflag:$0x5], $0x40, s25, s24, $0xb8;
	[tilespmem:$0x166D0] =	vst v63  }
0xbd: {  	_ =	swait.ge [sflag:s28], $0x1400  }
0xbe: {  	[sflag:s28] =	ssyncset.done $0x0  }
0xbf: {  	s29 =	simm.s32 $0x2;
	[sflag:s28] =	ssyncadd.s32 $0xFFFFEC00  }
0xc0: {  	_ =	swait.ge [sflag:s29], $0x140  }
0xc1: {  	[sflag:s29] =	ssyncset.done $0x0  }
0xc2: {  	s30 =	simm.s32 $0x4;
	[sflag:s29] =	ssyncadd.s32 $0xFFFFFEC0  }
0xc3: {  	_ =	swait.ge [sflag:s30], $0x1400  }
0xc4: {  	[sflag:s30] =	ssyncset.done $0x0  }
0xc5: {  	[sflag:s30] =	ssyncadd.s32 $0xFFFFEC00  }
0xc6: {  	v1 =	vld.idx.msk [tilespmem:v59+s19+$0x0], $0xffff;
	_ =	sdelay $0x4  }
0xc7: {  	[tilespmem:$0x280] =	vst v1  }
0xc8: {  	v1 =	vld.idx.msk [tilespmem:v61+s19+$0x0], $0xffff;
	_ =	sdelay $0x4  }
0xc9: {  	[tilespmem:$0x290] =	vst v1  }
0xca: {  	v1 =	vld.idx.msk [tilespmem:v62+s19+$0x0], $0xffff;
	_ =	sdelay $0x4  }
0xcb: {  	[tilespmem:$0x2A0] =	vst v1  }
0xcc: {  	v1 =	vld.idx.msk [tilespmem:v63+s19+$0x0], $0xffff;
	_ =	sdelay $0x4  }
0xcd: {  	[tilespmem:$0x2B0] =	vst v1  }
0xce: {  	v0 =	vld.idx.msk [tilespmem:v0+s19+$0x0], $0xffff;
	_ =	sdelay $0x4  }
0xcf: {  	[tilespmem:$0x2C0] =	vst v0  }
0xd0: {  	[spmem:s2] =	stream.indirect.scatter.add.f32 [tilespmem:s21], [sflag:$0x5], $0x40, s25, s24, $0xb8;
	[tilespmem:$0x166D0] =	vst v63  }
0xd1: {  	_ =	swait.ge [sflag:s28], $0x1400  }
0xd2: {  	[sflag:s28] =	ssyncset.done $0x0  }
0xd3: {  	[sflag:s28] =	ssyncadd.s32 $0xFFFFEC00  }
0xd4: {  	s31 =	simm.s32 $0x2AD0;
	[bflag:$0x0] =	sbarrier.arrive $0xFFFF  }
0xd5: {  	[tilespmem:s31], [sflag:$0x5] =	stream.linear.gather [spmem:s4], $0x9E00, $0x38;
	[tilespmem:$0x166D0] =	vst v63  }
0xd6: {  	_ =	swait.ge [sflag:s28], $0x9E00  }
0xd7: {  	s3 =	sshrl.u32 s3, $0x3;
	[sflag:s28] =	ssyncset.done $0x0  }
0xd8: {  	s3 =	sadd.s32 s7, s3;
	[sflag:s28] =	ssyncadd.s32 $0xFFFF6200  }
0xd9: {  	[hbm4b:s3+s18] =	stream.linear.scatter [tilespmem:s31], [sflag:$0x5], $0x9E00, $0x38;
	[tilespmem:$0x166D0] =	vst v63  }
0xda: {  	_ =	swait.ge [sflag:s28], $0x9E00  }
0xdb: {  	[sflag:s28] =	ssyncset.done $0x0  }
0xdc: {  	[sflag:s28] =	ssyncadd.s32 $0xFFFF6200  }
0xdd: {  	_ =	sfence.sel $0x180000  }
0xde: {  	[bflag:$0x0] =	sbarrier.arrive $0xFFFF  }
0xdf: {  	p0 =	sne.s32 s1, $0x0;
	_ =	strace $0x9000004A  }
0xe0: {  	s0 =	sadd.s32 @!p0 $0x100000, s0;
	[bflag:$0x2] =	sbarrier.arrive $0xFFFF  }
0xe1: {  	[sflag:s0] =	ssyncadd.tile.s32 @!p0 $0x1;
	_ =	shalt  }
.Lfunc_end2:
_tile_overlayer_lowered:
.L_overlay_start_2:
0xe2: {  	(tag) =	ssettag $0x2  }
0xe3: {  	s0 =	rddreg [dreg:$0x0];
	s2 =	stileid.u32  }
0xe4: {  	s1 =	rddreg [dreg:$0x1];
	p0 =	sne.s32 s2, $0x0  }
0xe5: {  	s3 =	rddreg [dreg:$0x2];
	[bflag:$0x3] =	sbarrier.arrive $0xFFFF;
	s2 =	simm.s32 @!p0 $0x1C05  }
0xe6: {  	[timem:s3], [sflag:s2] =	dma.local @!p0 [hbm:s0], s1  }
0xe7: {  	s0 =	simm.s32 @!p0 $0x5  }
0xe8: {  	_ =	swait.ge @!p0 [sflag:s0], s1  }
0xe9: {  	s1 =	ssub.s32 @!p0 $0x0, s1;
	[sflag:s0] =	ssyncset.done @!p0 $0x0  }
0xea: {  	[sflag:s0] =	ssyncadd.s32 @!p0 s1  }
0xeb: {  	[bflag:$0x3] =	sbarrier.arrive $0xFFFF  }
0xec: {  	_ =	shalt  }

// kernel: kernel.8.cloned.1.call-start
scs
__scs_entry_jumppad:
0x0: {  	(pc) =	sbr.rel $0x88, $3  }
0x1: {  	(tag) =	ssettag $0x0;
	lr =	simm.s32 $0x1  }
0x2: {  	[smem:$0x3F95] =	sst lr;
	_ =	strace $0xD0000000  }
0x3: {  	_ = 	snop  }
0x4: {  	_ = 	snop  }
0x5: {  	_ = 	snop  }
0x6: {  	_ = 	snop  }
0x7: {  	_ = 	snop  }
__scs_overlays_trampoline_lowered:
0x8: {  	[smem:$0x3FA4] =	sst s0  }
0x9: {  	[smem:$0x3FA5] =	sst s1  }
0xa: {  	[smem:$0x3FA6] =	sst s2  }
0xb: {  	[smem:$0x3FA7] =	sst s3  }
0xc: {  	[smem:$0x3FA8] =	sst s4  }
0xd: {  	[smem:$0x3FA9] =	sst s5  }
0xe: {  	[smem:$0x3FAA] =	sst s6  }
0xf: {  	[smem:$0x3FAB] =	sst s7  }
0x10: {  	[smem:$0x3FAC] =	sst s8  }
0x11: {  	[smem:$0x3FAD] =	sst s9;
	s0 =	simm.s32 @!p0 $0x0  }
0x12: {  	s1 =	sld [smem:$0x3F93];
	s0 =	simm.s32 @p0 $0x1  }
0x13: {  	[smem:$0x3FAE] =	sst s0;
	s0 =	simm.s32 @!p1 $0x0  }
0x14: {  	s2 =	sld [smem:$0x3F92];
	s0 =	simm.s32 @p1 $0x1  }
0x15: {  	[smem:$0x3FAF] =	sst s0;
	s0 =	simm.s32 @!p2 $0x0  }
0x16: {  	s3 =	sld [smem:$0x3FDB];
	s0 =	simm.s32 @p2 $0x1  }
0x17: {  	s4 =	simm.s32 $0x1BF5;
	[smem:$0x3FB1] =	sst s0  }
0x18: {  	s0 =	sld [smem:$0x3F94];
	_ =	swait.ge [sflag:s4], $0x0  }
0x19: {  	s7 =	sld [smem:$0x3F95]  }
0x1a: {  	s8 =	sadd.s32 $0xFFFFE003, lr  }
0x1b: {  	s9 =	sadd.s32 $0xFFFFFEF7, lr;
	s5 =	simm.s32 $0xFFFFFFFF;
	p2 =	slt.u32 s8, $0xFFFFF086  }
0x1c: {  	p1 =	slt.u32 s9, $0xF7A;
	s5 =	simm.s32 @!p2 $0x0  }
0x1d: {  	s5 =	simm.s32 @p1 $0x1;
	p0 =	seq.s32 s7, s2  }
0x1e: {  	s7 =	smul.u32 @!p0 $0xF7A, s2;
	p2 =	seq.s32 @!p0 s5, $0x0  }
0x1f: {  	s9 =	smul.u32 $0xF7A, s1;
	s8 =	simm.s32 @!p0 $0x1BF5;
	p2 =	por !p2, p0  }
0x20: {  	[sflag:s8] =	ssyncset.s32 @!p0 $0xFFFFF086;
	s6 =	sadd.s32 @!p0 s3, s7;
	s7 =	simm.s32 @!p0 $0x108  }
0x21: {  	s3 =	sadd.s32 s3, s9;
	s6 =	sadd.s32 @!p0 $0x88, s6;
	s7 =	simm.s32 @p2 $0x1082  }
0x22: {  	[simem:s7], [sflag:s8] =	dma.local @!p0 [hbm:s6], $0xF7A  }
0x23: {  	s9 =	sor.u32 $0xD0000000, s2;
	s6 =	simm.s32 $0x108;
	_ =	swait.ge @!p0 [sflag:s8], $0x0  }
0x24: {  	s3 =	sadd.s32 $0x88, s3;
	s6 =	simm.s32 @!p1 $0x1082;
	[sflag:s4] =	ssyncset.s32 $0xFFFFF086  }
0x25: {  	[simem:s6], [sflag:s4] =	dma.local [hbm:s3], $0xF7A  }
0x26: {  	[smem:$0x3F95] =	sst s1;
	(tag) =	ssettag s2;
	_ =	strace s9  }
0x27: {  	s1 =	sld [smem:$0x3FA5]  }
0x28: {  	s2 =	sld [smem:$0x3FA6]  }
0x29: {  	s4 =	sld [smem:$0x3FA8]  }
0x2a: {  	p0 =	seq.s32 s5, $0x0;
	s5 =	sld [smem:$0x3FA9]  }
0x2b: {  	s6 =	sld [smem:$0x3FAA]  }
0x2c: {  	s7 =	sld [smem:$0x3FAB]  }
0x2d: {  	s3 =	simm.s32 $0x108;
	s8 =	sld [smem:$0x3FAC]  }
0x2e: {  	s3 =	simm.s32 @!p0 $0x1082;
	s9 =	sld [smem:$0x3FAD]  }
0x2f: {  	lr =	sadd.s32 s0, s3;
	s0 =	sld [smem:$0x3FA4]  }
0x30: {  	s3 =	sld [smem:$0x3FA7]  }
0x31: {  	[smem:$0x3FB0] =	sst s10  }
0x32: {  	s10 =	sld [smem:$0x3FAE];
	_ =	sdelay $0x3  }
0x33: {  	p0 =	seq.s32 s10, $0x1;
	s10 =	sld [smem:$0x3FB0];
	_ =	sdelay $0x3  }
0x34: {  	[smem:$0x3FB0] =	sst s10  }
0x35: {  	s10 =	sld [smem:$0x3FAF];
	_ =	sdelay $0x3  }
0x36: {  	p1 =	seq.s32 s10, $0x1;
	s10 =	sld [smem:$0x3FB0];
	_ =	sdelay $0x3  }
0x37: {  	[smem:$0x3FB0] =	sst s10  }
0x38: {  	s10 =	sld [smem:$0x3FB1]  }
0x39: {  	_ = 	snop;
	(pc) =	sbr.ind lr, $3  }
0x3a: {  	_ = 	snop  }
0x3b: {  	_ = 	snop  }
0x3c: {  	p2 =	seq.s32 s10, $0x1;
	s10 =	sld [smem:$0x3FB0]  }
0x3d: {  	_ =	shalt  }
0x3e: {  	_ =	shalt  }
0x3f: {  	_ =	shalt  }
0x40: {  	_ =	shalt  }
0x41: {  	_ =	shalt  }
0x42: {  	_ =	shalt  }
0x43: {  	_ =	shalt  }
0x44: {  	_ =	shalt  }
0x45: {  	_ =	shalt  }
0x46: {  	_ =	shalt  }
0x47: {  	_ =	shalt  }
0x48: {  	_ =	shalt  }
0x49: {  	_ =	shalt  }
0x4a: {  	_ =	shalt  }
0x4b: {  	_ =	shalt  }
0x4c: {  	_ =	shalt  }
0x4d: {  	_ =	shalt  }
0x4e: {  	_ =	shalt  }
0x4f: {  	_ =	shalt  }
0x50: {  	_ =	shalt  }
0x51: {  	_ =	shalt  }
0x52: {  	_ =	shalt  }
0x53: {  	_ =	shalt  }
0x54: {  	_ =	shalt  }
0x55: {  	_ =	shalt  }
0x56: {  	_ =	shalt  }
0x57: {  	_ =	shalt  }
0x58: {  	_ =	shalt  }
0x59: {  	_ =	shalt  }
0x5a: {  	_ =	shalt  }
0x5b: {  	_ =	shalt  }
0x5c: {  	_ =	shalt  }
0x5d: {  	_ =	shalt  }
0x5e: {  	_ =	shalt  }
0x5f: {  	_ =	shalt  }
0x60: {  	_ =	shalt  }
0x61: {  	_ =	shalt  }
0x62: {  	_ =	shalt  }
0x63: {  	_ =	shalt  }
0x64: {  	_ =	shalt  }
0x65: {  	_ =	shalt  }
0x66: {  	_ =	shalt  }
0x67: {  	_ =	shalt  }
0x68: {  	_ =	shalt  }
0x69: {  	_ =	shalt  }
0x6a: {  	_ =	shalt  }
0x6b: {  	_ =	shalt  }
0x6c: {  	_ =	shalt  }
0x6d: {  	_ =	shalt  }
0x6e: {  	_ =	shalt  }
0x6f: {  	_ =	shalt  }
0x70: {  	_ =	shalt  }
0x71: {  	_ =	shalt  }
0x72: {  	_ =	shalt  }
0x73: {  	_ =	shalt  }
0x74: {  	_ =	shalt  }
0x75: {  	_ =	shalt  }
0x76: {  	_ =	shalt  }
0x77: {  	_ =	shalt  }
0x78: {  	_ =	shalt  }
0x79: {  	_ =	shalt  }
0x7a: {  	_ =	shalt  }
0x7b: {  	_ =	shalt  }
0x7c: {  	_ =	shalt  }
0x7d: {  	_ =	shalt  }
0x7e: {  	_ =	shalt  }
0x7f: {  	_ =	shalt  }
0x80: {  	_ =	shalt  }
0x81: {  	_ =	shalt  }
0x82: {  	_ =	shalt  }
0x83: {  	_ =	shalt  }
0x84: {  	_ =	shalt  }
0x85: {  	_ =	shalt  }
0x86: {  	_ =	shalt  }
0x87: {  	_ =	shalt  }
.Lfunc_end0:
.L_simem_size_0:
called_computation_lowered:
.L_overlay_start_0:
0x88: {  	s2 =	sld [smem:$0x3FD9]  }
0x89: {  	s3 =	sld [smem:$0x3FFE];
	_ =	sdelay $0x1  }
0x8a: {  	s1 =	srdreg.scid  }
0x8b: {  	s0 =	sand.u32 $0x1, s1  }
0x8c: {  	s17 =	sshll.u32 s0, $0xA;
	s2 =	sadd.s32 s3, s2  }
0x8d: {  	s2 =	sadd.s32 s2, s17  }
0x8e: {  	[smem:$0x3FBC] =	sst s2  }
0x8f: {  	_ = 	snop  }
0x90: {  	s2 =	sld [smem:$0x3FC7]  }
0x91: {  	s18 =	sld [smem:$0x3FD0];
	(tm) =	ssettm $0x1  }
0x92: {  	s4 =	sld [smem:$0x3FFB];
	_ =	sdelay $0x3  }
0x93: {  	_ =	strace s4  }
0x94: {  	s4 =	sld [smem:$0x3FFC];
	_ =	sdelay $0x3  }
0x95: {  	_ =	strace s4  }
0x96: {  	s4 =	sld [smem:$0x3FFD];
	_ =	sdelay $0x3  }
0x97: {  	_ =	strace s4  }
0x98: {  	_ =	strace $0x8FFFFFFF  }
0x99: {  	s19 =	sld [smem:$0x3FDB];
	_ =	sdelay $0x1  }
0x9a: {  	s5 =	simm.s32 $_scs_section_size  }
0x9b: {  	s6 =	simm.s32 $_size__tile_overlayer_lowered;
	s7 =	simm.s32 $_tile_overlayer_lowered  }
0x9c: {  	s22 =	simm.s32 $0x1BFF;
	s21 =	sshll.u32 s7, $0x1;
	s4 =	sadd.s32 s5, s19  }
0x9d: {  	s8 =	simm.s32 $0x0;
	s20 =	sshll.u32 s6, $0x1;
	s6 =	sadd.s32 s21, s4  }
0x9e: {  	[timem:s8], [sflag:s22] =	dma.local [hbm:s6], s20  }
0x9f: {  	_ =	swait.ge [sflag:s22], s20  }
0xa0: {  	s5 =	ssub.s32 $0x0, s20;
	[sflag:s22] =	ssyncset.done $0x0  }
0xa1: {  	[sflag:s22] =	ssyncadd.s32 s5;
	_ =	sdelay $0x1  }
0xa2: {  	s23 =	simm.s32 $0x1B8B  }
0xa3: {  	_ =	swait.ge [sflag:s23], $0x1  }
0xa4: {  	[sflag:s23] =	ssyncset.done $0x0  }
0xa5: {  	s25 =	simm.s32 $0x1B8E;
	s24 =	sld [smem:$0x3FFE];
	[sflag:s23] =	ssyncadd.s32 $0xFFFFFFFF  }
0xa6: {  	s26 =	simm.s32 $execute0_lowered;
	[smem:$0x3FD2] =	sst s25  }
0xa7: {  	s6 =	sshll.u32 s26, $0x1;
	_ =	strace $0x80000046;
	[dreg:$0x1] =	wrdreg $0xFFFFFFFF  }
0xa8: {  	s28 =	simm.s32 $_size_execute0_lowered;
	s4 =	sadd.s32 s4, s6;
	[dreg:$0x0] =	wrdreg $0x0  }
0xa9: {  	s6 =	sshll.u32 s28, $0x1;
	[dreg:$0x2] =	wrdreg s4  }
0xaa: {  	[dreg:$0x3] =	wrdreg s6  }
0xab: {  	[dreg:$0x4] =	wrdreg $0xC0  }
0xac: {  	_ =	task [dreg:s8], $0x5FFFF  }
0xad: {  	[dreg:$0x1] =	wrdreg $0xFFFFFFFF  }
0xae: {  	[dreg:$0x0] =	wrdreg $0x60  }
0xaf: {  	[dreg:$0x2] =	wrdreg s18  }
0xb0: {  	[dreg:$0x3] =	wrdreg s24  }
0xb1: {  	[dreg:$0x4] =	wrdreg s2  }
0xb2: {  	[dreg:$0x5] =	wrdreg $0x9  }
0xb3: {  	_ =	task.clear_ibuf [dreg:s8], $0x6FFFF;
	_ =	strace $0x90000046  }
0xb4: {  	s29 =	simm.s32 $0x9;
	_ =	strace $0x80000048  }
0xb5: {  	_ =	swait.ge [sflag:s29], $0x1  }
0xb6: {  	[sflag:s29] =	ssyncadd.s32 $0xFFFFFFFF  }
0xb7: {  	_ =	strace $0x90000048  }
0xb8: {  	_ =	sfence  }
0xb9: {  	s30 =	sld [smem:$0x0];
	_ =	sdelay $0x2  }
0xba: {  	s31 =	sshll.u32 s1, $0xD;
	s1 =	sshrl.u32 s1, $0x2  }
0xbb: {  	s3 =	sand.u32 $0x4000, s31;
	s1 =	sadd.s32 s1, s30  }
0xbc: {  	s0 =	sor.u32 s3, s0;
	s1 =	sshll.u32 s1, $0x11  }
0xbd: {  	s0 =	sor.u32 s1, s0  }
0xbe: {  	s0 =	sadd.s32 $0x8F2B, s0  }
0xbf: {  	[sflag:s0] =	ssyncadd.remote.s32 $0x1  }
0xc0: {  	_ =	sfence.sel $0xFFFF  }
0xc1: {  	[dreg:$0x0] =	wrdreg $0xFFFFFFFF;
	(pc) =	sbr.abs _section_cstart, $3  }
0xc2: {  	[dreg:$0x1] =	wrdreg $0xFFFFFFFF  }
0xc3: {  	_ =	task.clear_ibuf [dreg:s8], $0x2FFFF;
	_ =	strace $0x9FFFFFFF  }
0xc4: {  	(tm) =	ssettm $0x7FFFFFFF  }
0xc5: {  	_ =	shalt  }
tec
execute0_lowered:
.L_overlay_start_1:
0x0: {  	(tag) =	ssettag $0x1  }
0x1: {  	s1 =	rddreg [dreg:$0x0]  }
0x2: {  	s2 =	rddreg [dreg:$0x1]  }
0x3: {  	s4 =	rddreg [dreg:$0x2]  }
0x4: {  	s3 =	simm.s32 $0x0;
	s0 =	srdreg.scid;
	s16 =	stileid.u32  }
0x5: {  	s28 =	simm.s32 $0x50;
	s29 =	simm.s32 $0x300;
	s30 =	simm.s32 $0x500  }
0x6: {  	s31 =	simm.s32 $0x400;
	s5 =	sand.u32 $0x1, s0;
	s24 =	smul.u32 $0x4E200, s16  }
0x7: {  	s13 =	sshll.u32 s16, $0x1;
	s7 =	sadd.s32 $0x50D400, s2;
	s26 =	smul.u32 $0x27100, s5  }
0x8: {  	s6 =	ssub.s32 $0x2, s5;
	s0 =	sor.u32 s5, s13;
	s5 =	smul.u32 $0x2710, s5  }
0x9: {  	[smem:$0x7FF] =	sst s3;
	s10 =	sadd.s32 $0x9EF400, s2;
	s9 =	smul.u32 $0x190, s0  }
0xa: {  	s11 =	sadd.s32 $0x52600, s2;
	_ =	strace $0x80000047;
	s12 =	smul.u32 $0x1900, s0  }
0xb: {  	s8 =	sshrl.u32 s6, $0x1;
	s15 =	smul.u32 $0x2710, s0;
	p0 =	sgt.u32 s0, $0x18  }
0xc: {  	s6 =	ssub.s32 s6, s8;
	s14 =	sshrl.u32 s9, $0x3;
	s13 =	sadd.s32 $0x50, s9  }
0xd: {  	s12 =	sadd.s32 s11, s12;
	s19 =	sadd.s32 $0xA0, s9;
	s20 =	sadd.s32 $0xF0, s9  }
0xe: {  	s9 =	sadd.s32 $0x140, s9;
	s8 =	sadd.s32 s4, s14;
	s17 =	sshrl.u32 s13, $0x3  }
0xf: {  	[dreg:$0x9] =	wrdreg s12;
	s18 =	sshll.u32 s13, $0x4;
	s21 =	sshrl.u32 s19, $0x3  }
0x10: {  	s14 =	sshrl.u32 s20, $0x3;
	s23 =	sshll.u32 s20, $0x4;
	s25 =	sshrl.u32 s9, $0x3  }
0x11: {  	s12 =	simm.s32 $0x6;
	[dreg:$0x8] =	wrdreg s8;
	s8 =	sadd.s32 s4, s17  }
0x12: {  	s13 =	sadd.s32 s4, s21;
	s22 =	sadd.s32 s4, s14;
	[dreg:$0xa] =	wrdreg s8  }
0x13: {  	s4 =	sadd.s32 s4, s25;
	s14 =	sadd.s32 $0x4200, s2;
	[dreg:$0xc] =	wrdreg s13  }
0x14: {  	s17 =	sadd.s32 $0x26C0, s15;
	s8 =	sadd.s32 s11, s18;
	[dreg:$0xe] =	wrdreg s22  }
0x15: {  	[dreg:$0x10] =	wrdreg s4;
	s18 =	sshll.u32 s17, $0x4;
	s22 =	smul.u32 $0x1388, s0  }
0x16: {  	s0 =	simm.s32 $0x5500;
	s13 =	simm.s32 $0x0;
	[dreg:$0xb] =	wrdreg s8  }
0x17: {  	s8 =	sshll.u32 s19, $0x4;
	s19 =	sadd.s32 $0xED1400, s2;
	s20 =	sadd.s32 s10, s18  }
0x18: {  	s8 =	sadd.s32 s11, s8;
	[dreg:$0x13] =	wrdreg s20;
	s21 =	sadd.s32 s24, s19  }
0x19: {  	[dreg:$0xd] =	wrdreg s8;
	s8 =	sadd.s32 s11, s23;
	s23 =	simm.s32 $0x380  }
0x1a: {  	[dreg:$0xf] =	wrdreg s8;
	s8 =	sshll.u32 s9, $0x4;
	s9 =	sadd.s32 s24, s7  }
0x1b: {  	s7 =	sadd.s32 s7, s18;
	[dreg:$0x7] =	wrdreg s23;
	s4 =	sadd.s32 s11, s8  }
0x1c: {  	s11 =	smul.u32 $0x4E20, s16;
	s8 =	sadd.s32 s26, s9;
	s16 =	sadd.s32 s24, s10  }
0x1d: {  	[dreg:$0x12] =	wrdreg s7;
	s24 =	sshrl.u32 s17, $0x1;
	s7 =	simm.s32 $0x480  }
0x1e: {  	s9 =	simm.s32 $0xCD00;
	s10 =	simm.s32 $0x3;
	[dreg:$0x11] =	wrdreg s4  }
0x1f: {  	[dreg:$0x4] =	wrdreg s8;
	s8 =	sadd.s32 s26, s16;
	s4 =	sadd.s32 s5, s11  }
0x20: {  	[dreg:$0x5] =	wrdreg s8;
	s5 =	sadd.s32 s19, s18;
	s18 =	sadd.s32 $0x2B400, s2  }
0x21: {  	s19 =	sadd.s32 $0x4E6200, s2;
	s8 =	simm.s32 $0x7D00;
	[dreg:$0x14] =	wrdreg s5  }
0x22: {  	s5 =	sadd.s32 s26, s21;
	s2 =	sadd.s32 s19, s22;
	s25 =	sadd.s32 $0x50, s4  }
0x23: {  	v0 =	vlaneseq.u32;
	s26 =	smax.u32 s6, $0x1;
	s4 =	sadd.s32 $0xA0, s4;
	[dreg:$0x15] =	wrdreg s2  }
.Ltmp0:
0x24: {  	v0 =	vmul.u32 $0x4, v0;
	s6 =	simm.s32 $0x2D00;
	[dreg:$0x6] =	wrdreg s5;
	(pc) =	sbr.rel .LBB2_1-.Ltmp0, $4  }
0x25: {  	s5 =	sadd.s32 s19, s24;
	[dreg:$0x17] =	wrdreg s26;
	s2 =	sshrl.u32 s25, $0x1  }
0x26: {  	v1 =	vor.u32 $0x40, v0;
	v2 =	vor.u32 $0x80, v0;
	v3 =	vor.u32 $0xC0, v0;
	[dreg:$0x18] =	wrdreg s4;
	s25 =	simm.s32 $0x180;
	s26 =	simm.s32 $0x1  }
0x27: {  	v4 =	vor.u32 $0x100, v0;
	v5 =	vor.u32 $0x1, v0;
	v6 =	vor.u32 $0x41, v0;
	s4 =	simm.s32 $0x5;
	[dreg:$0x16] =	wrdreg s5;
	s2 =	sadd.s32 s2, s19  }
0x28: {  	v7 =	vor.u32 $0x81, v0;
	v8 =	vor.u32 $0xC1, v0;
	v9 =	vor.u32 $0x101, v0;
	s5 =	simm.s32 $0x2;
	[dreg:$0x19] =	wrdreg s2;
	s2 =	simm.s32 $0xA500  }
.LBB2_5:
0x29: {  	s13 =	sadd.s32 $0x1, s13;
	s11 =	rddreg [dreg:$0x17]  }
0x2a: {  	p1 =	sne.s32 s13, s11  }
.Ltmp1:
0x2b: {  	_ = 	snop;
	(pc) =	sbr.rel @!p1 .LBB2_6-.Ltmp1, $1  }
0x2c: {  	_ =	sdelay $0x3  }
.LBB2_1:
0x2d: {  	s11 =	rddreg [dreg:$0x15]  }
0x2e: {  	[tilespmem:s3], [sflag:$0x1] =	stream.linear.gather [hbm4b:s11+s3], $0x140, $0x38;
	[tilespmem:$0xF500] =	vst v63  }
0x2f: {  	s24 =	rddreg [dreg:$0x19]  }
0x30: {  	[tilespmem:s25], [sflag:$0x2] =	stream.linear.gather [hbm4b:s24+s3], $0x140, $0x38;
	[tilespmem:$0xF500] =	vst v63  }
0x31: {  	_ =	swait.ge [sflag:s26], $0x140  }
0x32: {  	[sflag:s26] =	ssyncset.done $0x0  }
0x33: {  	[sflag:s26] =	ssyncadd.s32 $0xFFFFFEC0  }
0x34: {  	v10 =	vld.idx.msk [tilespmem:v0+s3+$0x0], $0xffff;
	_ =	sdelay $0x4  }
0x35: {  	[tilespmem:$0x300] =	vst v10  }
0x36: {  	v10 =	vld.idx.msk [tilespmem:v1+s3+$0x0], $0xffff;
	_ =	sdelay $0x4  }
0x37: {  	[tilespmem:$0x310] =	vst v10  }
0x38: {  	v10 =	vld.idx.msk [tilespmem:v2+s3+$0x0], $0xffff;
	_ =	sdelay $0x4  }
0x39: {  	[tilespmem:$0x320] =	vst v10  }
0x3a: {  	v10 =	vld.idx.msk [tilespmem:v3+s3+$0x0], $0xffff;
	_ =	sdelay $0x4  }
0x3b: {  	[tilespmem:$0x330] =	vst v10  }
0x3c: {  	v10 =	vld.idx.msk [tilespmem:v4+s3+$0x0], $0xffff;
	_ =	sdelay $0x4  }
0x3d: {  	[tilespmem:$0x340] =	vst v10  }
0x3e: {  	v10 =	vld.idx.msk [tilespmem:v5+s3+$0x0], $0xffff;
	_ =	sdelay $0x4  }
0x3f: {  	[tilespmem:$0x400] =	vst v10  }
0x40: {  	v10 =	vld.idx.msk [tilespmem:v6+s3+$0x0], $0xffff;
	_ =	sdelay $0x4  }
0x41: {  	[tilespmem:$0x410] =	vst v10  }
0x42: {  	v10 =	vld.idx.msk [tilespmem:v7+s3+$0x0], $0xffff;
	_ =	sdelay $0x4  }
0x43: {  	[tilespmem:$0x420] =	vst v10  }
0x44: {  	v10 =	vld.idx.msk [tilespmem:v8+s3+$0x0], $0xffff;
	_ =	sdelay $0x4  }
0x45: {  	[tilespmem:$0x430] =	vst v10  }
0x46: {  	v10 =	vld.idx.msk [tilespmem:v9+s3+$0x0], $0xffff;
	_ =	sdelay $0x3  }
0x47: {  	p1 =	por $0x1, $0x1  }
0x48: {  	s15 =	simm.s32 @!p1 $0x3;
	[tilespmem:$0x440] =	vst v10  }
0x49: {  	_ =	swait.ge @!p1 [sflag:s15], $0x2800  }
0x4a: {  	[sflag:s15] =	ssyncset.done @!p1 $0x0  }
0x4b: {  	[sflag:s15] =	ssyncadd.s32 @!p1 $0xFFFFD800  }
0x4c: {  	_ =	swait.ge @!p1 [sflag:s15], $0x2800  }
0x4d: {  	[sflag:s15] =	ssyncset.done @!p1 $0x0  }
0x4e: {  	[sflag:s15] =	ssyncadd.s32 @!p1 $0xFFFFD800  }
0x4f: {  	_ =	swait.ge @!p1 [sflag:s15], $0x2800  }
0x50: {  	[sflag:s15] =	ssyncset.done @!p1 $0x0  }
0x51: {  	[sflag:s15] =	ssyncadd.s32 @!p1 $0xFFFFD800  }
0x52: {  	[tilespmem:s30], [sflag:$0x5] =	stream.indirect.gather [hbm4b:s1+s28], $0x80, s29, s28, $0xb8;
	[tilespmem:$0xF500] =	vst v63  }
0x53: {  	_ = 	snop  }
0x54: {  	[tilespmem:s0], [sflag:$0x5] =	stream.indirect.gather [hbm4b:s14+s28], $0x80, s31, s28, $0xb8;
	[tilespmem:$0xF500] =	vst v63  }
0x55: {  	_ = 	snop  }
0x56: {  	[tilespmem:s2], [sflag:$0x5] =	stream.indirect.gather [hbm4b:s18+s28], $0x80, s31, s28, $0xb8;
	[tilespmem:$0xF500] =	vst v63  }
0x57: {  	_ =	swait.ge [sflag:s4], $0x2800  }
0x58: {  	[sflag:s4] =	ssyncset.done $0x0  }
0x59: {  	[sflag:s4] =	ssyncadd.s32 $0xFFFFD800  }
0x5a: {  	_ =	swait.ge [sflag:s4], $0x2800  }
0x5b: {  	[sflag:s4] =	ssyncset.done $0x0  }
0x5c: {  	[sflag:s4] =	ssyncadd.s32 $0xFFFFD800  }
0x5d: {  	_ =	swait.ge [sflag:s4], $0x2800  }
0x5e: {  	s11 =	rddreg [dreg:$0x4]  }
0x5f: {  	p2 =	por $0x0, $0x0;
	[sflag:s4] =	ssyncset.done $0x0;
	s16 =	rddreg [dreg:$0x5]  }
0x60: {  	s23 =	rddreg [dreg:$0x18];
	[sflag:s4] =	ssyncadd.s32 $0xFFFFD800;
	s15 =	sadd.s32 $0x0, s11  }
0x61: {  	[hbm4b:s15+s3] =	stream.linear.scatter [tilespmem:s30], [sflag:$0x3], $0x2800, $0x38;
	[tilespmem:$0xF500] =	vst v63  }
0x62: {  	s20 =	rddreg [dreg:$0x6];
	s16 =	sadd.s32 $0x0, s16;
	s21 =	sshrl.u32 @!p2 s23, $0x1  }
0x63: {  	[hbm4b:s16+s3] =	stream.linear.scatter [tilespmem:s0], [sflag:$0x3], $0x2800, $0x38;
	[tilespmem:$0xF500] =	vst v63  }
0x64: {  	s20 =	sadd.s32 $0x0, s20;
	s21 =	sand.u32 @!p2 $0x1FFFFFF8, s21  }
0x65: {  	[hbm4b:s20+s3] =	stream.linear.scatter [tilespmem:s2], [sflag:$0x3], $0x2800, $0x38;
	[tilespmem:$0xF500] =	vst v63  }
0x66: {  	s22 =	simm.s32 @!p2 $0x0;
	s21 =	sadd.s32 @!p2 s19, s21  }
0x67: {  	[tilespmem:s22], [sflag:$0x1] =	stream.linear.gather @!p2 [hbm4b:s21+s22], $0x140, $0x38;
	[tilespmem:$0xF500] =	vst v63  }
0x68: {  	_ =	swait.ge [sflag:s5], $0x140  }
0x69: {  	[sflag:s5] =	ssyncset.done $0x0  }
0x6a: {  	[sflag:s5] =	ssyncadd.s32 $0xFFFFFEC0  }
0x6b: {  	v10 =	vld.idx.msk [tilespmem:v0+s25+$0x0], $0xffff;
	_ =	sdelay $0x4  }
0x6c: {  	[tilespmem:$0x380] =	vst v10  }
0x6d: {  	v10 =	vld.idx.msk [tilespmem:v1+s25+$0x0], $0xffff;
	_ =	sdelay $0x4  }
0x6e: {  	[tilespmem:$0x390] =	vst v10  }
0x6f: {  	v10 =	vld.idx.msk [tilespmem:v2+s25+$0x0], $0xffff;
	_ =	sdelay $0x4  }
0x70: {  	[tilespmem:$0x3A0] =	vst v10  }
0x71: {  	v10 =	vld.idx.msk [tilespmem:v3+s25+$0x0], $0xffff;
	_ =	sdelay $0x4  }
0x72: {  	[tilespmem:$0x3B0] =	vst v10  }
0x73: {  	v10 =	vld.idx.msk [tilespmem:v4+s25+$0x0], $0xffff;
	_ =	sdelay $0x4  }
0x74: {  	[tilespmem:$0x3C0] =	vst v10  }
0x75: {  	v10 =	vld.idx.msk [tilespmem:v5+s25+$0x0], $0xffff;
	_ =	sdelay $0x4  }
0x76: {  	[tilespmem:$0x480] =	vst v10  }
0x77: {  	v10 =	vld.idx.msk [tilespmem:v6+s25+$0x0], $0xffff;
	_ =	sdelay $0x4  }
0x78: {  	[tilespmem:$0x490] =	vst v10  }
0x79: {  	v10 =	vld.idx.msk [tilespmem:v7+s25+$0x0], $0xffff;
	_ =	sdelay $0x4  }
0x7a: {  	[tilespmem:$0x4A0] =	vst v10  }
0x7b: {  	v10 =	vld.idx.msk [tilespmem:v8+s25+$0x0], $0xffff;
	_ =	sdelay $0x4  }
0x7c: {  	[tilespmem:$0x4B0] =	vst v10  }
0x7d: {  	v10 =	vld.idx.msk [tilespmem:v9+s25+$0x0], $0xffff;
	_ =	sdelay $0x4  }
0x7e: {  	s21 =	simm.s32 @!p1 $0x4;
	[tilespmem:$0x4C0] =	vst v10  }
0x7f: {  	_ =	swait.ge @!p1 [sflag:s21], $0x2800  }
0x80: {  	[sflag:s21] =	ssyncset.done @!p1 $0x0  }
0x81: {  	[sflag:s21] =	ssyncadd.s32 @!p1 $0xFFFFD800  }
0x82: {  	_ =	swait.ge @!p1 [sflag:s21], $0x2800  }
0x83: {  	[sflag:s21] =	ssyncset.done @!p1 $0x0  }
0x84: {  	[sflag:s21] =	ssyncadd.s32 @!p1 $0xFFFFD800  }
0x85: {  	_ =	swait.ge @!p1 [sflag:s21], $0x2800  }
0x86: {  	[sflag:s21] =	ssyncset.done @!p1 $0x0  }
0x87: {  	s17 =	rddreg [dreg:$0x7];
	[sflag:s21] =	ssyncadd.s32 @!p1 $0xFFFFD800  }
0x88: {  	[tilespmem:s6], [sflag:$0x5] =	stream.indirect.gather [hbm4b:s1+s28], $0x80, s17, s28, $0xb8;
	[tilespmem:$0xF500] =	vst v63  }
0x89: {  	_ = 	snop  }
0x8a: {  	[tilespmem:s8], [sflag:$0x5] =	stream.indirect.gather [hbm4b:s14+s28], $0x80, s7, s28, $0xb8;
	[tilespmem:$0xF500] =	vst v63  }
0x8b: {  	_ = 	snop  }
0x8c: {  	[tilespmem:s9], [sflag:$0x5] =	stream.indirect.gather [hbm4b:s18+s28], $0x80, s7, s28, $0xb8;
	[tilespmem:$0xF500] =	vst v63  }
0x8d: {  	_ =	swait.ge [sflag:s4], $0x2800  }
0x8e: {  	[sflag:s4] =	ssyncset.done $0x0  }
0x8f: {  	[sflag:s4] =	ssyncadd.s32 $0xFFFFD800  }
0x90: {  	_ =	swait.ge [sflag:s4], $0x2800  }
0x91: {  	[sflag:s4] =	ssyncset.done $0x0  }
0x92: {  	[sflag:s4] =	ssyncadd.s32 $0xFFFFD800  }
0x93: {  	_ =	swait.ge [sflag:s4], $0x2800  }
0x94: {  	[sflag:s4] =	ssyncset.done $0x0  }
0x95: {  	s15 =	sadd.s32 $0x500, s15;
	[sflag:s4] =	ssyncadd.s32 $0xFFFFD800  }
0x96: {  	[hbm4b:s15+s3] =	stream.linear.scatter [tilespmem:s6], [sflag:$0x4], $0x2800, $0x38;
	[tilespmem:$0xF500] =	vst v63  }
0x97: {  	s20 =	sadd.s32 $0x500, s20;
	s22 =	sadd.s32 $0x500, s16;
	s15 =	simm.s32 $0xA00  }
0x98: {  	[hbm4b:s22+s3] =	stream.linear.scatter [tilespmem:s8], [sflag:$0x4], $0x2800, $0x38;
	[tilespmem:$0xF500] =	vst v63  }
.LBB2_2:
0x99: {  	[hbm4b:s20+s3] =	stream.linear.scatter [tilespmem:s9], [sflag:$0x4], $0x2800, $0x38;
	[tilespmem:$0xF500] =	vst v63  }
0x9a: {  	s24 =	sadd.s32 $0x50, s24  }
0x9b: {  	[tilespmem:s25], [sflag:$0x2] =	stream.linear.gather [hbm4b:s24+s3], $0x140, $0x38;
	[tilespmem:$0xF500] =	vst v63  }
0x9c: {  	_ =	swait.ge [sflag:s26], $0x140  }
0x9d: {  	[sflag:s26] =	ssyncset.done $0x0  }
0x9e: {  	[sflag:s26] =	ssyncadd.s32 $0xFFFFFEC0  }
0x9f: {  	v10 =	vld.idx.msk [tilespmem:v0+s3+$0x0], $0xffff;
	_ =	sdelay $0x4  }
0xa0: {  	[tilespmem:$0x300] =	vst v10  }
0xa1: {  	v10 =	vld.idx.msk [tilespmem:v1+s3+$0x0], $0xffff;
	_ =	sdelay $0x4  }
0xa2: {  	[tilespmem:$0x310] =	vst v10  }
0xa3: {  	v10 =	vld.idx.msk [tilespmem:v2+s3+$0x0], $0xffff;
	_ =	sdelay $0x4  }
0xa4: {  	[tilespmem:$0x320] =	vst v10  }
0xa5: {  	v10 =	vld.idx.msk [tilespmem:v3+s3+$0x0], $0xffff;
	_ =	sdelay $0x4  }
0xa6: {  	[tilespmem:$0x330] =	vst v10  }
0xa7: {  	v10 =	vld.idx.msk [tilespmem:v4+s3+$0x0], $0xffff;
	_ =	sdelay $0x4  }
0xa8: {  	[tilespmem:$0x340] =	vst v10  }
0xa9: {  	v10 =	vld.idx.msk [tilespmem:v5+s3+$0x0], $0xffff;
	_ =	sdelay $0x4  }
0xaa: {  	[tilespmem:$0x400] =	vst v10  }
0xab: {  	v10 =	vld.idx.msk [tilespmem:v6+s3+$0x0], $0xffff;
	_ =	sdelay $0x4  }
0xac: {  	[tilespmem:$0x410] =	vst v10  }
0xad: {  	v10 =	vld.idx.msk [tilespmem:v7+s3+$0x0], $0xffff;
	_ =	sdelay $0x4  }
0xae: {  	[tilespmem:$0x420] =	vst v10  }
0xaf: {  	v10 =	vld.idx.msk [tilespmem:v8+s3+$0x0], $0xffff;
	_ =	sdelay $0x4  }
0xb0: {  	[tilespmem:$0x430] =	vst v10  }
0xb1: {  	v10 =	vld.idx.msk [tilespmem:v9+s3+$0x0], $0xffff;
	_ =	sdelay $0x2  }
0xb2: {  	s21 =	smov.u32 s15  }
0xb3: {  	p2 =	seq.s32 s21, $0x0  }
0xb4: {  	s16 =	simm.s32 @!p2 $0x3;
	[tilespmem:$0x440] =	vst v10  }
0xb5: {  	_ =	swait.ge @!p2 [sflag:s16], $0x2800  }
0xb6: {  	[sflag:s16] =	ssyncset.done @!p2 $0x0  }
0xb7: {  	[sflag:s16] =	ssyncadd.s32 @!p2 $0xFFFFD800  }
0xb8: {  	_ =	swait.ge @!p2 [sflag:s16], $0x2800  }
0xb9: {  	[sflag:s16] =	ssyncset.done @!p2 $0x0  }
0xba: {  	[sflag:s16] =	ssyncadd.s32 @!p2 $0xFFFFD800  }
0xbb: {  	_ =	swait.ge @!p2 [sflag:s16], $0x2800  }
0xbc: {  	[sflag:s16] =	ssyncset.done @!p2 $0x0  }
0xbd: {  	[sflag:s16] =	ssyncadd.s32 @!p2 $0xFFFFD800  }
0xbe: {  	[tilespmem:s30], [sflag:$0x5] =	stream.indirect.gather [hbm4b:s1+s28], $0x80, s29, s28, $0xb8;
	[tilespmem:$0xF500] =	vst v63  }
0xbf: {  	_ = 	snop  }
0xc0: {  	[tilespmem:s0], [sflag:$0x5] =	stream.indirect.gather [hbm4b:s14+s28], $0x80, s31, s28, $0xb8;
	[tilespmem:$0xF500] =	vst v63  }
0xc1: {  	_ = 	snop  }
0xc2: {  	[tilespmem:s2], [sflag:$0x5] =	stream.indirect.gather [hbm4b:s18+s28], $0x80, s31, s28, $0xb8;
	[tilespmem:$0xF500] =	vst v63  }
0xc3: {  	_ =	swait.ge [sflag:s4], $0x2800  }
0xc4: {  	[sflag:s4] =	ssyncset.done $0x0  }
0xc5: {  	[sflag:s4] =	ssyncadd.s32 $0xFFFFD800  }
0xc6: {  	_ =	swait.ge [sflag:s4], $0x2800  }
0xc7: {  	[sflag:s4] =	ssyncset.done $0x0  }
0xc8: {  	[sflag:s4] =	ssyncadd.s32 $0xFFFFD800  }
0xc9: {  	s23 =	sadd.s32 $0xA0, s23;
	_ =	swait.ge [sflag:s4], $0x2800  }
0xca: {  	p3 =	seq.s32 s21, $0x26200;
	s22 =	rddreg [dreg:$0x4];
	[sflag:s4] =	ssyncset.done $0x0  }
0xcb: {  	s11 =	rddreg [dreg:$0x5];
	[sflag:s4] =	ssyncadd.s32 $0xFFFFD800;
	s16 =	sadd.s32 s21, s22  }
0xcc: {  	[hbm4b:s16+s3] =	stream.linear.scatter [tilespmem:s30], [sflag:$0x3], $0x2800, $0x38;
	[tilespmem:$0xF500] =	vst v63  }
0xcd: {  	s20 =	sshrl.u32 @!p3 s23, $0x1;
	s17 =	rddreg [dreg:$0x6];
	s22 =	sadd.s32 s21, s11  }
0xce: {  	[hbm4b:s22+s3] =	stream.linear.scatter [tilespmem:s0], [sflag:$0x3], $0x2800, $0x38;
	[tilespmem:$0xF500] =	vst v63  }
0xcf: {  	s17 =	sadd.s32 s21, s17;
	s21 =	sand.u32 @!p3 $0x1FFFFFF8, s20  }
0xd0: {  	[hbm4b:s17+s3] =	stream.linear.scatter [tilespmem:s2], [sflag:$0x3], $0x2800, $0x38;
	[tilespmem:$0xF500] =	vst v63  }
0xd1: {  	s11 =	simm.s32 @!p3 $0x0;
	s20 =	sadd.s32 $0x500, s17;
	s17 =	sadd.s32 @!p3 s19, s21  }
0xd2: {  	[tilespmem:s11], [sflag:$0x1] =	stream.linear.gather @!p3 [hbm4b:s17+s11], $0x140, $0x38;
	[tilespmem:$0xF500] =	vst v63  }
0xd3: {  	_ =	swait.ge [sflag:s5], $0x140  }
0xd4: {  	[sflag:s5] =	ssyncset.done $0x0  }
0xd5: {  	[sflag:s5] =	ssyncadd.s32 $0xFFFFFEC0  }
0xd6: {  	v10 =	vld.idx.msk [tilespmem:v0+s25+$0x0], $0xffff;
	_ =	sdelay $0x4  }
0xd7: {  	[tilespmem:$0x380] =	vst v10  }
0xd8: {  	v10 =	vld.idx.msk [tilespmem:v1+s25+$0x0], $0xffff;
	_ =	sdelay $0x4  }
0xd9: {  	[tilespmem:$0x390] =	vst v10  }
0xda: {  	v10 =	vld.idx.msk [tilespmem:v2+s25+$0x0], $0xffff;
	_ =	sdelay $0x4  }
0xdb: {  	[tilespmem:$0x3A0] =	vst v10  }
0xdc: {  	v10 =	vld.idx.msk [tilespmem:v3+s25+$0x0], $0xffff;
	_ =	sdelay $0x4  }
0xdd: {  	[tilespmem:$0x3B0] =	vst v10  }
0xde: {  	v10 =	vld.idx.msk [tilespmem:v4+s25+$0x0], $0xffff;
	_ =	sdelay $0x4  }
0xdf: {  	[tilespmem:$0x3C0] =	vst v10  }
0xe0: {  	v10 =	vld.idx.msk [tilespmem:v5+s25+$0x0], $0xffff;
	_ =	sdelay $0x4  }
0xe1: {  	[tilespmem:$0x480] =	vst v10  }
0xe2: {  	v10 =	vld.idx.msk [tilespmem:v6+s25+$0x0], $0xffff;
	_ =	sdelay $0x4  }
0xe3: {  	[tilespmem:$0x490] =	vst v10  }
0xe4: {  	v10 =	vld.idx.msk [tilespmem:v7+s25+$0x0], $0xffff;
	_ =	sdelay $0x4  }
0xe5: {  	[tilespmem:$0x4A0] =	vst v10  }
0xe6: {  	v10 =	vld.idx.msk [tilespmem:v8+s25+$0x0], $0xffff;
	_ =	sdelay $0x4  }
0xe7: {  	[tilespmem:$0x4B0] =	vst v10  }
0xe8: {  	v10 =	vld.idx.msk [tilespmem:v9+s25+$0x0], $0xffff;
	_ =	sdelay $0x4  }
0xe9: {  	s11 =	simm.s32 @!p2 $0x4;
	[tilespmem:$0x4C0] =	vst v10  }
0xea: {  	_ =	swait.ge @!p2 [sflag:s11], $0x2800  }
0xeb: {  	[sflag:s11] =	ssyncset.done @!p2 $0x0  }
0xec: {  	[sflag:s11] =	ssyncadd.s32 @!p2 $0xFFFFD800  }
0xed: {  	_ =	swait.ge @!p2 [sflag:s11], $0x2800  }
0xee: {  	[sflag:s11] =	ssyncset.done @!p2 $0x0  }
0xef: {  	[sflag:s11] =	ssyncadd.s32 @!p2 $0xFFFFD800  }
0xf0: {  	_ =	swait.ge @!p2 [sflag:s11], $0x2800  }
0xf1: {  	[sflag:s11] =	ssyncset.done @!p2 $0x0  }
0xf2: {  	s21 =	rddreg [dreg:$0x7];
	[sflag:s11] =	ssyncadd.s32 @!p2 $0xFFFFD800  }
0xf3: {  	[tilespmem:s6], [sflag:$0x5] =	stream.indirect.gather [hbm4b:s1+s28], $0x80, s21, s28, $0xb8;
	[tilespmem:$0xF500] =	vst v63  }
0xf4: {  	_ = 	snop  }
0xf5: {  	[tilespmem:s8], [sflag:$0x5] =	stream.indirect.gather [hbm4b:s14+s28], $0x80, s7, s28, $0xb8;
	[tilespmem:$0xF500] =	vst v63  }
0xf6: {  	_ = 	snop  }
0xf7: {  	[tilespmem:s9], [sflag:$0x5] =	stream.indirect.gather [hbm4b:s18+s28], $0x80, s7, s28, $0xb8;
	[tilespmem:$0xF500] =	vst v63  }
0xf8: {  	_ =	swait.ge [sflag:s4], $0x2800  }
0xf9: {  	[sflag:s4] =	ssyncset.done $0x0  }
0xfa: {  	[sflag:s4] =	ssyncadd.s32 $0xFFFFD800  }
0xfb: {  	_ =	swait.ge [sflag:s4], $0x2800  }
0xfc: {  	[sflag:s4] =	ssyncset.done $0x0  }
0xfd: {  	s15 =	sadd.s32 $0xA00, s15;
	[sflag:s4] =	ssyncadd.s32 $0xFFFFD800  }
0xfe: {  	p1 =	sne.s32 s15, $0x26C00;
	_ =	swait.ge [sflag:s4], $0x2800  }
.Ltmp2:
0xff: {  	[sflag:s4] =	ssyncset.done $0x0;
	(pc) =	sbr.rel @p1 .LBB2_2-.Ltmp2, $4  }
0x100: {  	s21 =	sadd.s32 $0x500, s16;
	[sflag:s4] =	ssyncadd.s32 $0xFFFFD800  }
0x101: {  	[hbm4b:s21+s3] =	stream.linear.scatter [tilespmem:s6], [sflag:$0x4], $0x2800, $0x38;
	[tilespmem:$0xF500] =	vst v63  }
0x102: {  	s22 =	sadd.s32 $0x500, s22  }
0x103: {  	[hbm4b:s22+s3] =	stream.linear.scatter [tilespmem:s8], [sflag:$0x4], $0x2800, $0x38;
	[tilespmem:$0xF500] =	vst v63  }
0x104: {  	[hbm4b:s20+s3] =	stream.linear.scatter [tilespmem:s9], [sflag:$0x4], $0x2800, $0x38;
	[tilespmem:$0xF500] =	vst v63  }
0x105: {  	s11 =	rddreg [dreg:$0x16]  }
0x106: {  	[tilespmem:s3], [sflag:$0x1] =	stream.linear.gather [hbm4b:s11+s3], $0x140, $0x38;
	[tilespmem:$0xF500] =	vst v63  }
0x107: {  	_ =	swait.ge [sflag:s26], $0x140  }
0x108: {  	[sflag:s26] =	ssyncset.done $0x0  }
0x109: {  	[sflag:s26] =	ssyncadd.s32 $0xFFFFFEC0  }
0x10a: {  	v10 =	vld.idx.msk [tilespmem:v0+s3+$0x0], $0xffff;
	_ =	sdelay $0x4  }
0x10b: {  	[tilespmem:$0x300] =	vst v10  }
0x10c: {  	v10 =	vld.idx.msk [tilespmem:v1+s3+$0x0], $0xffff;
	_ =	sdelay $0x4  }
0x10d: {  	[tilespmem:$0x310] =	vst v10  }
0x10e: {  	v10 =	vld.idx.msk [tilespmem:v2+s3+$0x0], $0xffff;
	_ =	sdelay $0x4  }
0x10f: {  	[tilespmem:$0x320] =	vst v10  }
0x110: {  	v10 =	vld.idx.msk [tilespmem:v3+s3+$0x0], $0xffff;
	_ =	sdelay $0x4  }
0x111: {  	[tilespmem:$0x330] =	vst v10  }
0x112: {  	v10 =	vld.idx.msk [tilespmem:v4+s3+$0x0], $0xffff;
	_ =	sdelay $0x4  }
0x113: {  	[tilespmem:$0x340] =	vst v10  }
0x114: {  	v10 =	vld.idx.msk [tilespmem:v5+s3+$0x0], $0xffff;
	_ =	sdelay $0x4  }
0x115: {  	[tilespmem:$0x400] =	vst v10  }
0x116: {  	v10 =	vld.idx.msk [tilespmem:v6+s3+$0x0], $0xffff;
	_ =	sdelay $0x4  }
0x117: {  	[tilespmem:$0x410] =	vst v10  }
0x118: {  	v10 =	vld.idx.msk [tilespmem:v7+s3+$0x0], $0xffff;
	_ =	sdelay $0x4  }
0x119: {  	[tilespmem:$0x420] =	vst v10  }
0x11a: {  	v10 =	vld.idx.msk [tilespmem:v8+s3+$0x0], $0xffff;
	_ =	sdelay $0x4  }
0x11b: {  	[tilespmem:$0x430] =	vst v10  }
0x11c: {  	v10 =	vld.idx.msk [tilespmem:v9+s3+$0x0], $0xffff;
	_ =	sdelay $0x4  }
0x11d: {  	[tilespmem:$0x440] =	vst v10  }
0x11e: {  	_ =	swait.ge [sflag:s10], $0x2800  }
0x11f: {  	[sflag:s10] =	ssyncset.done $0x0  }
0x120: {  	[sflag:s10] =	ssyncadd.s32 $0xFFFFD800  }
0x121: {  	_ =	swait.ge [sflag:s10], $0x2800  }
0x122: {  	[sflag:s10] =	ssyncset.done $0x0  }
0x123: {  	[sflag:s10] =	ssyncadd.s32 $0xFFFFD800  }
0x124: {  	_ =	swait.ge [sflag:s10], $0x2800  }
0x125: {  	[sflag:s10] =	ssyncset.done $0x0  }
0x126: {  	[sflag:s10] =	ssyncadd.s32 $0xFFFFD800  }
0x127: {  	[tilespmem:s30], [sflag:$0x5] =	stream.indirect.gather [hbm4b:s1+s28], $0x80, s29, s28, $0xb8;
	[tilespmem:$0xF500] =	vst v63  }
0x128: {  	_ = 	snop  }
0x129: {  	[tilespmem:s0], [sflag:$0x5] =	stream.indirect.gather [hbm4b:s14+s28], $0x80, s31, s28, $0xb8;
	[tilespmem:$0xF500] =	vst v63  }
0x12a: {  	_ = 	snop  }
0x12b: {  	[tilespmem:s2], [sflag:$0x5] =	stream.indirect.gather [hbm4b:s18+s28], $0x80, s31, s28, $0xb8;
	[tilespmem:$0xF500] =	vst v63  }
0x12c: {  	_ =	swait.ge [sflag:s4], $0x2800  }
0x12d: {  	[sflag:s4] =	ssyncset.done $0x0  }
0x12e: {  	[sflag:s4] =	ssyncadd.s32 $0xFFFFD800  }
0x12f: {  	_ =	swait.ge [sflag:s4], $0x2800  }
0x130: {  	[sflag:s4] =	ssyncset.done $0x0  }
0x131: {  	[sflag:s4] =	ssyncadd.s32 $0xFFFFD800  }
0x132: {  	_ =	swait.ge [sflag:s4], $0x2800  }
0x133: {  	[sflag:s4] =	ssyncset.done $0x0  }
0x134: {  	s21 =	rddreg [dreg:$0x12];
	[sflag:s4] =	ssyncadd.s32 $0xFFFFD800  }
0x135: {  	[hbm4b:s21+s3] =	stream.linear.scatter [tilespmem:s30], [sflag:$0x3], $0x2800, $0x38;
	[tilespmem:$0xF500] =	vst v63  }
0x136: {  	s22 =	rddreg [dreg:$0x13]  }
0x137: {  	[hbm4b:s22+s3] =	stream.linear.scatter [tilespmem:s0], [sflag:$0x3], $0x2800, $0x38;
	[tilespmem:$0xF500] =	vst v63  }
0x138: {  	s24 =	simm.s32 $0x4;
	s23 =	rddreg [dreg:$0x14]  }
0x139: {  	[hbm4b:s23+s3] =	stream.linear.scatter [tilespmem:s2], [sflag:$0x3], $0x2800, $0x38;
	[tilespmem:$0xF500] =	vst v63  }
0x13a: {  	_ =	swait.ge [sflag:s24], $0x2800  }
0x13b: {  	[sflag:s24] =	ssyncset.done $0x0  }
0x13c: {  	[sflag:s24] =	ssyncadd.s32 $0xFFFFD800  }
0x13d: {  	_ =	swait.ge [sflag:s24], $0x2800  }
0x13e: {  	[sflag:s24] =	ssyncset.done $0x0  }
0x13f: {  	[sflag:s24] =	ssyncadd.s32 $0xFFFFD800  }
0x140: {  	_ =	swait.ge [sflag:s24], $0x2800  }
0x141: {  	[sflag:s24] =	ssyncset.done $0x0  }
0x142: {  	[sflag:s24] =	ssyncadd.s32 $0xFFFFD800  }
0x143: {  	_ =	swait.ge [sflag:s10], $0x2800  }
0x144: {  	[sflag:s10] =	ssyncset.done $0x0  }
0x145: {  	[sflag:s10] =	ssyncadd.s32 $0xFFFFD800  }
0x146: {  	_ =	swait.ge [sflag:s10], $0x2800  }
.Ltmp3:
0x147: {  	[sflag:s10] =	ssyncset.done $0x0;
	(pc) =	sbr.rel @p0 .LBB2_5-.Ltmp3, $4  }
0x148: {  	[sflag:s10] =	ssyncadd.s32 $0xFFFFD800  }
0x149: {  	_ =	swait.ge [sflag:s10], $0x2800  }
0x14a: {  	[sflag:s10] =	ssyncset.done $0x0  }
0x14b: {  	[sflag:s10] =	ssyncadd.s32 $0xFFFFD800  }
0x14c: {  	s11 =	rddreg [dreg:$0x8]  }
0x14d: {  	[tilespmem:s29], [sflag:$0x6] =	stream.linear.gather [hbm4b:s11+s3], $0x50, $0x38;
	[tilespmem:$0xF500] =	vst v63  }
0x14e: {  	_ =	swait.ge [sflag:s12], $0x50  }
0x14f: {  	[sflag:s12] =	ssyncset.done $0x0  }
0x150: {  	[sflag:s12] =	ssyncadd.s32 $0xFFFFFFB0  }
0x151: {  	[tilespmem:s30], [sflag:$0x5] =	stream.indirect.gather [hbm4b:s1+s28], $0x80, s29, s28, $0xb8;
	[tilespmem:$0xF500] =	vst v63  }
0x152: {  	_ =	swait.ge [sflag:s4], $0x2800  }
0x153: {  	[sflag:s4] =	ssyncset.done $0x0  }
0x154: {  	s24 =	rddreg [dreg:$0x9];
	[sflag:s4] =	ssyncadd.s32 $0xFFFFD800  }
0x155: {  	[hbm4b:s24+s3] =	stream.linear.scatter [tilespmem:s30], [sflag:$0x6], $0x2800, $0x38;
	[tilespmem:$0xF500] =	vst v63  }
0x156: {  	_ =	swait.ge [sflag:s12], $0x2800  }
0x157: {  	[sflag:s12] =	ssyncset.done $0x0  }
0x158: {  	s15 =	rddreg [dreg:$0xa];
	[sflag:s12] =	ssyncadd.s32 $0xFFFFD800  }
0x159: {  	[tilespmem:s29], [sflag:$0x6] =	stream.linear.gather [hbm4b:s15+s3], $0x50, $0x38;
	[tilespmem:$0xF500] =	vst v63  }
0x15a: {  	_ =	swait.ge [sflag:s12], $0x50  }
0x15b: {  	[sflag:s12] =	ssyncset.done $0x0  }
0x15c: {  	[sflag:s12] =	ssyncadd.s32 $0xFFFFFFB0  }
0x15d: {  	[tilespmem:s30], [sflag:$0x5] =	stream.indirect.gather [hbm4b:s1+s28], $0x80, s29, s28, $0xb8;
	[tilespmem:$0xF500] =	vst v63  }
0x15e: {  	_ =	swait.ge [sflag:s4], $0x2800  }
0x15f: {  	[sflag:s4] =	ssyncset.done $0x0  }
0x160: {  	s16 =	rddreg [dreg:$0xb];
	[sflag:s4] =	ssyncadd.s32 $0xFFFFD800  }
0x161: {  	[hbm4b:s16+s3] =	stream.linear.scatter [tilespmem:s30], [sflag:$0x6], $0x2800, $0x38;
	[tilespmem:$0xF500] =	vst v63  }
0x162: {  	_ =	swait.ge [sflag:s12], $0x2800  }
0x163: {  	[sflag:s12] =	ssyncset.done $0x0  }
0x164: {  	s17 =	rddreg [dreg:$0xc];
	[sflag:s12] =	ssyncadd.s32 $0xFFFFD800  }
0x165: {  	[tilespmem:s29], [sflag:$0x6] =	stream.linear.gather [hbm4b:s17+s3], $0x50, $0x38;
	[tilespmem:$0xF500] =	vst v63  }
0x166: {  	_ =	swait.ge [sflag:s12], $0x50  }
0x167: {  	[sflag:s12] =	ssyncset.done $0x0  }
0x168: {  	[sflag:s12] =	ssyncadd.s32 $0xFFFFFFB0  }
0x169: {  	[tilespmem:s30], [sflag:$0x5] =	stream.indirect.gather [hbm4b:s1+s28], $0x80, s29, s28, $0xb8;
	[tilespmem:$0xF500] =	vst v63  }
0x16a: {  	_ =	swait.ge [sflag:s4], $0x2800  }
0x16b: {  	[sflag:s4] =	ssyncset.done $0x0  }
0x16c: {  	s20 =	rddreg [dreg:$0xd];
	[sflag:s4] =	ssyncadd.s32 $0xFFFFD800  }
0x16d: {  	[hbm4b:s20+s3] =	stream.linear.scatter [tilespmem:s30], [sflag:$0x6], $0x2800, $0x38;
	[tilespmem:$0xF500] =	vst v63  }
0x16e: {  	_ =	swait.ge [sflag:s12], $0x2800  }
0x16f: {  	[sflag:s12] =	ssyncset.done $0x0  }
0x170: {  	s21 =	rddreg [dreg:$0xe];
	[sflag:s12] =	ssyncadd.s32 $0xFFFFD800  }
0x171: {  	[tilespmem:s29], [sflag:$0x6] =	stream.linear.gather [hbm4b:s21+s3], $0x50, $0x38;
	[tilespmem:$0xF500] =	vst v63  }
0x172: {  	_ =	swait.ge [sflag:s12], $0x50  }
0x173: {  	[sflag:s12] =	ssyncset.done $0x0  }
0x174: {  	[sflag:s12] =	ssyncadd.s32 $0xFFFFFFB0  }
0x175: {  	[tilespmem:s30], [sflag:$0x5] =	stream.indirect.gather [hbm4b:s1+s28], $0x80, s29, s28, $0xb8;
	[tilespmem:$0xF500] =	vst v63  }
0x176: {  	_ =	swait.ge [sflag:s4], $0x2800  }
0x177: {  	[sflag:s4] =	ssyncset.done $0x0  }
0x178: {  	s22 =	rddreg [dreg:$0xf];
	[sflag:s4] =	ssyncadd.s32 $0xFFFFD800  }
0x179: {  	[hbm4b:s22+s3] =	stream.linear.scatter [tilespmem:s30], [sflag:$0x6], $0x2800, $0x38;
	[tilespmem:$0xF500] =	vst v63  }
0x17a: {  	_ =	swait.ge [sflag:s12], $0x2800  }
0x17b: {  	[sflag:s12] =	ssyncset.done $0x0  }
0x17c: {  	s23 =	rddreg [dreg:$0x10];
	[sflag:s12] =	ssyncadd.s32 $0xFFFFD800  }
0x17d: {  	[tilespmem:s29], [sflag:$0x6] =	stream.linear.gather [hbm4b:s23+s3], $0x50, $0x38;
	[tilespmem:$0xF500] =	vst v63  }
0x17e: {  	_ =	swait.ge [sflag:s12], $0x50  }
0x17f: {  	[sflag:s12] =	ssyncset.done $0x0  }
0x180: {  	[sflag:s12] =	ssyncadd.s32 $0xFFFFFFB0  }
0x181: {  	[tilespmem:s30], [sflag:$0x5] =	stream.indirect.gather [hbm4b:s1+s28], $0x80, s29, s28, $0xb8;
	[tilespmem:$0xF500] =	vst v63  }
0x182: {  	_ =	swait.ge [sflag:s4], $0x2800  }
0x183: {  	[sflag:s4] =	ssyncset.done $0x0  }
.Ltmp4:
0x184: {  	s24 =	rddreg [dreg:$0x11];
	[sflag:s4] =	ssyncadd.s32 $0xFFFFD800;
	(pc) =	sbr.rel .LBB2_5-.Ltmp4, $4  }
0x185: {  	[hbm4b:s24+s3] =	stream.linear.scatter [tilespmem:s30], [sflag:$0x6], $0x2800, $0x38;
	[tilespmem:$0xF500] =	vst v63  }
0x186: {  	_ =	swait.ge [sflag:s12], $0x2800  }
0x187: {  	[sflag:s12] =	ssyncset.done $0x0  }
0x188: {  	[sflag:s12] =	ssyncadd.s32 $0xFFFFD800  }
.LBB2_6:
0x189: {  	_ =	sfence.sel $0x180000  }
0x18a: {  	[bflag:$0x0] =	sbarrier.arrive $0xFFFF  }
0x18b: {  	_ =	strace $0x90000047  }
0x18c: {  	s0 =	stileid.u32;
	[bflag:$0x2] =	sbarrier.arrive $0xFFFF  }
0x18d: {  	p0 =	sne.s32 s0, $0x0;
	s0 =	rddreg [dreg:$0x3]  }
0x18e: {  	s0 =	sadd.s32 @!p0 $0x100000, s0  }
0x18f: {  	[sflag:s0] =	ssyncadd.tile.s32 @!p0 $0x1;
	_ =	shalt  }
.Lfunc_end2:
_tile_overlayer_lowered:
.L_overlay_start_2:
0x190: {  	(tag) =	ssettag $0x2  }
0x191: {  	s0 =	rddreg [dreg:$0x0];
	s2 =	stileid.u32  }
0x192: {  	s1 =	rddreg [dreg:$0x1];
	p0 =	sne.s32 s2, $0x0  }
0x193: {  	s3 =	rddreg [dreg:$0x2];
	[bflag:$0x3] =	sbarrier.arrive $0xFFFF;
	s2 =	simm.s32 @!p0 $0x1C06  }
0x194: {  	[timem:s3], [sflag:s2] =	dma.local @!p0 [hbm:s0], s1  }
0x195: {  	s0 =	simm.s32 @!p0 $0x6  }
0x196: {  	_ =	swait.ge @!p0 [sflag:s0], s1  }
0x197: {  	s1 =	ssub.s32 @!p0 $0x0, s1;
	[sflag:s0] =	ssyncset.done @!p0 $0x0  }
0x198: {  	[sflag:s0] =	ssyncadd.s32 @!p0 s1  }
0x199: {  	[bflag:$0x3] =	sbarrier.arrive $0xFFFF  }
0x19a: {  	_ =	shalt  }

</sc_bundles>
